<compile_context>
chip_gen: v7x
topology: tpu7x:2x2x1
jax: 0.10.2.dev20260603
libtpu: 0.0.44.dev20260713+nightly
codegen_flags: <defaults>
</compile_context>

<pallas_src>
import functools

import jax
import jax.numpy as jnp
from jax import lax
from jax.experimental import pallas as pl
from jax.experimental.pallas import tpu as pltpu
from jax.experimental.pallas import tpu_sc as plsc

F = 128
N = 10000
E = 320000
G = 256
N_PAD = 10240
DUMMY = 10000
CHUNK = 128
NC, NS = 2, 16
NW = NC * NS
CW = 80
CW_STRIDE = CW + 2
E_PAD = NW * CW * CHUNK
E_LAYOUT = NW * CW_STRIDE * CHUNK
ROWS_PER_TILE = N_PAD // NS

_f32 = jnp.float32



def _sc_scatter(m_pad, src, dst, ztile):
    out_t = jax.ShapeDtypeStruct((N_PAD, F), _f32)
    mesh = plsc.VectorSubcoreMesh(core_axis_name="c", subcore_axis_name="s")

    @functools.partial(
        pl.kernel,
        out_type=(out_t, out_t),
        mesh=mesh,
        scratch_types=[
            pltpu.VMEM((CHUNK,), jnp.int32),
            pltpu.VMEM((CHUNK,), jnp.int32),
            pltpu.VMEM((CHUNK,), jnp.int32),
            pltpu.VMEM((CHUNK,), jnp.int32),
            pltpu.VMEM((CHUNK, F), _f32),
            pltpu.VMEM((CHUNK, F), _f32),
            pltpu.VMEM_SHARED((N_PAD, F), _f32),
            pltpu.SemaphoreType.DMA,
            pltpu.SemaphoreType.DMA,
            pltpu.SemaphoreType.DMA,
        ],
    )
    def k(m_hbm, src_hbm, dst_hbm, z_hbm, out0, out1,
          sidx0, didx0, sidx1, didx1, rows0, rows1, acc, semG0, semG1, semI):
        core = lax.axis_index("c")
        sid = lax.axis_index("s")
        w = core * NS + sid
        my_rows = pl.ds(sid * ROWS_PER_TILE, ROWS_PER_TILE)
        eb = w * CW_STRIDE * CHUNK

        pltpu.sync_copy(src_hbm.at[pl.ds(eb, CHUNK)], sidx0)
        pltpu.sync_copy(dst_hbm.at[pl.ds(eb, CHUNK)], didx0)
        pltpu.async_copy(src_hbm.at[pl.ds(eb + CHUNK, CHUNK)], sidx1, semI)
        pltpu.async_copy(dst_hbm.at[pl.ds(eb + CHUNK, CHUNK)], didx1, semI)
        pltpu.sync_copy(z_hbm.at[my_rows], acc.at[my_rows])
        plsc.subcore_barrier()
        pltpu.async_copy(m_hbm.at[sidx0], rows0, semG0)

        def half(q, sA, dA, rA, gA, sB, dB, rB, gB):
            nxt1 = eb + (q + 1) * CHUNK
            pltpu.make_async_copy(src_hbm.at[pl.ds(nxt1, CHUNK)], sB, semI).wait()
            pltpu.make_async_copy(dst_hbm.at[pl.ds(nxt1, CHUNK)], dB, semI).wait()
            pltpu.async_copy(m_hbm.at[sB], rB, gB)
            pltpu.make_async_copy(m_hbm.at[sA], rA, gA).wait()
            pltpu.sync_copy(rA, acc.at[dA], add=True)
            nxt2 = eb + (q + 2) * CHUNK
            pltpu.async_copy(src_hbm.at[pl.ds(nxt2, CHUNK)], sA, semI)
            pltpu.async_copy(dst_hbm.at[pl.ds(nxt2, CHUNK)], dA, semI)

        @pl.loop(0, CW, step=2)
        def _(j):
            half(j, sidx0, didx0, rows0, semG0, sidx1, didx1, rows1, semG1)
            half(j + 1, sidx1, didx1, rows1, semG1, sidx0, didx0, rows0, semG0)

        pltpu.make_async_copy(m_hbm.at[sidx0], rows0, semG0).wait()
        pltpu.make_async_copy(src_hbm.at[pl.ds(eb, CHUNK)], sidx1, semI).wait()
        pltpu.make_async_copy(dst_hbm.at[pl.ds(eb, CHUNK)], didx1, semI).wait()

        plsc.subcore_barrier()

        @pl.when(core == 0)
        def _():
            pltpu.sync_copy(acc.at[my_rows], out0.at[my_rows])

        @pl.when(core == 1)
        def _():
            pltpu.sync_copy(acc.at[my_rows], out1.at[my_rows])

    return k(m_pad, src, dst, ztile)



def _mm_body(x_ref, w_ref, o_ref):
    o_ref[...] = jnp.dot(x_ref[...], w_ref[...], preferred_element_type=_f32)


def _mm(x, w):
    return pl.pallas_call(
        _mm_body,
        out_shape=jax.ShapeDtypeStruct((x.shape[0], w.shape[1]), _f32),
    )(x, w)


def _fused_body(a0_ref, a1_ref, m_ref, w_ref, o_ref):
    h = jnp.maximum(a0_ref[...] + a1_ref[...] + m_ref[...], 0.0)
    o_ref[...] = jnp.dot(h, w_ref[...], preferred_element_type=_f32)


def _fused(a0, a1, m, w):
    return pl.pallas_call(
        _fused_body,
        out_shape=jax.ShapeDtypeStruct((m.shape[0], w.shape[1]), _f32),
    )(a0, a1, m, w)


def _pool_body(a0_ref, a1_ref, m_ref, b_ref, o_ref):
    h = jnp.maximum(a0_ref[...] + a1_ref[...] + m_ref[...], 0.0)
    seg = b_ref[...]
    gi = lax.broadcasted_iota(jnp.int32, (G, N_PAD), 0)
    p = (gi == seg).astype(_f32)
    sums = jnp.dot(p, h, preferred_element_type=_f32)
    counts = jnp.sum(p, axis=1, keepdims=True)
    o_ref[...] = sums / jnp.maximum(counts, 1.0)


def _pool(a0, a1, m, batch2d):
    return pl.pallas_call(
        _pool_body,
        out_shape=jax.ShapeDtypeStruct((G, F), _f32),
    )(a0, a1, m, batch2d)


def _cls_body(h1_ref, h2_ref, w1_ref, b1_ref, w2_ref, b2_ref, w3_ref, b3_ref, o_ref):
    hp = jnp.concatenate([h1_ref[...], h2_ref[...]], axis=1)
    z = jnp.maximum(jnp.dot(hp, w1_ref[...], preferred_element_type=_f32) + b1_ref[...], 0.0)
    z = jnp.maximum(jnp.dot(z, w2_ref[...], preferred_element_type=_f32) + b2_ref[...], 0.0)
    o_ref[...] = jnp.dot(z, w3_ref[...], preferred_element_type=_f32) + b3_ref[...]


def _classifier(h1m, h2m, w1, b1, w2, b2, w3, b3):
    return pl.pallas_call(
        _cls_body,
        out_shape=jax.ShapeDtypeStruct((G, w3.shape[1]), _f32),
    )(h1m, h2m, w1, b1.reshape(1, -1), w2, b2.reshape(1, -1), w3, b3.reshape(1, -1))



def _prep_edges(edge_index):
    e = edge_index.astype(jnp.int32)
    pad = E_PAD - e.shape[1]

    def lay_out(real, fill_base, fill_mod):
        f1 = jnp.arange(pad, dtype=jnp.int32)
        v = jnp.concatenate([real, fill_base + f1 % fill_mod])
        v = v.reshape(NW, CW * CHUNK)
        f2 = jnp.arange(NW * (CW_STRIDE - CW) * CHUNK, dtype=jnp.int32)
        ex = (fill_base + f2 % fill_mod).reshape(NW, (CW_STRIDE - CW) * CHUNK)
        return jnp.concatenate([v, ex], axis=1).reshape(E_LAYOUT)

    src = lay_out(e[0], DUMMY, N_PAD - DUMMY)
    dst = lay_out(e[1], 0, N_PAD)
    return src, dst


def kernel(drug1_x, drug1_edge_index, drug1_batch,
           drug2_x, drug2_edge_index, drug2_batch,
           enc_W0, enc_W1, enc_W2,
           cls_W1, cls_b1, cls_W2, cls_b2, cls_W3, cls_b3):
    ztile = jnp.zeros((N_PAD, F), _f32)
    Ws = (enc_W0, enc_W1, enc_W2)

    def encode(x, edge_index, batch):
        x_pad = jnp.pad(x, ((0, N_PAD - N), (0, 0)))
        src, dst = _prep_edges(edge_index)
        batch2d = jnp.pad(batch.astype(jnp.int32), (0, N_PAD - N),
                          constant_values=300).reshape(1, N_PAD)
        m = _mm(x_pad, Ws[0])
        for li in (1, 2):
            a0, a1 = _sc_scatter(m, src, dst, ztile)
            m = _fused(a0, a1, m, Ws[li])
        a0, a1 = _sc_scatter(m, src, dst, ztile)
        return _pool(a0, a1, m, batch2d)

    h1m = encode(drug1_x, drug1_edge_index, drug1_batch)
    h2m = encode(drug2_x, drug2_edge_index, drug2_batch)
    return _classifier(h1m, h2m, cls_W1, cls_b1, cls_W2, cls_b2, cls_W3, cls_b3)

# --- scband reference (transcript-rebuilt; emitter-appended) ---
"""Pipeline reference for scband-siamese-ddi-71734543777915 (READ-ONLY COPY).

The authoritative reference and input builder live on the scoring server;
editing this copy changes nothing except your own understanding.
"""

import jax, jax.numpy as jnp
import numpy as np

NUM_GRAPHS = 256
N_NODES = 10000
N_EDGES = 320000
F_IN = 128
HID = 128
NUM_CLASSES = 86


def setup_inputs(seed: int = 0) -> dict:
    key = jax.random.key(seed)
    ks = jax.random.split(key, 16)
    drug1_x = jax.random.normal(ks[0], (N_NODES, F_IN), dtype=jnp.float32)
    drug1_edge_index = jax.random.randint(ks[1], (2, N_EDGES), 0, N_NODES, dtype=jnp.int64)
    drug1_batch = jnp.sort(jax.random.randint(ks[2], (N_NODES,), 0, NUM_GRAPHS, dtype=jnp.int64))
    drug2_x = jax.random.normal(ks[3], (N_NODES, F_IN), dtype=jnp.float32)
    drug2_edge_index = jax.random.randint(ks[4], (2, N_EDGES), 0, N_NODES, dtype=jnp.int64)
    drug2_batch = jnp.sort(jax.random.randint(ks[5], (N_NODES,), 0, NUM_GRAPHS, dtype=jnp.int64))
    # shared encoder weights (3 GCN-style layers)
    enc_W0 = jax.random.normal(ks[6], (F_IN, HID), dtype=jnp.float32) * 0.05
    enc_W1 = jax.random.normal(ks[7], (HID, HID), dtype=jnp.float32) * 0.05
    enc_W2 = jax.random.normal(ks[8], (HID, HID), dtype=jnp.float32) * 0.05
    # classifier: concat -> 2*HID input
    cls_W1 = jax.random.normal(ks[9], (2 * HID, HID), dtype=jnp.float32) * 0.05
    cls_b1 = jnp.zeros((HID,), dtype=jnp.float32)
    cls_W2 = jax.random.normal(ks[10], (HID, HID // 2), dtype=jnp.float32) * 0.05
    cls_b2 = jnp.zeros((HID // 2,), dtype=jnp.float32)
    cls_W3 = jax.random.normal(ks[11], (HID // 2, NUM_CLASSES), dtype=jnp.float32) * 0.05
    cls_b3 = jnp.zeros((NUM_CLASSES,), dtype=jnp.float32)
    return {
        'drug1_x': drug1_x, 'drug1_edge_index': drug1_edge_index, 'drug1_batch': drug1_batch,
        'drug2_x': drug2_x, 'drug2_edge_index': drug2_edge_index, 'drug2_batch': drug2_batch,
        'enc_W0': enc_W0, 'enc_W1': enc_W1, 'enc_W2': enc_W2,
        'cls_W1': cls_W1, 'cls_b1': cls_b1, 'cls_W2': cls_W2, 'cls_b2': cls_b2,
        'cls_W3': cls_W3, 'cls_b3': cls_b3,
    }


def _encode(x, edge_index, batch, Ws):
    # shared GNN encoder: per layer transform + scatter-add message passing + ReLU,
    # then global mean pooling over the molecule batch vector.
    src = edge_index[0]
    dst = edge_index[1]
    h = x
    for W in Ws:
        m = h @ W
        agg = jnp.zeros_like(m).at[dst].add(m[src])
        h = jax.nn.relu(agg + m)
    sums = jax.ops.segment_sum(h, batch, num_segments=NUM_GRAPHS)
    counts = jax.ops.segment_sum(jnp.ones((h.shape[0], 1), dtype=h.dtype), batch, num_segments=NUM_GRAPHS)
    return sums / jnp.clip(counts, 1.0)


def reference(drug1_x, drug1_edge_index, drug1_batch,
              drug2_x, drug2_edge_index, drug2_batch,
              enc_W0, enc_W1, enc_W2,
              cls_W1, cls_b1, cls_W2, cls_b2, cls_W3, cls_b3):
    Ws = [enc_W0, enc_W1, enc_W2]
    h1 = _encode(drug1_x, drug1_edge_index, drug1_batch, Ws)
    h2 = _encode(drug2_x, drug2_edge_index, drug2_batch, Ws)
    h_pair = jnp.concatenate([h1, h2], axis=1)  # combination == 'concat'
    z = jax.nn.relu(h_pair @ cls_W1 + cls_b1)   # dropout = identity in eval
    z = jax.nn.relu(z @ cls_W2 + cls_b2)
    logits = z @ cls_W3 + cls_b3
    return logits

if __name__ == "__main__":
    import jax
    _d = setup_inputs()
    print(jax.jit(kernel)(*tuple(_d.values())))

</pallas_src>

<mosaic_0001>
#map = affine_map<(d0, d1) -> (0, 0)>
#map1 = affine_map<(d0, d1) -> (0)>
module attributes {stable_mosaic.version = 14 : i64} {
  func.func @k(%arg0: i32, %arg1: i32, %arg2: memref<10240x128xf32, #tpu.memory_space<hbm>>, %arg3: memref<335872xi32, #tpu.memory_space<hbm>>, %arg4: memref<335872xi32, #tpu.memory_space<hbm>>, %arg5: memref<10240x128xf32, #tpu.memory_space<hbm>>, %arg6: memref<10240x128xf32, #tpu.memory_space<hbm>>, %arg7: memref<10240x128xf32, #tpu.memory_space<hbm>>, %arg8: memref<128xi32, #tpu.memory_space<vmem>>, %arg9: memref<128xi32, #tpu.memory_space<vmem>>, %arg10: memref<128xi32, #tpu.memory_space<vmem>>, %arg11: memref<128xi32, #tpu.memory_space<vmem>>, %arg12: memref<128x128xf32, #tpu.memory_space<vmem>>, %arg13: memref<128x128xf32, #tpu.memory_space<vmem>>, %arg14: memref<10240x128xf32, #tpu.memory_space<vmem_shared>>, %arg15: memref<!tpu.dma_semaphore, #tpu.memory_space<semaphore_mem>>, %arg16: memref<!tpu.dma_semaphore, #tpu.memory_space<semaphore_mem>>, %arg17: memref<!tpu.dma_semaphore, #tpu.memory_space<semaphore_mem>>) attributes {dimension_semantics = [#tpu.dimension_semantics<core_parallel>, #tpu.dimension_semantics<subcore_parallel>], iteration_bounds = array<i64: 2, 16>, scalar_prefetch = 0 : i64, scratch_operands = 10 : i64, tpu.core_type = #tpu.core_type<sc_vector_subcore>, window_params = [{transform_indices = #map}, {transform_indices = #map1}, {transform_indices = #map1}, {transform_indices = #map}, {transform_indices = #map}, {transform_indices = #map}]} {
    %mul3A = arith.constant 16 : i32
    %mul3A_0 = arith.muli %arg0, %mul3A : i32
    %add3A = arith.addi %mul3A_0, %arg1 : i32
    %mul3A_1 = arith.constant 640 : i32
    %mul3A_2 = arith.muli %arg1, %mul3A_1 : i32
    %mul3A_3 = arith.constant 82 : i32
    %mul3A_4 = arith.muli %add3A, %mul3A_3 : i32
    %mul3A_5 = arith.constant 128 : i32
    %mul3A_6 = arith.muli %mul3A_4, %mul3A_5 : i32
    "tpu.region"() ({
      %run_scoped3A = tpu.sem_alloc : memref<!tpu.dma_semaphore, #tpu.memory_space<semaphore_mem>>
      %dma_start3A_35 = tpu.memref_slice %arg3[%mul3A_6] : memref<335872xi32, #tpu.memory_space<hbm>> -> memref<128xi32, #tpu.memory_space<hbm>>
      %dma_start3A_36 = tpu.memref_slice %arg3[%mul3A_6] : memref<335872xi32, #tpu.memory_space<hbm>> -> memref<128xi32, #tpu.memory_space<hbm>>
      tpu.enqueue_dma source(%dma_start3A_36 : memref<128xi32, #tpu.memory_space<hbm>>) target(%arg8 : memref<128xi32, #tpu.memory_space<vmem>>) target_semaphore(%run_scoped3A : memref<!tpu.dma_semaphore, #tpu.memory_space<semaphore_mem>>)
      %dma_wait3A_37 = tpu.memref_slice %arg3[%mul3A_6] : memref<335872xi32, #tpu.memory_space<hbm>> -> memref<128xi32, #tpu.memory_space<hbm>>
      %dma_wait3A_38 = tpu.memref_slice %arg3[%mul3A_6] : memref<335872xi32, #tpu.memory_space<hbm>> -> memref<128xi32, #tpu.memory_space<hbm>>
      tpu.wait_dma2 semaphore(%run_scoped3A : memref<!tpu.dma_semaphore, #tpu.memory_space<semaphore_mem>>) src(%dma_wait3A_38 : memref<128xi32, #tpu.memory_space<hbm>>) dst(%arg8 : memref<128xi32, #tpu.memory_space<vmem>>)
      tpu.yield
    }) : () -> ()
    "tpu.region"() ({
      %run_scoped3A = tpu.sem_alloc : memref<!tpu.dma_semaphore, #tpu.memory_space<semaphore_mem>>
      %dma_start3A_35 = tpu.memref_slice %arg4[%mul3A_6] : memref<335872xi32, #tpu.memory_space<hbm>> -> memref<128xi32, #tpu.memory_space<hbm>>
      %dma_start3A_36 = tpu.memref_slice %arg4[%mul3A_6] : memref<335872xi32, #tpu.memory_space<hbm>> -> memref<128xi32, #tpu.memory_space<hbm>>
      tpu.enqueue_dma source(%dma_start3A_36 : memref<128xi32, #tpu.memory_space<hbm>>) target(%arg9 : memref<128xi32, #tpu.memory_space<vmem>>) target_semaphore(%run_scoped3A : memref<!tpu.dma_semaphore, #tpu.memory_space<semaphore_mem>>)
      %dma_wait3A_37 = tpu.memref_slice %arg4[%mul3A_6] : memref<335872xi32, #tpu.memory_space<hbm>> -> memref<128xi32, #tpu.memory_space<hbm>>
      %dma_wait3A_38 = tpu.memref_slice %arg4[%mul3A_6] : memref<335872xi32, #tpu.memory_space<hbm>> -> memref<128xi32, #tpu.memory_space<hbm>>
      tpu.wait_dma2 semaphore(%run_scoped3A : memref<!tpu.dma_semaphore, #tpu.memory_space<semaphore_mem>>) src(%dma_wait3A_38 : memref<128xi32, #tpu.memory_space<hbm>>) dst(%arg9 : memref<128xi32, #tpu.memory_space<vmem>>)
      tpu.yield
    }) : () -> ()
    %add3A_7 = arith.constant 128 : i32
    %add3A_8 = arith.addi %mul3A_6, %add3A_7 : i32
    %dma_start3A = tpu.memref_slice %arg3[%add3A_8] : memref<335872xi32, #tpu.memory_space<hbm>> -> memref<128xi32, #tpu.memory_space<hbm>>
    %dma_start3A_9 = tpu.memref_slice %arg3[%add3A_8] : memref<335872xi32, #tpu.memory_space<hbm>> -> memref<128xi32, #tpu.memory_space<hbm>>
    tpu.enqueue_dma source(%dma_start3A_9 : memref<128xi32, #tpu.memory_space<hbm>>) target(%arg10 : memref<128xi32, #tpu.memory_space<vmem>>) target_semaphore(%arg17 : memref<!tpu.dma_semaphore, #tpu.memory_space<semaphore_mem>>)
    %add3A_10 = arith.constant 128 : i32
    %add3A_11 = arith.addi %mul3A_6, %add3A_10 : i32
    %dma_start3A_12 = tpu.memref_slice %arg4[%add3A_11] : memref<335872xi32, #tpu.memory_space<hbm>> -> memref<128xi32, #tpu.memory_space<hbm>>
    %dma_start3A_13 = tpu.memref_slice %arg4[%add3A_11] : memref<335872xi32, #tpu.memory_space<hbm>> -> memref<128xi32, #tpu.memory_space<hbm>>
    tpu.enqueue_dma source(%dma_start3A_13 : memref<128xi32, #tpu.memory_space<hbm>>) target(%arg11 : memref<128xi32, #tpu.memory_space<vmem>>) target_semaphore(%arg17 : memref<!tpu.dma_semaphore, #tpu.memory_space<semaphore_mem>>)
    "tpu.region"() ({
      %run_scoped3A = tpu.sem_alloc : memref<!tpu.dma_semaphore, #tpu.memory_space<semaphore_mem>>
      %dma_start3A_35 = arith.constant 0 : i32
      %dma_start3A_36 = tpu.memref_slice %arg14[%mul3A_2, %dma_start3A_35] : memref<10240x128xf32, #tpu.memory_space<vmem_shared>> -> memref<640x128xf32, #tpu.memory_space<vmem_shared>>
      %dma_start3A_37 = arith.constant 0 : i32
      %dma_start3A_38 = tpu.memref_slice %arg5[%mul3A_2, %dma_start3A_37] : memref<10240x128xf32, #tpu.memory_space<hbm>> -> memref<640x128xf32, #tpu.memory_space<hbm>>
      tpu.enqueue_dma source(%dma_start3A_38 : memref<640x128xf32, #tpu.memory_space<hbm>>) target(%dma_start3A_36 : memref<640x128xf32, #tpu.memory_space<vmem_shared>>) target_semaphore(%run_scoped3A : memref<!tpu.dma_semaphore, #tpu.memory_space<semaphore_mem>>)
      %dma_wait3A_39 = arith.constant 0 : i32
      %dma_wait3A_40 = tpu.memref_slice %arg14[%mul3A_2, %dma_wait3A_39] : memref<10240x128xf32, #tpu.memory_space<vmem_shared>> -> memref<640x128xf32, #tpu.memory_space<vmem_shared>>
      %dma_wait3A_41 = arith.constant 0 : i32
      %dma_wait3A_42 = tpu.memref_slice %arg5[%mul3A_2, %dma_wait3A_41] : memref<10240x128xf32, #tpu.memory_space<hbm>> -> memref<640x128xf32, #tpu.memory_space<hbm>>
      tpu.wait_dma2 semaphore(%run_scoped3A : memref<!tpu.dma_semaphore, #tpu.memory_space<semaphore_mem>>) src(%dma_wait3A_42 : memref<640x128xf32, #tpu.memory_space<hbm>>) dst(%dma_wait3A_40 : memref<640x128xf32, #tpu.memory_space<vmem_shared>>)
      tpu.yield
    }) : () -> ()
    %barrier3A = arith.constant 0 : index
    tpu.barrier barrier_id(%barrier3A)
    %dma_start3A_14 = arith.constant 0 : i32
    %dma_start3A_15 = arith.constant 0 : i32
    %dma_start3A_16 = tpu.memref_slice %arg2[%dma_start3A_14, %dma_start3A_15] : memref<10240x128xf32, #tpu.memory_space<hbm>> -> memref<10240x128xf32, #tpu.memory_space<hbm>>
    tpu.enqueue_indirect_dma source(%dma_start3A_16 : memref<10240x128xf32, #tpu.memory_space<hbm>>) target(%arg12 : memref<128x128xf32, #tpu.memory_space<vmem>>) offsets(%arg8 : memref<128xi32, #tpu.memory_space<vmem>>) semaphore(%arg15 : memref<!tpu.dma_semaphore, #tpu.memory_space<semaphore_mem>>)
    %scan3A = arith.constant 0 : i32
    %scan3A_17 = arith.constant 40 : i32
    %scan3A_18 = arith.addi %scan3A, %scan3A_17 : i32
    %scan3A_19 = arith.constant 1 : i32
    scf.for %scan3A_35 = %scan3A to %scan3A_18 step %scan3A_19  : i32 {
      %mul3A_36 = arith.constant 2 : i32
      %mul3A_37 = arith.muli %scan3A_35, %mul3A_36 : i32
      %add3A_38 = arith.constant 0 : i32
      %add3A_39 = arith.addi %add3A_38, %mul3A_37 : i32
      %add3A_40 = arith.constant 1 : i32
      %add3A_41 = arith.addi %add3A_39, %add3A_40 : i32
      %mul3A_42 = arith.constant 128 : i32
      %mul3A_43 = arith.muli %add3A_41, %mul3A_42 : i32
      %add3A_44 = arith.addi %mul3A_6, %mul3A_43 : i32
      %dma_wait3A_45 = tpu.memref_slice %arg3[%add3A_44] : memref<335872xi32, #tpu.memory_space<hbm>> -> memref<128xi32, #tpu.memory_space<hbm>>
      %dma_wait3A_46 = tpu.memref_slice %arg3[%add3A_44] : memref<335872xi32, #tpu.memory_space<hbm>> -> memref<128xi32, #tpu.memory_space<hbm>>
      tpu.wait_dma2 semaphore(%arg17 : memref<!tpu.dma_semaphore, #tpu.memory_space<semaphore_mem>>) src(%dma_wait3A_46 : memref<128xi32, #tpu.memory_space<hbm>>) dst(%arg10 : memref<128xi32, #tpu.memory_space<vmem>>)
      %dma_wait3A_47 = tpu.memref_slice %arg4[%add3A_44] : memref<335872xi32, #tpu.memory_space<hbm>> -> memref<128xi32, #tpu.memory_space<hbm>>
      %dma_wait3A_48 = tpu.memref_slice %arg4[%add3A_44] : memref<335872xi32, #tpu.memory_space<hbm>> -> memref<128xi32, #tpu.memory_space<hbm>>
      tpu.wait_dma2 semaphore(%arg17 : memref<!tpu.dma_semaphore, #tpu.memory_space<semaphore_mem>>) src(%dma_wait3A_48 : memref<128xi32, #tpu.memory_space<hbm>>) dst(%arg11 : memref<128xi32, #tpu.memory_space<vmem>>)
      %dma_start3A_49 = arith.constant 0 : i32
      %dma_start3A_50 = arith.constant 0 : i32
      %dma_start3A_51 = tpu.memref_slice %arg2[%dma_start3A_49, %dma_start3A_50] : memref<10240x128xf32, #tpu.memory_space<hbm>> -> memref<10240x128xf32, #tpu.memory_space<hbm>>
      tpu.enqueue_indirect_dma source(%dma_start3A_51 : memref<10240x128xf32, #tpu.memory_space<hbm>>) target(%arg13 : memref<128x128xf32, #tpu.memory_space<vmem>>) offsets(%arg10 : memref<128xi32, #tpu.memory_space<vmem>>) semaphore(%arg16 : memref<!tpu.dma_semaphore, #tpu.memory_space<semaphore_mem>>)
      %dma_wait3A_52 = arith.constant 0 : i32
      %dma_wait3A_53 = arith.constant 0 : i32
      %dma_wait3A_54 = tpu.memref_slice %arg2[%dma_wait3A_52, %dma_wait3A_53] : memref<10240x128xf32, #tpu.memory_space<hbm>> -> memref<10240x128xf32, #tpu.memory_space<hbm>>
      tpu.wait_indirect_dma semaphore(%arg15 : memref<!tpu.dma_semaphore, #tpu.memory_space<semaphore_mem>>) src(%dma_wait3A_54 : memref<10240x128xf32, #tpu.memory_space<hbm>>) dst(%arg12 : memref<128x128xf32, #tpu.memory_space<vmem>>)
      "tpu.region"() ({
        %run_scoped3A = tpu.sem_alloc : memref<!tpu.dma_semaphore, #tpu.memory_space<semaphore_mem>>
        %dma_start3A_90 = arith.constant 0 : i32
        %dma_start3A_91 = arith.constant 0 : i32
        %dma_start3A_92 = tpu.memref_slice %arg14[%dma_start3A_90, %dma_start3A_91] : memref<10240x128xf32, #tpu.memory_space<vmem_shared>> -> memref<10240x128xf32, #tpu.memory_space<vmem_shared>>
        tpu.enqueue_indirect_dma source(%arg12 : memref<128x128xf32, #tpu.memory_space<vmem>>) target(%dma_start3A_92 : memref<10240x128xf32, #tpu.memory_space<vmem_shared>>) offsets(%arg9 : memref<128xi32, #tpu.memory_space<vmem>>) semaphore(%run_scoped3A : memref<!tpu.dma_semaphore, #tpu.memory_space<semaphore_mem>>) {add = true}
        %dma_wait3A_93 = arith.constant 0 : i32
        %dma_wait3A_94 = arith.constant 0 : i32
        %dma_wait3A_95 = tpu.memref_slice %arg14[%dma_wait3A_93, %dma_wait3A_94] : memref<10240x128xf32, #tpu.memory_space<vmem_shared>> -> memref<10240x128xf32, #tpu.memory_space<vmem_shared>>
        tpu.wait_indirect_dma semaphore(%run_scoped3A : memref<!tpu.dma_semaphore, #tpu.memory_space<semaphore_mem>>) src(%arg12 : memref<128x128xf32, #tpu.memory_space<vmem>>) dst(%dma_wait3A_95 : memref<10240x128xf32, #tpu.memory_space<vmem_shared>>)
        tpu.yield
      }) : () -> ()
      %add3A_55 = arith.constant 2 : i32
      %add3A_56 = arith.addi %add3A_39, %add3A_55 : i32
      %mul3A_57 = arith.constant 128 : i32
      %mul3A_58 = arith.muli %add3A_56, %mul3A_57 : i32
      %add3A_59 = arith.addi %mul3A_6, %mul3A_58 : i32
      %dma_start3A_60 = tpu.memref_slice %arg3[%add3A_59] : memref<335872xi32, #tpu.memory_space<hbm>> -> memref<128xi32, #tpu.memory_space<hbm>>
      %dma_start3A_61 = tpu.memref_slice %arg3[%add3A_59] : memref<335872xi32, #tpu.memory_space<hbm>> -> memref<128xi32, #tpu.memory_space<hbm>>
      tpu.enqueue_dma source(%dma_start3A_61 : memref<128xi32, #tpu.memory_space<hbm>>) target(%arg8 : memref<128xi32, #tpu.memory_space<vmem>>) target_semaphore(%arg17 : memref<!tpu.dma_semaphore, #tpu.memory_space<semaphore_mem>>)
      %dma_start3A_62 = tpu.memref_slice %arg4[%add3A_59] : memref<335872xi32, #tpu.memory_space<hbm>> -> memref<128xi32, #tpu.memory_space<hbm>>
      %dma_start3A_63 = tpu.memref_slice %arg4[%add3A_59] : memref<335872xi32, #tpu.memory_space<hbm>> -> memref<128xi32, #tpu.memory_space<hbm>>
      tpu.enqueue_dma source(%dma_start3A_63 : memref<128xi32, #tpu.memory_space<hbm>>) target(%arg9 : memref<128xi32, #tpu.memory_space<vmem>>) target_semaphore(%arg17 : memref<!tpu.dma_semaphore, #tpu.memory_space<semaphore_mem>>)
      %add3A_64 = arith.constant 1 : i32
      %add3A_65 = arith.addi %add3A_39, %add3A_64 : i32
      %add3A_66 = arith.constant 1 : i32
      %add3A_67 = arith.addi %add3A_65, %add3A_66 : i32
      %mul3A_68 = arith.constant 128 : i32
      %mul3A_69 = arith.muli %add3A_67, %mul3A_68 : i32
      %add3A_70 = arith.addi %mul3A_6, %mul3A_69 : i32
      %dma_wait3A_71 = tpu.memref_slice %arg3[%add3A_70] : memref<335872xi32, #tpu.memory_space<hbm>> -> memref<128xi32, #tpu.memory_space<hbm>>
      %dma_wait3A_72 = tpu.memref_slice %arg3[%add3A_70] : memref<335872xi32, #tpu.memory_space<hbm>> -> memref<128xi32, #tpu.memory_space<hbm>>
      tpu.wait_dma2 semaphore(%arg17 : memref<!tpu.dma_semaphore, #tpu.memory_space<semaphore_mem>>) src(%dma_wait3A_72 : memref<128xi32, #tpu.memory_space<hbm>>) dst(%arg8 : memref<128xi32, #tpu.memory_space<vmem>>)
      %dma_wait3A_73 = tpu.memref_slice %arg4[%add3A_70] : memref<335872xi32, #tpu.memory_space<hbm>> -> memref<128xi32, #tpu.memory_space<hbm>>
      %dma_wait3A_74 = tpu.memref_slice %arg4[%add3A_70] : memref<335872xi32, #tpu.memory_space<hbm>> -> memref<128xi32, #tpu.memory_space<hbm>>
      tpu.wait_dma2 semaphore(%arg17 : memref<!tpu.dma_semaphore, #tpu.memory_space<semaphore_mem>>) src(%dma_wait3A_74 : memref<128xi32, #tpu.memory_space<hbm>>) dst(%arg9 : memref<128xi32, #tpu.memory_space<vmem>>)
      %dma_start3A_75 = arith.constant 0 : i32
      %dma_start3A_76 = arith.constant 0 : i32
      %dma_start3A_77 = tpu.memref_slice %arg2[%dma_start3A_75, %dma_start3A_76] : memref<10240x128xf32, #tpu.memory_space<hbm>> -> memref<10240x128xf32, #tpu.memory_space<hbm>>
      tpu.enqueue_indirect_dma source(%dma_start3A_77 : memref<10240x128xf32, #tpu.memory_space<hbm>>) target(%arg12 : memref<128x128xf32, #tpu.memory_space<vmem>>) offsets(%arg8 : memref<128xi32, #tpu.memory_space<vmem>>) semaphore(%arg15 : memref<!tpu.dma_semaphore, #tpu.memory_space<semaphore_mem>>)
      %dma_wait3A_78 = arith.constant 0 : i32
      %dma_wait3A_79 = arith.constant 0 : i32
      %dma_wait3A_80 = tpu.memref_slice %arg2[%dma_wait3A_78, %dma_wait3A_79] : memref<10240x128xf32, #tpu.memory_space<hbm>> -> memref<10240x128xf32, #tpu.memory_space<hbm>>
      tpu.wait_indirect_dma semaphore(%arg16 : memref<!tpu.dma_semaphore, #tpu.memory_space<semaphore_mem>>) src(%dma_wait3A_80 : memref<10240x128xf32, #tpu.memory_space<hbm>>) dst(%arg13 : memref<128x128xf32, #tpu.memory_space<vmem>>)
      "tpu.region"() ({
        %run_scoped3A = tpu.sem_alloc : memref<!tpu.dma_semaphore, #tpu.memory_space<semaphore_mem>>
        %dma_start3A_90 = arith.constant 0 : i32
        %dma_start3A_91 = arith.constant 0 : i32
        %dma_start3A_92 = tpu.memref_slice %arg14[%dma_start3A_90, %dma_start3A_91] : memref<10240x128xf32, #tpu.memory_space<vmem_shared>> -> memref<10240x128xf32, #tpu.memory_space<vmem_shared>>
        tpu.enqueue_indirect_dma source(%arg13 : memref<128x128xf32, #tpu.memory_space<vmem>>) target(%dma_start3A_92 : memref<10240x128xf32, #tpu.memory_space<vmem_shared>>) offsets(%arg11 : memref<128xi32, #tpu.memory_space<vmem>>) semaphore(%run_scoped3A : memref<!tpu.dma_semaphore, #tpu.memory_space<semaphore_mem>>) {add = true}
        %dma_wait3A_93 = arith.constant 0 : i32
        %dma_wait3A_94 = arith.constant 0 : i32
        %dma_wait3A_95 = tpu.memref_slice %arg14[%dma_wait3A_93, %dma_wait3A_94] : memref<10240x128xf32, #tpu.memory_space<vmem_shared>> -> memref<10240x128xf32, #tpu.memory_space<vmem_shared>>
        tpu.wait_indirect_dma semaphore(%run_scoped3A : memref<!tpu.dma_semaphore, #tpu.memory_space<semaphore_mem>>) src(%arg13 : memref<128x128xf32, #tpu.memory_space<vmem>>) dst(%dma_wait3A_95 : memref<10240x128xf32, #tpu.memory_space<vmem_shared>>)
        tpu.yield
      }) : () -> ()
      %add3A_81 = arith.constant 2 : i32
      %add3A_82 = arith.addi %add3A_65, %add3A_81 : i32
      %mul3A_83 = arith.constant 128 : i32
      %mul3A_84 = arith.muli %add3A_82, %mul3A_83 : i32
      %add3A_85 = arith.addi %mul3A_6, %mul3A_84 : i32
      %dma_start3A_86 = tpu.memref_slice %arg3[%add3A_85] : memref<335872xi32, #tpu.memory_space<hbm>> -> memref<128xi32, #tpu.memory_space<hbm>>
      %dma_start3A_87 = tpu.memref_slice %arg3[%add3A_85] : memref<335872xi32, #tpu.memory_space<hbm>> -> memref<128xi32, #tpu.memory_space<hbm>>
      tpu.enqueue_dma source(%dma_start3A_87 : memref<128xi32, #tpu.memory_space<hbm>>) target(%arg10 : memref<128xi32, #tpu.memory_space<vmem>>) target_semaphore(%arg17 : memref<!tpu.dma_semaphore, #tpu.memory_space<semaphore_mem>>)
      %dma_start3A_88 = tpu.memref_slice %arg4[%add3A_85] : memref<335872xi32, #tpu.memory_space<hbm>> -> memref<128xi32, #tpu.memory_space<hbm>>
      %dma_start3A_89 = tpu.memref_slice %arg4[%add3A_85] : memref<335872xi32, #tpu.memory_space<hbm>> -> memref<128xi32, #tpu.memory_space<hbm>>
      tpu.enqueue_dma source(%dma_start3A_89 : memref<128xi32, #tpu.memory_space<hbm>>) target(%arg11 : memref<128xi32, #tpu.memory_space<vmem>>) target_semaphore(%arg17 : memref<!tpu.dma_semaphore, #tpu.memory_space<semaphore_mem>>)
    }
    %scan3A_20 = arith.constant 40 : i32
    %dma_wait3A = arith.constant 0 : i32
    %dma_wait3A_21 = arith.constant 0 : i32
    %dma_wait3A_22 = tpu.memref_slice %arg2[%dma_wait3A, %dma_wait3A_21] : memref<10240x128xf32, #tpu.memory_space<hbm>> -> memref<10240x128xf32, #tpu.memory_space<hbm>>
    tpu.wait_indirect_dma semaphore(%arg15 : memref<!tpu.dma_semaphore, #tpu.memory_space<semaphore_mem>>) src(%dma_wait3A_22 : memref<10240x128xf32, #tpu.memory_space<hbm>>) dst(%arg12 : memref<128x128xf32, #tpu.memory_space<vmem>>)
    %dma_wait3A_23 = tpu.memref_slice %arg3[%mul3A_6] : memref<335872xi32, #tpu.memory_space<hbm>> -> memref<128xi32, #tpu.memory_space<hbm>>
    %dma_wait3A_24 = tpu.memref_slice %arg3[%mul3A_6] : memref<335872xi32, #tpu.memory_space<hbm>> -> memref<128xi32, #tpu.memory_space<hbm>>
    tpu.wait_dma2 semaphore(%arg17 : memref<!tpu.dma_semaphore, #tpu.memory_space<semaphore_mem>>) src(%dma_wait3A_24 : memref<128xi32, #tpu.memory_space<hbm>>) dst(%arg10 : memref<128xi32, #tpu.memory_space<vmem>>)
    %dma_wait3A_25 = tpu.memref_slice %arg4[%mul3A_6] : memref<335872xi32, #tpu.memory_space<hbm>> -> memref<128xi32, #tpu.memory_space<hbm>>
    %dma_wait3A_26 = tpu.memref_slice %arg4[%mul3A_6] : memref<335872xi32, #tpu.memory_space<hbm>> -> memref<128xi32, #tpu.memory_space<hbm>>
    tpu.wait_dma2 semaphore(%arg17 : memref<!tpu.dma_semaphore, #tpu.memory_space<semaphore_mem>>) src(%dma_wait3A_26 : memref<128xi32, #tpu.memory_space<hbm>>) dst(%arg11 : memref<128xi32, #tpu.memory_space<vmem>>)
    %barrier3A_27 = arith.constant 0 : index
    tpu.barrier barrier_id(%barrier3A_27)
    %eq3A = arith.constant 0 : i32
    %eq3A_28 = arith.cmpi eq, %arg0, %eq3A : i32
    %convert_element_type3A = arith.extui %eq3A_28 : i1 to i32
    %cond3A = arith.constant 0 : i32
    %cond3A_29 = arith.cmpi ne, %convert_element_type3A, %cond3A : i32
    scf.if %cond3A_29 {
      "tpu.region"() ({
        %run_scoped3A = tpu.sem_alloc : memref<!tpu.dma_semaphore, #tpu.memory_space<semaphore_mem>>
        %dma_start3A_35 = arith.constant 0 : i32
        %dma_start3A_36 = tpu.memref_slice %arg6[%mul3A_2, %dma_start3A_35] : memref<10240x128xf32, #tpu.memory_space<hbm>> -> memref<640x128xf32, #tpu.memory_space<hbm>>
        %dma_start3A_37 = arith.constant 0 : i32
        %dma_start3A_38 = tpu.memref_slice %arg14[%mul3A_2, %dma_start3A_37] : memref<10240x128xf32, #tpu.memory_space<vmem_shared>> -> memref<640x128xf32, #tpu.memory_space<vmem_shared>>
        tpu.enqueue_dma source(%dma_start3A_38 : memref<640x128xf32, #tpu.memory_space<vmem_shared>>) target(%dma_start3A_36 : memref<640x128xf32, #tpu.memory_space<hbm>>) target_semaphore(%run_scoped3A : memref<!tpu.dma_semaphore, #tpu.memory_space<semaphore_mem>>)
        %dma_wait3A_39 = arith.constant 0 : i32
        %dma_wait3A_40 = tpu.memref_slice %arg6[%mul3A_2, %dma_wait3A_39] : memref<10240x128xf32, #tpu.memory_space<hbm>> -> memref<640x128xf32, #tpu.memory_space<hbm>>
        %dma_wait3A_41 = arith.constant 0 : i32
        %dma_wait3A_42 = tpu.memref_slice %arg14[%mul3A_2, %dma_wait3A_41] : memref<10240x128xf32, #tpu.memory_space<vmem_shared>> -> memref<640x128xf32, #tpu.memory_space<vmem_shared>>
        tpu.wait_dma2 semaphore(%run_scoped3A : memref<!tpu.dma_semaphore, #tpu.memory_space<semaphore_mem>>) src(%dma_wait3A_42 : memref<640x128xf32, #tpu.memory_space<vmem_shared>>) dst(%dma_wait3A_40 : memref<640x128xf32, #tpu.memory_space<hbm>>)
        tpu.yield
      }) : () -> ()
    } else {
    }
    %eq3A_30 = arith.constant 1 : i32
    %eq3A_31 = arith.cmpi eq, %arg0, %eq3A_30 : i32
    %convert_element_type3A_32 = arith.extui %eq3A_31 : i1 to i32
    %cond3A_33 = arith.constant 0 : i32
    %cond3A_34 = arith.cmpi ne, %convert_element_type3A_32, %cond3A_33 : i32
    scf.if %cond3A_34 {
      "tpu.region"() ({
        %run_scoped3A = tpu.sem_alloc : memref<!tpu.dma_semaphore, #tpu.memory_space<semaphore_mem>>
        %dma_start3A_35 = arith.constant 0 : i32
        %dma_start3A_36 = tpu.memref_slice %arg7[%mul3A_2, %dma_start3A_35] : memref<10240x128xf32, #tpu.memory_space<hbm>> -> memref<640x128xf32, #tpu.memory_space<hbm>>
        %dma_start3A_37 = arith.constant 0 : i32
        %dma_start3A_38 = tpu.memref_slice %arg14[%mul3A_2, %dma_start3A_37] : memref<10240x128xf32, #tpu.memory_space<vmem_shared>> -> memref<640x128xf32, #tpu.memory_space<vmem_shared>>
        tpu.enqueue_dma source(%dma_start3A_38 : memref<640x128xf32, #tpu.memory_space<vmem_shared>>) target(%dma_start3A_36 : memref<640x128xf32, #tpu.memory_space<hbm>>) target_semaphore(%run_scoped3A : memref<!tpu.dma_semaphore, #tpu.memory_space<semaphore_mem>>)
        %dma_wait3A_39 = arith.constant 0 : i32
        %dma_wait3A_40 = tpu.memref_slice %arg7[%mul3A_2, %dma_wait3A_39] : memref<10240x128xf32, #tpu.memory_space<hbm>> -> memref<640x128xf32, #tpu.memory_space<hbm>>
        %dma_wait3A_41 = arith.constant 0 : i32
        %dma_wait3A_42 = tpu.memref_slice %arg14[%mul3A_2, %dma_wait3A_41] : memref<10240x128xf32, #tpu.memory_space<vmem_shared>> -> memref<640x128xf32, #tpu.memory_space<vmem_shared>>
        tpu.wait_dma2 semaphore(%run_scoped3A : memref<!tpu.dma_semaphore, #tpu.memory_space<semaphore_mem>>) src(%dma_wait3A_42 : memref<640x128xf32, #tpu.memory_space<vmem_shared>>) dst(%dma_wait3A_40 : memref<640x128xf32, #tpu.memory_space<hbm>>)
        tpu.yield
      }) : () -> ()
    } else {
    }
    return
  }
}

#map = affine_map<(d0, d1) -> (0, 0)>
#map1 = affine_map<(d0, d1) -> (0)>
module attributes {stable_mosaic.version = 14 : i64} {
  func.func @k(%arg0: i32, %arg1: i32, %arg2: memref<10240x128xf32, #tpu.memory_space<hbm>>, %arg3: memref<335872xi32, #tpu.memory_space<hbm>>, %arg4: memref<335872xi32, #tpu.memory_space<hbm>>, %arg5: memref<10240x128xf32, #tpu.memory_space<hbm>>, %arg6: memref<10240x128xf32, #tpu.memory_space<hbm>>, %arg7: memref<10240x128xf32, #tpu.memory_space<hbm>>, %arg8: memref<128xi32, #tpu.memory_space<vmem>>, %arg9: memref<128xi32, #tpu.memory_space<vmem>>, %arg10: memref<128xi32, #tpu.memory_space<vmem>>, %arg11: memref<128xi32, #tpu.memory_space<vmem>>, %arg12: memref<128x128xf32, #tpu.memory_space<vmem>>, %arg13: memref<128x128xf32, #tpu.memory_space<vmem>>, %arg14: memref<10240x128xf32, #tpu.memory_space<vmem_shared>>, %arg15: memref<!tpu.dma_semaphore, #tpu.memory_space<semaphore_mem>>, %arg16: memref<!tpu.dma_semaphore, #tpu.memory_space<semaphore_mem>>, %arg17: memref<!tpu.dma_semaphore, #tpu.memory_space<semaphore_mem>>) attributes {dimension_semantics = [#tpu.dimension_semantics<core_parallel>, #tpu.dimension_semantics<subcore_parallel>], iteration_bounds = array<i64: 2, 16>, scalar_prefetch = 0 : i64, scratch_operands = 10 : i64, tpu.core_type = #tpu.core_type<sc_vector_subcore>, window_params = [{transform_indices = #map}, {transform_indices = #map1}, {transform_indices = #map1}, {transform_indices = #map}, {transform_indices = #map}, {transform_indices = #map}]} {
    %mul3A = arith.constant 16 : i32
    %mul3A_0 = arith.muli %arg0, %mul3A : i32
    %add3A = arith.addi %mul3A_0, %arg1 : i32
    %mul3A_1 = arith.constant 640 : i32
    %mul3A_2 = arith.muli %arg1, %mul3A_1 : i32
    %mul3A_3 = arith.constant 82 : i32
    %mul3A_4 = arith.muli %add3A, %mul3A_3 : i32
    %mul3A_5 = arith.constant 128 : i32
    %mul3A_6 = arith.muli %mul3A_4, %mul3A_5 : i32
    "tpu.region"() ({
      %run_scoped3A = tpu.sem_alloc : memref<!tpu.dma_semaphore, #tpu.memory_space<semaphore_mem>>
      %dma_start3A_35 = tpu.memref_slice %arg3[%mul3A_6] : memref<335872xi32, #tpu.memory_space<hbm>> -> memref<128xi32, #tpu.memory_space<hbm>>
      %dma_start3A_36 = tpu.memref_slice %arg3[%mul3A_6] : memref<335872xi32, #tpu.memory_space<hbm>> -> memref<128xi32, #tpu.memory_space<hbm>>
      tpu.enqueue_dma source(%dma_start3A_36 : memref<128xi32, #tpu.memory_space<hbm>>) target(%arg8 : memref<128xi32, #tpu.memory_space<vmem>>) target_semaphore(%run_scoped3A : memref<!tpu.dma_semaphore, #tpu.memory_space<semaphore_mem>>)
      %dma_wait3A_37 = tpu.memref_slice %arg3[%mul3A_6] : memref<335872xi32, #tpu.memory_space<hbm>> -> memref<128xi32, #tpu.memory_space<hbm>>
      %dma_wait3A_38 = tpu.memref_slice %arg3[%mul3A_6] : memref<335872xi32, #tpu.memory_space<hbm>> -> memref<128xi32, #tpu.memory_space<hbm>>
      tpu.wait_dma2 semaphore(%run_scoped3A : memref<!tpu.dma_semaphore, #tpu.memory_space<semaphore_mem>>) src(%dma_wait3A_38 : memref<128xi32, #tpu.memory_space<hbm>>) dst(%arg8 : memref<128xi32, #tpu.memory_space<vmem>>)
      tpu.yield
    }) : () -> ()
    "tpu.region"() ({
      %run_scoped3A = tpu.sem_alloc : memref<!tpu.dma_semaphore, #tpu.memory_space<semaphore_mem>>
      %dma_start3A_35 = tpu.memref_slice %arg4[%mul3A_6] : memref<335872xi32, #tpu.memory_space<hbm>> -> memref<128xi32, #tpu.memory_space<hbm>>
      %dma_start3A_36 = tpu.memref_slice %arg4[%mul3A_6] : memref<335872xi32, #tpu.memory_space<hbm>> -> memref<128xi32, #tpu.memory_space<hbm>>
      tpu.enqueue_dma source(%dma_start3A_36 : memref<128xi32, #tpu.memory_space<hbm>>) target(%arg9 : memref<128xi32, #tpu.memory_space<vmem>>) target_semaphore(%run_scoped3A : memref<!tpu.dma_semaphore, #tpu.memory_space<semaphore_mem>>)
      %dma_wait3A_37 = tpu.memref_slice %arg4[%mul3A_6] : memref<335872xi32, #tpu.memory_space<hbm>> -> memref<128xi32, #tpu.memory_space<hbm>>
      %dma_wait3A_38 = tpu.memref_slice %arg4[%mul3A_6] : memref<335872xi32, #tpu.memory_space<hbm>> -> memref<128xi32, #tpu.memory_space<hbm>>
      tpu.wait_dma2 semaphore(%run_scoped3A : memref<!tpu.dma_semaphore, #tpu.memory_space<semaphore_mem>>) src(%dma_wait3A_38 : memref<128xi32, #tpu.memory_space<hbm>>) dst(%arg9 : memref<128xi32, #tpu.memory_space<vmem>>)
      tpu.yield
    }) : () -> ()
    %add3A_7 = arith.constant 128 : i32
    %add3A_8 = arith.addi %mul3A_6, %add3A_7 : i32
    %dma_start3A = tpu.memref_slice %arg3[%add3A_8] : memref<335872xi32, #tpu.memory_space<hbm>> -> memref<128xi32, #tpu.memory_space<hbm>>
    %dma_start3A_9 = tpu.memref_slice %arg3[%add3A_8] : memref<335872xi32, #tpu.memory_space<hbm>> -> memref<128xi32, #tpu.memory_space<hbm>>
    tpu.enqueue_dma source(%dma_start3A_9 : memref<128xi32, #tpu.memory_space<hbm>>) target(%arg10 : memref<128xi32, #tpu.memory_space<vmem>>) target_semaphore(%arg17 : memref<!tpu.dma_semaphore, #tpu.memory_space<semaphore_mem>>)
    %add3A_10 = arith.constant 128 : i32
    %add3A_11 = arith.addi %mul3A_6, %add3A_10 : i32
    %dma_start3A_12 = tpu.memref_slice %arg4[%add3A_11] : memref<335872xi32, #tpu.memory_space<hbm>> -> memref<128xi32, #tpu.memory_space<hbm>>
    %dma_start3A_13 = tpu.memref_slice %arg4[%add3A_11] : memref<335872xi32, #tpu.memory_space<hbm>> -> memref<128xi32, #tpu.memory_space<hbm>>
    tpu.enqueue_dma source(%dma_start3A_13 : memref<128xi32, #tpu.memory_space<hbm>>) target(%arg11 : memref<128xi32, #tpu.memory_space<vmem>>) target_semaphore(%arg17 : memref<!tpu.dma_semaphore, #tpu.memory_space<semaphore_mem>>)
    "tpu.region"() ({
      %run_scoped3A = tpu.sem_alloc : memref<!tpu.dma_semaphore, #tpu.memory_space<semaphore_mem>>
      %dma_start3A_35 = arith.constant 0 : i32
      %dma_start3A_36 = tpu.memref_slice %arg14[%mul3A_2, %dma_start3A_35] : memref<10240x128xf32, #tpu.memory_space<vmem_shared>> -> memref<640x128xf32, #tpu.memory_space<vmem_shared>>
      %dma_start3A_37 = arith.constant 0 : i32
      %dma_start3A_38 = tpu.memref_slice %arg5[%mul3A_2, %dma_start3A_37] : memref<10240x128xf32, #tpu.memory_space<hbm>> -> memref<640x128xf32, #tpu.memory_space<hbm>>
      tpu.enqueue_dma source(%dma_start3A_38 : memref<640x128xf32, #tpu.memory_space<hbm>>) target(%dma_start3A_36 : memref<640x128xf32, #tpu.memory_space<vmem_shared>>) target_semaphore(%run_scoped3A : memref<!tpu.dma_semaphore, #tpu.memory_space<semaphore_mem>>)
      %dma_wait3A_39 = arith.constant 0 : i32
      %dma_wait3A_40 = tpu.memref_slice %arg14[%mul3A_2, %dma_wait3A_39] : memref<10240x128xf32, #tpu.memory_space<vmem_shared>> -> memref<640x128xf32, #tpu.memory_space<vmem_shared>>
      %dma_wait3A_41 = arith.constant 0 : i32
      %dma_wait3A_42 = tpu.memref_slice %arg5[%mul3A_2, %dma_wait3A_41] : memref<10240x128xf32, #tpu.memory_space<hbm>> -> memref<640x128xf32, #tpu.memory_space<hbm>>
      tpu.wait_dma2 semaphore(%run_scoped3A : memref<!tpu.dma_semaphore, #tpu.memory_space<semaphore_mem>>) src(%dma_wait3A_42 : memref<640x128xf32, #tpu.memory_space<hbm>>) dst(%dma_wait3A_40 : memref<640x128xf32, #tpu.memory_space<vmem_shared>>)
      tpu.yield
    }) : () -> ()
    %barrier3A = arith.constant 0 : index
    tpu.barrier barrier_id(%barrier3A)
    %dma_start3A_14 = arith.constant 0 : i32
    %dma_start3A_15 = arith.constant 0 : i32
    %dma_start3A_16 = tpu.memref_slice %arg2[%dma_start3A_14, %dma_start3A_15] : memref<10240x128xf32, #tpu.memory_space<hbm>> -> memref<10240x128xf32, #tpu.memory_space<hbm>>
    tpu.enqueue_indirect_dma source(%dma_start3A_16 : memref<10240x128xf32, #tpu.memory_space<hbm>>) target(%arg12 : memref<128x128xf32, #tpu.memory_space<vmem>>) offsets(%arg8 : memref<128xi32, #tpu.memory_space<vmem>>) semaphore(%arg15 : memref<!tpu.dma_semaphore, #tpu.memory_space<semaphore_mem>>)
    %scan3A = arith.constant 0 : i32
    %scan3A_17 = arith.constant 40 : i32
    %scan3A_18 = arith.addi %scan3A, %scan3A_17 : i32
    %scan3A_19 = arith.constant 1 : i32
    scf.for %scan3A_35 = %scan3A to %scan3A_18 step %scan3A_19  : i32 {
      %mul3A_36 = arith.constant 2 : i32
      %mul3A_37 = arith.muli %scan3A_35, %mul3A_36 : i32
      %add3A_38 = arith.constant 0 : i32
      %add3A_39 = arith.addi %add3A_38, %mul3A_37 : i32
      %add3A_40 = arith.constant 1 : i32
      %add3A_41 = arith.addi %add3A_39, %add3A_40 : i32
      %mul3A_42 = arith.constant 128 : i32
      %mul3A_43 = arith.muli %add3A_41, %mul3A_42 : i32
      %add3A_44 = arith.addi %mul3A_6, %mul3A_43 : i32
      %dma_wait3A_45 = tpu.memref_slice %arg3[%add3A_44] : memref<335872xi32, #tpu.memory_space<hbm>> -> memref<128xi32, #tpu.memory_space<hbm>>
      %dma_wait3A_46 = tpu.memref_slice %arg3[%add3A_44] : memref<335872xi32, #tpu.memory_space<hbm>> -> memref<128xi32, #tpu.memory_space<hbm>>
      tpu.wait_dma2 semaphore(%arg17 : memref<!tpu.dma_semaphore, #tpu.memory_space<semaphore_mem>>) src(%dma_wait3A_46 : memref<128xi32, #tpu.memory_space<hbm>>) dst(%arg10 : memref<128xi32, #tpu.memory_space<vmem>>)
      %dma_wait3A_47 = tpu.memref_slice %arg4[%add3A_44] : memref<335872xi32, #tpu.memory_space<hbm>> -> memref<128xi32, #tpu.memory_space<hbm>>
      %dma_wait3A_48 = tpu.memref_slice %arg4[%add3A_44] : memref<335872xi32, #tpu.memory_space<hbm>> -> memref<128xi32, #tpu.memory_space<hbm>>
      tpu.wait_dma2 semaphore(%arg17 : memref<!tpu.dma_semaphore, #tpu.memory_space<semaphore_mem>>) src(%dma_wait3A_48 : memref<128xi32, #tpu.memory_space<hbm>>) dst(%arg11 : memref<128xi32, #tpu.memory_space<vmem>>)
      %dma_start3A_49 = arith.constant 0 : i32
      %dma_start3A_50 = arith.constant 0 : i32
      %dma_start3A_51 = tpu.memref_slice %arg2[%dma_start3A_49, %dma_start3A_50] : memref<10240x128xf32, #tpu.memory_space<hbm>> -> memref<10240x128xf32, #tpu.memory_space<hbm>>
      tpu.enqueue_indirect_dma source(%dma_start3A_51 : memref<10240x128xf32, #tpu.memory_space<hbm>>) target(%arg13 : memref<128x128xf32, #tpu.memory_space<vmem>>) offsets(%arg10 : memref<128xi32, #tpu.memory_space<vmem>>) semaphore(%arg16 : memref<!tpu.dma_semaphore, #tpu.memory_space<semaphore_mem>>)
      %dma_wait3A_52 = arith.constant 0 : i32
      %dma_wait3A_53 = arith.constant 0 : i32
      %dma_wait3A_54 = tpu.memref_slice %arg2[%dma_wait3A_52, %dma_wait3A_53] : memref<10240x128xf32, #tpu.memory_space<hbm>> -> memref<10240x128xf32, #tpu.memory_space<hbm>>
      tpu.wait_indirect_dma semaphore(%arg15 : memref<!tpu.dma_semaphore, #tpu.memory_space<semaphore_mem>>) src(%dma_wait3A_54 : memref<10240x128xf32, #tpu.memory_space<hbm>>) dst(%arg12 : memref<128x128xf32, #tpu.memory_space<vmem>>)
      "tpu.region"() ({
        %run_scoped3A = tpu.sem_alloc : memref<!tpu.dma_semaphore, #tpu.memory_space<semaphore_mem>>
        %dma_start3A_90 = arith.constant 0 : i32
        %dma_start3A_91 = arith.constant 0 : i32
        %dma_start3A_92 = tpu.memref_slice %arg14[%dma_start3A_90, %dma_start3A_91] : memref<10240x128xf32, #tpu.memory_space<vmem_shared>> -> memref<10240x128xf32, #tpu.memory_space<vmem_shared>>
        tpu.enqueue_indirect_dma source(%arg12 : memref<128x128xf32, #tpu.memory_space<vmem>>) target(%dma_start3A_92 : memref<10240x128xf32, #tpu.memory_space<vmem_shared>>) offsets(%arg9 : memref<128xi32, #tpu.memory_space<vmem>>) semaphore(%run_scoped3A : memref<!tpu.dma_semaphore, #tpu.memory_space<semaphore_mem>>) {add = true}
        %dma_wait3A_93 = arith.constant 0 : i32
        %dma_wait3A_94 = arith.constant 0 : i32
        %dma_wait3A_95 = tpu.memref_slice %arg14[%dma_wait3A_93, %dma_wait3A_94] : memref<10240x128xf32, #tpu.memory_space<vmem_shared>> -> memref<10240x128xf32, #tpu.memory_space<vmem_shared>>
        tpu.wait_indirect_dma semaphore(%run_scoped3A : memref<!tpu.dma_semaphore, #tpu.memory_space<semaphore_mem>>) src(%arg12 : memref<128x128xf32, #tpu.memory_space<vmem>>) dst(%dma_wait3A_95 : memref<10240x128xf32, #tpu.memory_space<vmem_shared>>)
        tpu.yield
      }) : () -> ()
      %add3A_55 = arith.constant 2 : i32
      %add3A_56 = arith.addi %add3A_39, %add3A_55 : i32
      %mul3A_57 = arith.constant 128 : i32
      %mul3A_58 = arith.muli %add3A_56, %mul3A_57 : i32
      %add3A_59 = arith.addi %mul3A_6, %mul3A_58 : i32
      %dma_start3A_60 = tpu.memref_slice %arg3[%add3A_59] : memref<335872xi32, #tpu.memory_space<hbm>> -> memref<128xi32, #tpu.memory_space<hbm>>
      %dma_start3A_61 = tpu.memref_slice %arg3[%add3A_59] : memref<335872xi32, #tpu.memory_space<hbm>> -> memref<128xi32, #tpu.memory_space<hbm>>
      tpu.enqueue_dma source(%dma_start3A_61 : memref<128xi32, #tpu.memory_space<hbm>>) target(%arg8 : memref<128xi32, #tpu.memory_space<vmem>>) target_semaphore(%arg17 : memref<!tpu.dma_semaphore, #tpu.memory_space<semaphore_mem>>)
      %dma_start3A_62 = tpu.memref_slice %arg4[%add3A_59] : memref<335872xi32, #tpu.memory_space<hbm>> -> memref<128xi32, #tpu.memory_space<hbm>>
      %dma_start3A_63 = tpu.memref_slice %arg4[%add3A_59] : memref<335872xi32, #tpu.memory_space<hbm>> -> memref<128xi32, #tpu.memory_space<hbm>>
      tpu.enqueue_dma source(%dma_start3A_63 : memref<128xi32, #tpu.memory_space<hbm>>) target(%arg9 : memref<128xi32, #tpu.memory_space<vmem>>) target_semaphore(%arg17 : memref<!tpu.dma_semaphore, #tpu.memory_space<semaphore_mem>>)
      %add3A_64 = arith.constant 1 : i32
      %add3A_65 = arith.addi %add3A_39, %add3A_64 : i32
      %add3A_66 = arith.constant 1 : i32
      %add3A_67 = arith.addi %add3A_65, %add3A_66 : i32
      %mul3A_68 = arith.constant 128 : i32
      %mul3A_69 = arith.muli %add3A_67, %mul3A_68 : i32
      %add3A_70 = arith.addi %mul3A_6, %mul3A_69 : i32
      %dma_wait3A_71 = tpu.memref_slice %arg3[%add3A_70] : memref<335872xi32, #tpu.memory_space<hbm>> -> memref<128xi32, #tpu.memory_space<hbm>>
      %dma_wait3A_72 = tpu.memref_slice %arg3[%add3A_70] : memref<335872xi32, #tpu.memory_space<hbm>> -> memref<128xi32, #tpu.memory_space<hbm>>
      tpu.wait_dma2 semaphore(%arg17 : memref<!tpu.dma_semaphore, #tpu.memory_space<semaphore_mem>>) src(%dma_wait3A_72 : memref<128xi32, #tpu.memory_space<hbm>>) dst(%arg8 : memref<128xi32, #tpu.memory_space<vmem>>)
      %dma_wait3A_73 = tpu.memref_slice %arg4[%add3A_70] : memref<335872xi32, #tpu.memory_space<hbm>> -> memref<128xi32, #tpu.memory_space<hbm>>
      %dma_wait3A_74 = tpu.memref_slice %arg4[%add3A_70] : memref<335872xi32, #tpu.memory_space<hbm>> -> memref<128xi32, #tpu.memory_space<hbm>>
      tpu.wait_dma2 semaphore(%arg17 : memref<!tpu.dma_semaphore, #tpu.memory_space<semaphore_mem>>) src(%dma_wait3A_74 : memref<128xi32, #tpu.memory_space<hbm>>) dst(%arg9 : memref<128xi32, #tpu.memory_space<vmem>>)
      %dma_start3A_75 = arith.constant 0 : i32
      %dma_start3A_76 = arith.constant 0 : i32
      %dma_start3A_77 = tpu.memref_slice %arg2[%dma_start3A_75, %dma_start3A_76] : memref<10240x128xf32, #tpu.memory_space<hbm>> -> memref<10240x128xf32, #tpu.memory_space<hbm>>
      tpu.enqueue_indirect_dma source(%dma_start3A_77 : memref<10240x128xf32, #tpu.memory_space<hbm>>) target(%arg12 : memref<128x128xf32, #tpu.memory_space<vmem>>) offsets(%arg8 : memref<128xi32, #tpu.memory_space<vmem>>) semaphore(%arg15 : memref<!tpu.dma_semaphore, #tpu.memory_space<semaphore_mem>>)
      %dma_wait3A_78 = arith.constant 0 : i32
      %dma_wait3A_79 = arith.constant 0 : i32
      %dma_wait3A_80 = tpu.memref_slice %arg2[%dma_wait3A_78, %dma_wait3A_79] : memref<10240x128xf32, #tpu.memory_space<hbm>> -> memref<10240x128xf32, #tpu.memory_space<hbm>>
      tpu.wait_indirect_dma semaphore(%arg16 : memref<!tpu.dma_semaphore, #tpu.memory_space<semaphore_mem>>) src(%dma_wait3A_80 : memref<10240x128xf32, #tpu.memory_space<hbm>>) dst(%arg13 : memref<128x128xf32, #tpu.memory_space<vmem>>)
      "tpu.region"() ({
        %run_scoped3A = tpu.sem_alloc : memref<!tpu.dma_semaphore, #tpu.memory_space<semaphore_mem>>
        %dma_start3A_90 = arith.constant 0 : i32
        %dma_start3A_91 = arith.constant 0 : i32
        %dma_start3A_92 = tpu.memref_slice %arg14[%dma_start3A_90, %dma_start3A_91] : memref<10240x128xf32, #tpu.memory_space<vmem_shared>> -> memref<10240x128xf32, #tpu.memory_space<vmem_shared>>
        tpu.enqueue_indirect_dma source(%arg13 : memref<128x128xf32, #tpu.memory_space<vmem>>) target(%dma_start3A_92 : memref<10240x128xf32, #tpu.memory_space<vmem_shared>>) offsets(%arg11 : memref<128xi32, #tpu.memory_space<vmem>>) semaphore(%run_scoped3A : memref<!tpu.dma_semaphore, #tpu.memory_space<semaphore_mem>>) {add = true}
        %dma_wait3A_93 = arith.constant 0 : i32
        %dma_wait3A_94 = arith.constant 0 : i32
        %dma_wait3A_95 = tpu.memref_slice %arg14[%dma_wait3A_93, %dma_wait3A_94] : memref<10240x128xf32, #tpu.memory_space<vmem_shared>> -> memref<10240x128xf32, #tpu.memory_space<vmem_shared>>
        tpu.wait_indirect_dma semaphore(%run_scoped3A : memref<!tpu.dma_semaphore, #tpu.memory_space<semaphore_mem>>) src(%arg13 : memref<128x128xf32, #tpu.memory_space<vmem>>) dst(%dma_wait3A_95 : memref<10240x128xf32, #tpu.memory_space<vmem_shared>>)
        tpu.yield
      }) : () -> ()
      %add3A_81 = arith.constant 2 : i32
      %add3A_82 = arith.addi %add3A_65, %add3A_81 : i32
      %mul3A_83 = arith.constant 128 : i32
      %mul3A_84 = arith.muli %add3A_82, %mul3A_83 : i32
      %add3A_85 = arith.addi %mul3A_6, %mul3A_84 : i32
      %dma_start3A_86 = tpu.memref_slice %arg3[%add3A_85] : memref<335872xi32, #tpu.memory_space<hbm>> -> memref<128xi32, #tpu.memory_space<hbm>>
      %dma_start3A_87 = tpu.memref_slice %arg3[%add3A_85] : memref<335872xi32, #tpu.memory_space<hbm>> -> memref<128xi32, #tpu.memory_space<hbm>>
      tpu.enqueue_dma source(%dma_start3A_87 : memref<128xi32, #tpu.memory_space<hbm>>) target(%arg10 : memref<128xi32, #tpu.memory_space<vmem>>) target_semaphore(%arg17 : memref<!tpu.dma_semaphore, #tpu.memory_space<semaphore_mem>>)
      %dma_start3A_88 = tpu.memref_slice %arg4[%add3A_85] : memref<335872xi32, #tpu.memory_space<hbm>> -> memref<128xi32, #tpu.memory_space<hbm>>
      %dma_start3A_89 = tpu.memref_slice %arg4[%add3A_85] : memref<335872xi32, #tpu.memory_space<hbm>> -> memref<128xi32, #tpu.memory_space<hbm>>
      tpu.enqueue_dma source(%dma_start3A_89 : memref<128xi32, #tpu.memory_space<hbm>>) target(%arg11 : memref<128xi32, #tpu.memory_space<vmem>>) target_semaphore(%arg17 : memref<!tpu.dma_semaphore, #tpu.memory_space<semaphore_mem>>)
    }
    %scan3A_20 = arith.constant 40 : i32
    %dma_wait3A = arith.constant 0 : i32
    %dma_wait3A_21 = arith.constant 0 : i32
    %dma_wait3A_22 = tpu.memref_slice %arg2[%dma_wait3A, %dma_wait3A_21] : memref<10240x128xf32, #tpu.memory_space<hbm>> -> memref<10240x128xf32, #tpu.memory_space<hbm>>
    tpu.wait_indirect_dma semaphore(%arg15 : memref<!tpu.dma_semaphore, #tpu.memory_space<semaphore_mem>>) src(%dma_wait3A_22 : memref<10240x128xf32, #tpu.memory_space<hbm>>) dst(%arg12 : memref<128x128xf32, #tpu.memory_space<vmem>>)
    %dma_wait3A_23 = tpu.memref_slice %arg3[%mul3A_6] : memref<335872xi32, #tpu.memory_space<hbm>> -> memref<128xi32, #tpu.memory_space<hbm>>
    %dma_wait3A_24 = tpu.memref_slice %arg3[%mul3A_6] : memref<335872xi32, #tpu.memory_space<hbm>> -> memref<128xi32, #tpu.memory_space<hbm>>
    tpu.wait_dma2 semaphore(%arg17 : memref<!tpu.dma_semaphore, #tpu.memory_space<semaphore_mem>>) src(%dma_wait3A_24 : memref<128xi32, #tpu.memory_space<hbm>>) dst(%arg10 : memref<128xi32, #tpu.memory_space<vmem>>)
    %dma_wait3A_25 = tpu.memref_slice %arg4[%mul3A_6] : memref<335872xi32, #tpu.memory_space<hbm>> -> memref<128xi32, #tpu.memory_space<hbm>>
    %dma_wait3A_26 = tpu.memref_slice %arg4[%mul3A_6] : memref<335872xi32, #tpu.memory_space<hbm>> -> memref<128xi32, #tpu.memory_space<hbm>>
    tpu.wait_dma2 semaphore(%arg17 : memref<!tpu.dma_semaphore, #tpu.memory_space<semaphore_mem>>) src(%dma_wait3A_26 : memref<128xi32, #tpu.memory_space<hbm>>) dst(%arg11 : memref<128xi32, #tpu.memory_space<vmem>>)
    %barrier3A_27 = arith.constant 0 : index
    tpu.barrier barrier_id(%barrier3A_27)
    %eq3A = arith.constant 0 : i32
    %eq3A_28 = arith.cmpi eq, %arg0, %eq3A : i32
    %convert_element_type3A = arith.extui %eq3A_28 : i1 to i32
    %cond3A = arith.constant 0 : i32
    %cond3A_29 = arith.cmpi ne, %convert_element_type3A, %cond3A : i32
    scf.if %cond3A_29 {
      "tpu.region"() ({
        %run_scoped3A = tpu.sem_alloc : memref<!tpu.dma_semaphore, #tpu.memory_space<semaphore_mem>>
        %dma_start3A_35 = arith.constant 0 : i32
        %dma_start3A_36 = tpu.memref_slice %arg6[%mul3A_2, %dma_start3A_35] : memref<10240x128xf32, #tpu.memory_space<hbm>> -> memref<640x128xf32, #tpu.memory_space<hbm>>
        %dma_start3A_37 = arith.constant 0 : i32
        %dma_start3A_38 = tpu.memref_slice %arg14[%mul3A_2, %dma_start3A_37] : memref<10240x128xf32, #tpu.memory_space<vmem_shared>> -> memref<640x128xf32, #tpu.memory_space<vmem_shared>>
        tpu.enqueue_dma source(%dma_start3A_38 : memref<640x128xf32, #tpu.memory_space<vmem_shared>>) target(%dma_start3A_36 : memref<640x128xf32, #tpu.memory_space<hbm>>) target_semaphore(%run_scoped3A : memref<!tpu.dma_semaphore, #tpu.memory_space<semaphore_mem>>)
        %dma_wait3A_39 = arith.constant 0 : i32
        %dma_wait3A_40 = tpu.memref_slice %arg6[%mul3A_2, %dma_wait3A_39] : memref<10240x128xf32, #tpu.memory_space<hbm>> -> memref<640x128xf32, #tpu.memory_space<hbm>>
        %dma_wait3A_41 = arith.constant 0 : i32
        %dma_wait3A_42 = tpu.memref_slice %arg14[%mul3A_2, %dma_wait3A_41] : memref<10240x128xf32, #tpu.memory_space<vmem_shared>> -> memref<640x128xf32, #tpu.memory_space<vmem_shared>>
        tpu.wait_dma2 semaphore(%run_scoped3A : memref<!tpu.dma_semaphore, #tpu.memory_space<semaphore_mem>>) src(%dma_wait3A_42 : memref<640x128xf32, #tpu.memory_space<vmem_shared>>) dst(%dma_wait3A_40 : memref<640x128xf32, #tpu.memory_space<hbm>>)
        tpu.yield
      }) : () -> ()
    } else {
    }
    %eq3A_30 = arith.constant 1 : i32
    %eq3A_31 = arith.cmpi eq, %arg0, %eq3A_30 : i32
    %convert_element_type3A_32 = arith.extui %eq3A_31 : i1 to i32
    %cond3A_33 = arith.constant 0 : i32
    %cond3A_34 = arith.cmpi ne, %convert_element_type3A_32, %cond3A_33 : i32
    scf.if %cond3A_34 {
      "tpu.region"() ({
        %run_scoped3A = tpu.sem_alloc : memref<!tpu.dma_semaphore, #tpu.memory_space<semaphore_mem>>
        %dma_start3A_35 = arith.constant 0 : i32
        %dma_start3A_36 = tpu.memref_slice %arg7[%mul3A_2, %dma_start3A_35] : memref<10240x128xf32, #tpu.memory_space<hbm>> -> memref<640x128xf32, #tpu.memory_space<hbm>>
        %dma_start3A_37 = arith.constant 0 : i32
        %dma_start3A_38 = tpu.memref_slice %arg14[%mul3A_2, %dma_start3A_37] : memref<10240x128xf32, #tpu.memory_space<vmem_shared>> -> memref<640x128xf32, #tpu.memory_space<vmem_shared>>
        tpu.enqueue_dma source(%dma_start3A_38 : memref<640x128xf32, #tpu.memory_space<vmem_shared>>) target(%dma_start3A_36 : memref<640x128xf32, #tpu.memory_space<hbm>>) target_semaphore(%run_scoped3A : memref<!tpu.dma_semaphore, #tpu.memory_space<semaphore_mem>>)
        %dma_wait3A_39 = arith.constant 0 : i32
        %dma_wait3A_40 = tpu.memref_slice %arg7[%mul3A_2, %dma_wait3A_39] : memref<10240x128xf32, #tpu.memory_space<hbm>> -> memref<640x128xf32, #tpu.memory_space<hbm>>
        %dma_wait3A_41 = arith.constant 0 : i32
        %dma_wait3A_42 = tpu.memref_slice %arg14[%mul3A_2, %dma_wait3A_41] : memref<10240x128xf32, #tpu.memory_space<vmem_shared>> -> memref<640x128xf32, #tpu.memory_space<vmem_shared>>
        tpu.wait_dma2 semaphore(%run_scoped3A : memref<!tpu.dma_semaphore, #tpu.memory_space<semaphore_mem>>) src(%dma_wait3A_42 : memref<640x128xf32, #tpu.memory_space<vmem_shared>>) dst(%dma_wait3A_40 : memref<640x128xf32, #tpu.memory_space<hbm>>)
        tpu.yield
      }) : () -> ()
    } else {
    }
    return
  }
}

#map = affine_map<(d0, d1) -> (0, 0)>
#map1 = affine_map<(d0, d1) -> (0)>
module attributes {stable_mosaic.version = 14 : i64} {
  func.func @k(%arg0: i32, %arg1: i32, %arg2: memref<10240x128xf32, #tpu.memory_space<hbm>>, %arg3: memref<335872xi32, #tpu.memory_space<hbm>>, %arg4: memref<335872xi32, #tpu.memory_space<hbm>>, %arg5: memref<10240x128xf32, #tpu.memory_space<hbm>>, %arg6: memref<10240x128xf32, #tpu.memory_space<hbm>>, %arg7: memref<10240x128xf32, #tpu.memory_space<hbm>>, %arg8: memref<128xi32, #tpu.memory_space<vmem>>, %arg9: memref<128xi32, #tpu.memory_space<vmem>>, %arg10: memref<128xi32, #tpu.memory_space<vmem>>, %arg11: memref<128xi32, #tpu.memory_space<vmem>>, %arg12: memref<128x128xf32, #tpu.memory_space<vmem>>, %arg13: memref<128x128xf32, #tpu.memory_space<vmem>>, %arg14: memref<10240x128xf32, #tpu.memory_space<vmem_shared>>, %arg15: memref<!tpu.dma_semaphore, #tpu.memory_space<semaphore_mem>>, %arg16: memref<!tpu.dma_semaphore, #tpu.memory_space<semaphore_mem>>, %arg17: memref<!tpu.dma_semaphore, #tpu.memory_space<semaphore_mem>>) attributes {dimension_semantics = [#tpu.dimension_semantics<core_parallel>, #tpu.dimension_semantics<subcore_parallel>], iteration_bounds = array<i64: 2, 16>, scalar_prefetch = 0 : i64, scratch_operands = 10 : i64, tpu.core_type = #tpu.core_type<sc_vector_subcore>, window_params = [{transform_indices = #map}, {transform_indices = #map1}, {transform_indices = #map1}, {transform_indices = #map}, {transform_indices = #map}, {transform_indices = #map}]} {
    %mul3A = arith.constant 16 : i32
    %mul3A_0 = arith.muli %arg0, %mul3A : i32
    %add3A = arith.addi %mul3A_0, %arg1 : i32
    %mul3A_1 = arith.constant 640 : i32
    %mul3A_2 = arith.muli %arg1, %mul3A_1 : i32
    %mul3A_3 = arith.constant 82 : i32
    %mul3A_4 = arith.muli %add3A, %mul3A_3 : i32
    %mul3A_5 = arith.constant 128 : i32
    %mul3A_6 = arith.muli %mul3A_4, %mul3A_5 : i32
    "tpu.region"() ({
      %run_scoped3A = tpu.sem_alloc : memref<!tpu.dma_semaphore, #tpu.memory_space<semaphore_mem>>
      %dma_start3A_35 = tpu.memref_slice %arg3[%mul3A_6] : memref<335872xi32, #tpu.memory_space<hbm>> -> memref<128xi32, #tpu.memory_space<hbm>>
      %dma_start3A_36 = tpu.memref_slice %arg3[%mul3A_6] : memref<335872xi32, #tpu.memory_space<hbm>> -> memref<128xi32, #tpu.memory_space<hbm>>
      tpu.enqueue_dma source(%dma_start3A_36 : memref<128xi32, #tpu.memory_space<hbm>>) target(%arg8 : memref<128xi32, #tpu.memory_space<vmem>>) target_semaphore(%run_scoped3A : memref<!tpu.dma_semaphore, #tpu.memory_space<semaphore_mem>>)
      %dma_wait3A_37 = tpu.memref_slice %arg3[%mul3A_6] : memref<335872xi32, #tpu.memory_space<hbm>> -> memref<128xi32, #tpu.memory_space<hbm>>
      %dma_wait3A_38 = tpu.memref_slice %arg3[%mul3A_6] : memref<335872xi32, #tpu.memory_space<hbm>> -> memref<128xi32, #tpu.memory_space<hbm>>
      tpu.wait_dma2 semaphore(%run_scoped3A : memref<!tpu.dma_semaphore, #tpu.memory_space<semaphore_mem>>) src(%dma_wait3A_38 : memref<128xi32, #tpu.memory_space<hbm>>) dst(%arg8 : memref<128xi32, #tpu.memory_space<vmem>>)
      tpu.yield
    }) : () -> ()
    "tpu.region"() ({
      %run_scoped3A = tpu.sem_alloc : memref<!tpu.dma_semaphore, #tpu.memory_space<semaphore_mem>>
      %dma_start3A_35 = tpu.memref_slice %arg4[%mul3A_6] : memref<335872xi32, #tpu.memory_space<hbm>> -> memref<128xi32, #tpu.memory_space<hbm>>
      %dma_start3A_36 = tpu.memref_slice %arg4[%mul3A_6] : memref<335872xi32, #tpu.memory_space<hbm>> -> memref<128xi32, #tpu.memory_space<hbm>>
      tpu.enqueue_dma source(%dma_start3A_36 : memref<128xi32, #tpu.memory_space<hbm>>) target(%arg9 : memref<128xi32, #tpu.memory_space<vmem>>) target_semaphore(%run_scoped3A : memref<!tpu.dma_semaphore, #tpu.memory_space<semaphore_mem>>)
      %dma_wait3A_37 = tpu.memref_slice %arg4[%mul3A_6] : memref<335872xi32, #tpu.memory_space<hbm>> -> memref<128xi32, #tpu.memory_space<hbm>>
      %dma_wait3A_38 = tpu.memref_slice %arg4[%mul3A_6] : memref<335872xi32, #tpu.memory_space<hbm>> -> memref<128xi32, #tpu.memory_space<hbm>>
      tpu.wait_dma2 semaphore(%run_scoped3A : memref<!tpu.dma_semaphore, #tpu.memory_space<semaphore_mem>>) src(%dma_wait3A_38 : memref<128xi32, #tpu.memory_space<hbm>>) dst(%arg9 : memref<128xi32, #tpu.memory_space<vmem>>)
      tpu.yield
    }) : () -> ()
    %add3A_7 = arith.constant 128 : i32
    %add3A_8 = arith.addi %mul3A_6, %add3A_7 : i32
    %dma_start3A = tpu.memref_slice %arg3[%add3A_8] : memref<335872xi32, #tpu.memory_space<hbm>> -> memref<128xi32, #tpu.memory_space<hbm>>
    %dma_start3A_9 = tpu.memref_slice %arg3[%add3A_8] : memref<335872xi32, #tpu.memory_space<hbm>> -> memref<128xi32, #tpu.memory_space<hbm>>
    tpu.enqueue_dma source(%dma_start3A_9 : memref<128xi32, #tpu.memory_space<hbm>>) target(%arg10 : memref<128xi32, #tpu.memory_space<vmem>>) target_semaphore(%arg17 : memref<!tpu.dma_semaphore, #tpu.memory_space<semaphore_mem>>)
    %add3A_10 = arith.constant 128 : i32
    %add3A_11 = arith.addi %mul3A_6, %add3A_10 : i32
    %dma_start3A_12 = tpu.memref_slice %arg4[%add3A_11] : memref<335872xi32, #tpu.memory_space<hbm>> -> memref<128xi32, #tpu.memory_space<hbm>>
    %dma_start3A_13 = tpu.memref_slice %arg4[%add3A_11] : memref<335872xi32, #tpu.memory_space<hbm>> -> memref<128xi32, #tpu.memory_space<hbm>>
    tpu.enqueue_dma source(%dma_start3A_13 : memref<128xi32, #tpu.memory_space<hbm>>) target(%arg11 : memref<128xi32, #tpu.memory_space<vmem>>) target_semaphore(%arg17 : memref<!tpu.dma_semaphore, #tpu.memory_space<semaphore_mem>>)
    "tpu.region"() ({
      %run_scoped3A = tpu.sem_alloc : memref<!tpu.dma_semaphore, #tpu.memory_space<semaphore_mem>>
      %dma_start3A_35 = arith.constant 0 : i32
      %dma_start3A_36 = tpu.memref_slice %arg14[%mul3A_2, %dma_start3A_35] : memref<10240x128xf32, #tpu.memory_space<vmem_shared>> -> memref<640x128xf32, #tpu.memory_space<vmem_shared>>
      %dma_start3A_37 = arith.constant 0 : i32
      %dma_start3A_38 = tpu.memref_slice %arg5[%mul3A_2, %dma_start3A_37] : memref<10240x128xf32, #tpu.memory_space<hbm>> -> memref<640x128xf32, #tpu.memory_space<hbm>>
      tpu.enqueue_dma source(%dma_start3A_38 : memref<640x128xf32, #tpu.memory_space<hbm>>) target(%dma_start3A_36 : memref<640x128xf32, #tpu.memory_space<vmem_shared>>) target_semaphore(%run_scoped3A : memref<!tpu.dma_semaphore, #tpu.memory_space<semaphore_mem>>)
      %dma_wait3A_39 = arith.constant 0 : i32
      %dma_wait3A_40 = tpu.memref_slice %arg14[%mul3A_2, %dma_wait3A_39] : memref<10240x128xf32, #tpu.memory_space<vmem_shared>> -> memref<640x128xf32, #tpu.memory_space<vmem_shared>>
      %dma_wait3A_41 = arith.constant 0 : i32
      %dma_wait3A_42 = tpu.memref_slice %arg5[%mul3A_2, %dma_wait3A_41] : memref<10240x128xf32, #tpu.memory_space<hbm>> -> memref<640x128xf32, #tpu.memory_space<hbm>>
      tpu.wait_dma2 semaphore(%run_scoped3A : memref<!tpu.dma_semaphore, #tpu.memory_space<semaphore_mem>>) src(%dma_wait3A_42 : memref<640x128xf32, #tpu.memory_space<hbm>>) dst(%dma_wait3A_40 : memref<640x128xf32, #tpu.memory_space<vmem_shared>>)
      tpu.yield
    }) : () -> ()
    %barrier3A = arith.constant 0 : index
    tpu.barrier barrier_id(%barrier3A)
    %dma_start3A_14 = arith.constant 0 : i32
    %dma_start3A_15 = arith.constant 0 : i32
    %dma_start3A_16 = tpu.memref_slice %arg2[%dma_start3A_14, %dma_start3A_15] : memref<10240x128xf32, #tpu.memory_space<hbm>> -> memref<10240x128xf32, #tpu.memory_space<hbm>>
    tpu.enqueue_indirect_dma source(%dma_start3A_16 : memref<10240x128xf32, #tpu.memory_space<hbm>>) target(%arg12 : memref<128x128xf32, #tpu.memory_space<vmem>>) offsets(%arg8 : memref<128xi32, #tpu.memory_space<vmem>>) semaphore(%arg15 : memref<!tpu.dma_semaphore, #tpu.memory_space<semaphore_mem>>)
    %scan3A = arith.constant 0 : i32
    %scan3A_17 = arith.constant 40 : i32
    %scan3A_18 = arith.addi %scan3A, %scan3A_17 : i32
    %scan3A_19 = arith.constant 1 : i32
    scf.for %scan3A_35 = %scan3A to %scan3A_18 step %scan3A_19  : i32 {
      %mul3A_36 = arith.constant 2 : i32
      %mul3A_37 = arith.muli %scan3A_35, %mul3A_36 : i32
      %add3A_38 = arith.constant 0 : i32
      %add3A_39 = arith.addi %add3A_38, %mul3A_37 : i32
      %add3A_40 = arith.constant 1 : i32
      %add3A_41 = arith.addi %add3A_39, %add3A_40 : i32
      %mul3A_42 = arith.constant 128 : i32
      %mul3A_43 = arith.muli %add3A_41, %mul3A_42 : i32
      %add3A_44 = arith.addi %mul3A_6, %mul3A_43 : i32
      %dma_wait3A_45 = tpu.memref_slice %arg3[%add3A_44] : memref<335872xi32, #tpu.memory_space<hbm>> -> memref<128xi32, #tpu.memory_space<hbm>>
      %dma_wait3A_46 = tpu.memref_slice %arg3[%add3A_44] : memref<335872xi32, #tpu.memory_space<hbm>> -> memref<128xi32, #tpu.memory_space<hbm>>
      tpu.wait_dma2 semaphore(%arg17 : memref<!tpu.dma_semaphore, #tpu.memory_space<semaphore_mem>>) src(%dma_wait3A_46 : memref<128xi32, #tpu.memory_space<hbm>>) dst(%arg10 : memref<128xi32, #tpu.memory_space<vmem>>)
      %dma_wait3A_47 = tpu.memref_slice %arg4[%add3A_44] : memref<335872xi32, #tpu.memory_space<hbm>> -> memref<128xi32, #tpu.memory_space<hbm>>
      %dma_wait3A_48 = tpu.memref_slice %arg4[%add3A_44] : memref<335872xi32, #tpu.memory_space<hbm>> -> memref<128xi32, #tpu.memory_space<hbm>>
      tpu.wait_dma2 semaphore(%arg17 : memref<!tpu.dma_semaphore, #tpu.memory_space<semaphore_mem>>) src(%dma_wait3A_48 : memref<128xi32, #tpu.memory_space<hbm>>) dst(%arg11 : memref<128xi32, #tpu.memory_space<vmem>>)
      %dma_start3A_49 = arith.constant 0 : i32
      %dma_start3A_50 = arith.constant 0 : i32
      %dma_start3A_51 = tpu.memref_slice %arg2[%dma_start3A_49, %dma_start3A_50] : memref<10240x128xf32, #tpu.memory_space<hbm>> -> memref<10240x128xf32, #tpu.memory_space<hbm>>
      tpu.enqueue_indirect_dma source(%dma_start3A_51 : memref<10240x128xf32, #tpu.memory_space<hbm>>) target(%arg13 : memref<128x128xf32, #tpu.memory_space<vmem>>) offsets(%arg10 : memref<128xi32, #tpu.memory_space<vmem>>) semaphore(%arg16 : memref<!tpu.dma_semaphore, #tpu.memory_space<semaphore_mem>>)
      %dma_wait3A_52 = arith.constant 0 : i32
      %dma_wait3A_53 = arith.constant 0 : i32
      %dma_wait3A_54 = tpu.memref_slice %arg2[%dma_wait3A_52, %dma_wait3A_53] : memref<10240x128xf32, #tpu.memory_space<hbm>> -> memref<10240x128xf32, #tpu.memory_space<hbm>>
      tpu.wait_indirect_dma semaphore(%arg15 : memref<!tpu.dma_semaphore, #tpu.memory_space<semaphore_mem>>) src(%dma_wait3A_54 : memref<10240x128xf32, #tpu.memory_space<hbm>>) dst(%arg12 : memref<128x128xf32, #tpu.memory_space<vmem>>)
      "tpu.region"() ({
        %run_scoped3A = tpu.sem_alloc : memref<!tpu.dma_semaphore, #tpu.memory_space<semaphore_mem>>
        %dma_start3A_90 = arith.constant 0 : i32
        %dma_start3A_91 = arith.constant 0 : i32
        %dma_start3A_92 = tpu.memref_slice %arg14[%dma_start3A_90, %dma_start3A_91] : memref<10240x128xf32, #tpu.memory_space<vmem_shared>> -> memref<10240x128xf32, #tpu.memory_space<vmem_shared>>
        tpu.enqueue_indirect_dma source(%arg12 : memref<128x128xf32, #tpu.memory_space<vmem>>) target(%dma_start3A_92 : memref<10240x128xf32, #tpu.memory_space<vmem_shared>>) offsets(%arg9 : memref<128xi32, #tpu.memory_space<vmem>>) semaphore(%run_scoped3A : memref<!tpu.dma_semaphore, #tpu.memory_space<semaphore_mem>>) {add = true}
        %dma_wait3A_93 = arith.constant 0 : i32
        %dma_wait3A_94 = arith.constant 0 : i32
        %dma_wait3A_95 = tpu.memref_slice %arg14[%dma_wait3A_93, %dma_wait3A_94] : memref<10240x128xf32, #tpu.memory_space<vmem_shared>> -> memref<10240x128xf32, #tpu.memory_space<vmem_shared>>
        tpu.wait_indirect_dma semaphore(%run_scoped3A : memref<!tpu.dma_semaphore, #tpu.memory_space<semaphore_mem>>) src(%arg12 : memref<128x128xf32, #tpu.memory_space<vmem>>) dst(%dma_wait3A_95 : memref<10240x128xf32, #tpu.memory_space<vmem_shared>>)
        tpu.yield
      }) : () -> ()
      %add3A_55 = arith.constant 2 : i32
      %add3A_56 = arith.addi %add3A_39, %add3A_55 : i32
      %mul3A_57 = arith.constant 128 : i32
      %mul3A_58 = arith.muli %add3A_56, %mul3A_57 : i32
      %add3A_59 = arith.addi %mul3A_6, %mul3A_58 : i32
      %dma_start3A_60 = tpu.memref_slice %arg3[%add3A_59] : memref<335872xi32, #tpu.memory_space<hbm>> -> memref<128xi32, #tpu.memory_space<hbm>>
      %dma_start3A_61 = tpu.memref_slice %arg3[%add3A_59] : memref<335872xi32, #tpu.memory_space<hbm>> -> memref<128xi32, #tpu.memory_space<hbm>>
      tpu.enqueue_dma source(%dma_start3A_61 : memref<128xi32, #tpu.memory_space<hbm>>) target(%arg8 : memref<128xi32, #tpu.memory_space<vmem>>) target_semaphore(%arg17 : memref<!tpu.dma_semaphore, #tpu.memory_space<semaphore_mem>>)
      %dma_start3A_62 = tpu.memref_slice %arg4[%add3A_59] : memref<335872xi32, #tpu.memory_space<hbm>> -> memref<128xi32, #tpu.memory_space<hbm>>
      %dma_start3A_63 = tpu.memref_slice %arg4[%add3A_59] : memref<335872xi32, #tpu.memory_space<hbm>> -> memref<128xi32, #tpu.memory_space<hbm>>
      tpu.enqueue_dma source(%dma_start3A_63 : memref<128xi32, #tpu.memory_space<hbm>>) target(%arg9 : memref<128xi32, #tpu.memory_space<vmem>>) target_semaphore(%arg17 : memref<!tpu.dma_semaphore, #tpu.memory_space<semaphore_mem>>)
      %add3A_64 = arith.constant 1 : i32
      %add3A_65 = arith.addi %add3A_39, %add3A_64 : i32
      %add3A_66 = arith.constant 1 : i32
      %add3A_67 = arith.addi %add3A_65, %add3A_66 : i32
      %mul3A_68 = arith.constant 128 : i32
      %mul3A_69 = arith.muli %add3A_67, %mul3A_68 : i32
      %add3A_70 = arith.addi %mul3A_6, %mul3A_69 : i32
      %dma_wait3A_71 = tpu.memref_slice %arg3[%add3A_70] : memref<335872xi32, #tpu.memory_space<hbm>> -> memref<128xi32, #tpu.memory_space<hbm>>
      %dma_wait3A_72 = tpu.memref_slice %arg3[%add3A_70] : memref<335872xi32, #tpu.memory_space<hbm>> -> memref<128xi32, #tpu.memory_space<hbm>>
      tpu.wait_dma2 semaphore(%arg17 : memref<!tpu.dma_semaphore, #tpu.memory_space<semaphore_mem>>) src(%dma_wait3A_72 : memref<128xi32, #tpu.memory_space<hbm>>) dst(%arg8 : memref<128xi32, #tpu.memory_space<vmem>>)
      %dma_wait3A_73 = tpu.memref_slice %arg4[%add3A_70] : memref<335872xi32, #tpu.memory_space<hbm>> -> memref<128xi32, #tpu.memory_space<hbm>>
      %dma_wait3A_74 = tpu.memref_slice %arg4[%add3A_70] : memref<335872xi32, #tpu.memory_space<hbm>> -> memref<128xi32, #tpu.memory_space<hbm>>
      tpu.wait_dma2 semaphore(%arg17 : memref<!tpu.dma_semaphore, #tpu.memory_space<semaphore_mem>>) src(%dma_wait3A_74 : memref<128xi32, #tpu.memory_space<hbm>>) dst(%arg9 : memref<128xi32, #tpu.memory_space<vmem>>)
      %dma_start3A_75 = arith.constant 0 : i32
      %dma_start3A_76 = arith.constant 0 : i32
      %dma_start3A_77 = tpu.memref_slice %arg2[%dma_start3A_75, %dma_start3A_76] : memref<10240x128xf32, #tpu.memory_space<hbm>> -> memref<10240x128xf32, #tpu.memory_space<hbm>>
      tpu.enqueue_indirect_dma source(%dma_start3A_77 : memref<10240x128xf32, #tpu.memory_space<hbm>>) target(%arg12 : memref<128x128xf32, #tpu.memory_space<vmem>>) offsets(%arg8 : memref<128xi32, #tpu.memory_space<vmem>>) semaphore(%arg15 : memref<!tpu.dma_semaphore, #tpu.memory_space<semaphore_mem>>)
      %dma_wait3A_78 = arith.constant 0 : i32
      %dma_wait3A_79 = arith.constant 0 : i32
      %dma_wait3A_80 = tpu.memref_slice %arg2[%dma_wait3A_78, %dma_wait3A_79] : memref<10240x128xf32, #tpu.memory_space<hbm>> -> memref<10240x128xf32, #tpu.memory_space<hbm>>
      tpu.wait_indirect_dma semaphore(%arg16 : memref<!tpu.dma_semaphore, #tpu.memory_space<semaphore_mem>>) src(%dma_wait3A_80 : memref<10240x128xf32, #tpu.memory_space<hbm>>) dst(%arg13 : memref<128x128xf32, #tpu.memory_space<vmem>>)
      "tpu.region"() ({
        %run_scoped3A = tpu.sem_alloc : memref<!tpu.dma_semaphore, #tpu.memory_space<semaphore_mem>>
        %dma_start3A_90 = arith.constant 0 : i32
        %dma_start3A_91 = arith.constant 0 : i32
        %dma_start3A_92 = tpu.memref_slice %arg14[%dma_start3A_90, %dma_start3A_91] : memref<10240x128xf32, #tpu.memory_space<vmem_shared>> -> memref<10240x128xf32, #tpu.memory_space<vmem_shared>>
        tpu.enqueue_indirect_dma source(%arg13 : memref<128x128xf32, #tpu.memory_space<vmem>>) target(%dma_start3A_92 : memref<10240x128xf32, #tpu.memory_space<vmem_shared>>) offsets(%arg11 : memref<128xi32, #tpu.memory_space<vmem>>) semaphore(%run_scoped3A : memref<!tpu.dma_semaphore, #tpu.memory_space<semaphore_mem>>) {add = true}
        %dma_wait3A_93 = arith.constant 0 : i32
        %dma_wait3A_94 = arith.constant 0 : i32
        %dma_wait3A_95 = tpu.memref_slice %arg14[%dma_wait3A_93, %dma_wait3A_94] : memref<10240x128xf32, #tpu.memory_space<vmem_shared>> -> memref<10240x128xf32, #tpu.memory_space<vmem_shared>>
        tpu.wait_indirect_dma semaphore(%run_scoped3A : memref<!tpu.dma_semaphore, #tpu.memory_space<semaphore_mem>>) src(%arg13 : memref<128x128xf32, #tpu.memory_space<vmem>>) dst(%dma_wait3A_95 : memref<10240x128xf32, #tpu.memory_space<vmem_shared>>)
        tpu.yield
      }) : () -> ()
      %add3A_81 = arith.constant 2 : i32
      %add3A_82 = arith.addi %add3A_65, %add3A_81 : i32
      %mul3A_83 = arith.constant 128 : i32
      %mul3A_84 = arith.muli %add3A_82, %mul3A_83 : i32
      %add3A_85 = arith.addi %mul3A_6, %mul3A_84 : i32
      %dma_start3A_86 = tpu.memref_slice %arg3[%add3A_85] : memref<335872xi32, #tpu.memory_space<hbm>> -> memref<128xi32, #tpu.memory_space<hbm>>
      %dma_start3A_87 = tpu.memref_slice %arg3[%add3A_85] : memref<335872xi32, #tpu.memory_space<hbm>> -> memref<128xi32, #tpu.memory_space<hbm>>
      tpu.enqueue_dma source(%dma_start3A_87 : memref<128xi32, #tpu.memory_space<hbm>>) target(%arg10 : memref<128xi32, #tpu.memory_space<vmem>>) target_semaphore(%arg17 : memref<!tpu.dma_semaphore, #tpu.memory_space<semaphore_mem>>)
      %dma_start3A_88 = tpu.memref_slice %arg4[%add3A_85] : memref<335872xi32, #tpu.memory_space<hbm>> -> memref<128xi32, #tpu.memory_space<hbm>>
      %dma_start3A_89 = tpu.memref_slice %arg4[%add3A_85] : memref<335872xi32, #tpu.memory_space<hbm>> -> memref<128xi32, #tpu.memory_space<hbm>>
      tpu.enqueue_dma source(%dma_start3A_89 : memref<128xi32, #tpu.memory_space<hbm>>) target(%arg11 : memref<128xi32, #tpu.memory_space<vmem>>) target_semaphore(%arg17 : memref<!tpu.dma_semaphore, #tpu.memory_space<semaphore_mem>>)
    }
    %scan3A_20 = arith.constant 40 : i32
    %dma_wait3A = arith.constant 0 : i32
    %dma_wait3A_21 = arith.constant 0 : i32
    %dma_wait3A_22 = tpu.memref_slice %arg2[%dma_wait3A, %dma_wait3A_21] : memref<10240x128xf32, #tpu.memory_space<hbm>> -> memref<10240x128xf32, #tpu.memory_space<hbm>>
    tpu.wait_indirect_dma semaphore(%arg15 : memref<!tpu.dma_semaphore, #tpu.memory_space<semaphore_mem>>) src(%dma_wait3A_22 : memref<10240x128xf32, #tpu.memory_space<hbm>>) dst(%arg12 : memref<128x128xf32, #tpu.memory_space<vmem>>)
    %dma_wait3A_23 = tpu.memref_slice %arg3[%mul3A_6] : memref<335872xi32, #tpu.memory_space<hbm>> -> memref<128xi32, #tpu.memory_space<hbm>>
    %dma_wait3A_24 = tpu.memref_slice %arg3[%mul3A_6] : memref<335872xi32, #tpu.memory_space<hbm>> -> memref<128xi32, #tpu.memory_space<hbm>>
    tpu.wait_dma2 semaphore(%arg17 : memref<!tpu.dma_semaphore, #tpu.memory_space<semaphore_mem>>) src(%dma_wait3A_24 : memref<128xi32, #tpu.memory_space<hbm>>) dst(%arg10 : memref<128xi32, #tpu.memory_space<vmem>>)
    %dma_wait3A_25 = tpu.memref_slice %arg4[%mul3A_6] : memref<335872xi32, #tpu.memory_space<hbm>> -> memref<128xi32, #tpu.memory_space<hbm>>
    %dma_wait3A_26 = tpu.memref_slice %arg4[%mul3A_6] : memref<335872xi32, #tpu.memory_space<hbm>> -> memref<128xi32, #tpu.memory_space<hbm>>
    tpu.wait_dma2 semaphore(%arg17 : memref<!tpu.dma_semaphore, #tpu.memory_space<semaphore_mem>>) src(%dma_wait3A_26 : memref<128xi32, #tpu.memory_space<hbm>>) dst(%arg11 : memref<128xi32, #tpu.memory_space<vmem>>)
    %barrier3A_27 = arith.constant 0 : index
    tpu.barrier barrier_id(%barrier3A_27)
    %eq3A = arith.constant 0 : i32
    %eq3A_28 = arith.cmpi eq, %arg0, %eq3A : i32
    %convert_element_type3A = arith.extui %eq3A_28 : i1 to i32
    %cond3A = arith.constant 0 : i32
    %cond3A_29 = arith.cmpi ne, %convert_element_type3A, %cond3A : i32
    scf.if %cond3A_29 {
      "tpu.region"() ({
        %run_scoped3A = tpu.sem_alloc : memref<!tpu.dma_semaphore, #tpu.memory_space<semaphore_mem>>
        %dma_start3A_35 = arith.constant 0 : i32
        %dma_start3A_36 = tpu.memref_slice %arg6[%mul3A_2, %dma_start3A_35] : memref<10240x128xf32, #tpu.memory_space<hbm>> -> memref<640x128xf32, #tpu.memory_space<hbm>>
        %dma_start3A_37 = arith.constant 0 : i32
        %dma_start3A_38 = tpu.memref_slice %arg14[%mul3A_2, %dma_start3A_37] : memref<10240x128xf32, #tpu.memory_space<vmem_shared>> -> memref<640x128xf32, #tpu.memory_space<vmem_shared>>
        tpu.enqueue_dma source(%dma_start3A_38 : memref<640x128xf32, #tpu.memory_space<vmem_shared>>) target(%dma_start3A_36 : memref<640x128xf32, #tpu.memory_space<hbm>>) target_semaphore(%run_scoped3A : memref<!tpu.dma_semaphore, #tpu.memory_space<semaphore_mem>>)
        %dma_wait3A_39 = arith.constant 0 : i32
        %dma_wait3A_40 = tpu.memref_slice %arg6[%mul3A_2, %dma_wait3A_39] : memref<10240x128xf32, #tpu.memory_space<hbm>> -> memref<640x128xf32, #tpu.memory_space<hbm>>
        %dma_wait3A_41 = arith.constant 0 : i32
        %dma_wait3A_42 = tpu.memref_slice %arg14[%mul3A_2, %dma_wait3A_41] : memref<10240x128xf32, #tpu.memory_space<vmem_shared>> -> memref<640x128xf32, #tpu.memory_space<vmem_shared>>
        tpu.wait_dma2 semaphore(%run_scoped3A : memref<!tpu.dma_semaphore, #tpu.memory_space<semaphore_mem>>) src(%dma_wait3A_42 : memref<640x128xf32, #tpu.memory_space<vmem_shared>>) dst(%dma_wait3A_40 : memref<640x128xf32, #tpu.memory_space<hbm>>)
        tpu.yield
      }) : () -> ()
    } else {
    }
    %eq3A_30 = arith.constant 1 : i32
    %eq3A_31 = arith.cmpi eq, %arg0, %eq3A_30 : i32
    %convert_element_type3A_32 = arith.extui %eq3A_31 : i1 to i32
    %cond3A_33 = arith.constant 0 : i32
    %cond3A_34 = arith.cmpi ne, %convert_element_type3A_32, %cond3A_33 : i32
    scf.if %cond3A_34 {
      "tpu.region"() ({
        %run_scoped3A = tpu.sem_alloc : memref<!tpu.dma_semaphore, #tpu.memory_space<semaphore_mem>>
        %dma_start3A_35 = arith.constant 0 : i32
        %dma_start3A_36 = tpu.memref_slice %arg7[%mul3A_2, %dma_start3A_35] : memref<10240x128xf32, #tpu.memory_space<hbm>> -> memref<640x128xf32, #tpu.memory_space<hbm>>
        %dma_start3A_37 = arith.constant 0 : i32
        %dma_start3A_38 = tpu.memref_slice %arg14[%mul3A_2, %dma_start3A_37] : memref<10240x128xf32, #tpu.memory_space<vmem_shared>> -> memref<640x128xf32, #tpu.memory_space<vmem_shared>>
        tpu.enqueue_dma source(%dma_start3A_38 : memref<640x128xf32, #tpu.memory_space<vmem_shared>>) target(%dma_start3A_36 : memref<640x128xf32, #tpu.memory_space<hbm>>) target_semaphore(%run_scoped3A : memref<!tpu.dma_semaphore, #tpu.memory_space<semaphore_mem>>)
        %dma_wait3A_39 = arith.constant 0 : i32
        %dma_wait3A_40 = tpu.memref_slice %arg7[%mul3A_2, %dma_wait3A_39] : memref<10240x128xf32, #tpu.memory_space<hbm>> -> memref<640x128xf32, #tpu.memory_space<hbm>>
        %dma_wait3A_41 = arith.constant 0 : i32
        %dma_wait3A_42 = tpu.memref_slice %arg14[%mul3A_2, %dma_wait3A_41] : memref<10240x128xf32, #tpu.memory_space<vmem_shared>> -> memref<640x128xf32, #tpu.memory_space<vmem_shared>>
        tpu.wait_dma2 semaphore(%run_scoped3A : memref<!tpu.dma_semaphore, #tpu.memory_space<semaphore_mem>>) src(%dma_wait3A_42 : memref<640x128xf32, #tpu.memory_space<vmem_shared>>) dst(%dma_wait3A_40 : memref<640x128xf32, #tpu.memory_space<hbm>>)
        tpu.yield
      }) : () -> ()
    } else {
    }
    return
  }
}

#map = affine_map<(d0, d1) -> (0, 0)>
#map1 = affine_map<(d0, d1) -> (0)>
module attributes {stable_mosaic.version = 14 : i64} {
  func.func @k(%arg0: i32, %arg1: i32, %arg2: memref<10240x128xf32, #tpu.memory_space<hbm>>, %arg3: memref<335872xi32, #tpu.memory_space<hbm>>, %arg4: memref<335872xi32, #tpu.memory_space<hbm>>, %arg5: memref<10240x128xf32, #tpu.memory_space<hbm>>, %arg6: memref<10240x128xf32, #tpu.memory_space<hbm>>, %arg7: memref<10240x128xf32, #tpu.memory_space<hbm>>, %arg8: memref<128xi32, #tpu.memory_space<vmem>>, %arg9: memref<128xi32, #tpu.memory_space<vmem>>, %arg10: memref<128xi32, #tpu.memory_space<vmem>>, %arg11: memref<128xi32, #tpu.memory_space<vmem>>, %arg12: memref<128x128xf32, #tpu.memory_space<vmem>>, %arg13: memref<128x128xf32, #tpu.memory_space<vmem>>, %arg14: memref<10240x128xf32, #tpu.memory_space<vmem_shared>>, %arg15: memref<!tpu.dma_semaphore, #tpu.memory_space<semaphore_mem>>, %arg16: memref<!tpu.dma_semaphore, #tpu.memory_space<semaphore_mem>>, %arg17: memref<!tpu.dma_semaphore, #tpu.memory_space<semaphore_mem>>) attributes {dimension_semantics = [#tpu.dimension_semantics<core_parallel>, #tpu.dimension_semantics<subcore_parallel>], iteration_bounds = array<i64: 2, 16>, scalar_prefetch = 0 : i64, scratch_operands = 10 : i64, tpu.core_type = #tpu.core_type<sc_vector_subcore>, window_params = [{transform_indices = #map}, {transform_indices = #map1}, {transform_indices = #map1}, {transform_indices = #map}, {transform_indices = #map}, {transform_indices = #map}]} {
    %mul3A = arith.constant 16 : i32
    %mul3A_0 = arith.muli %arg0, %mul3A : i32
    %add3A = arith.addi %mul3A_0, %arg1 : i32
    %mul3A_1 = arith.constant 640 : i32
    %mul3A_2 = arith.muli %arg1, %mul3A_1 : i32
    %mul3A_3 = arith.constant 82 : i32
    %mul3A_4 = arith.muli %add3A, %mul3A_3 : i32
    %mul3A_5 = arith.constant 128 : i32
    %mul3A_6 = arith.muli %mul3A_4, %mul3A_5 : i32
    "tpu.region"() ({
      %run_scoped3A = tpu.sem_alloc : memref<!tpu.dma_semaphore, #tpu.memory_space<semaphore_mem>>
      %dma_start3A_35 = tpu.memref_slice %arg3[%mul3A_6] : memref<335872xi32, #tpu.memory_space<hbm>> -> memref<128xi32, #tpu.memory_space<hbm>>
      %dma_start3A_36 = tpu.memref_slice %arg3[%mul3A_6] : memref<335872xi32, #tpu.memory_space<hbm>> -> memref<128xi32, #tpu.memory_space<hbm>>
      tpu.enqueue_dma source(%dma_start3A_36 : memref<128xi32, #tpu.memory_space<hbm>>) target(%arg8 : memref<128xi32, #tpu.memory_space<vmem>>) target_semaphore(%run_scoped3A : memref<!tpu.dma_semaphore, #tpu.memory_space<semaphore_mem>>)
      %dma_wait3A_37 = tpu.memref_slice %arg3[%mul3A_6] : memref<335872xi32, #tpu.memory_space<hbm>> -> memref<128xi32, #tpu.memory_space<hbm>>
      %dma_wait3A_38 = tpu.memref_slice %arg3[%mul3A_6] : memref<335872xi32, #tpu.memory_space<hbm>> -> memref<128xi32, #tpu.memory_space<hbm>>
      tpu.wait_dma2 semaphore(%run_scoped3A : memref<!tpu.dma_semaphore, #tpu.memory_space<semaphore_mem>>) src(%dma_wait3A_38 : memref<128xi32, #tpu.memory_space<hbm>>) dst(%arg8 : memref<128xi32, #tpu.memory_space<vmem>>)
      tpu.yield
    }) : () -> ()
    "tpu.region"() ({
      %run_scoped3A = tpu.sem_alloc : memref<!tpu.dma_semaphore, #tpu.memory_space<semaphore_mem>>
      %dma_start3A_35 = tpu.memref_slice %arg4[%mul3A_6] : memref<335872xi32, #tpu.memory_space<hbm>> -> memref<128xi32, #tpu.memory_space<hbm>>
      %dma_start3A_36 = tpu.memref_slice %arg4[%mul3A_6] : memref<335872xi32, #tpu.memory_space<hbm>> -> memref<128xi32, #tpu.memory_space<hbm>>
      tpu.enqueue_dma source(%dma_start3A_36 : memref<128xi32, #tpu.memory_space<hbm>>) target(%arg9 : memref<128xi32, #tpu.memory_space<vmem>>) target_semaphore(%run_scoped3A : memref<!tpu.dma_semaphore, #tpu.memory_space<semaphore_mem>>)
      %dma_wait3A_37 = tpu.memref_slice %arg4[%mul3A_6] : memref<335872xi32, #tpu.memory_space<hbm>> -> memref<128xi32, #tpu.memory_space<hbm>>
      %dma_wait3A_38 = tpu.memref_slice %arg4[%mul3A_6] : memref<335872xi32, #tpu.memory_space<hbm>> -> memref<128xi32, #tpu.memory_space<hbm>>
      tpu.wait_dma2 semaphore(%run_scoped3A : memref<!tpu.dma_semaphore, #tpu.memory_space<semaphore_mem>>) src(%dma_wait3A_38 : memref<128xi32, #tpu.memory_space<hbm>>) dst(%arg9 : memref<128xi32, #tpu.memory_space<vmem>>)
      tpu.yield
    }) : () -> ()
    %add3A_7 = arith.constant 128 : i32
    %add3A_8 = arith.addi %mul3A_6, %add3A_7 : i32
    %dma_start3A = tpu.memref_slice %arg3[%add3A_8] : memref<335872xi32, #tpu.memory_space<hbm>> -> memref<128xi32, #tpu.memory_space<hbm>>
    %dma_start3A_9 = tpu.memref_slice %arg3[%add3A_8] : memref<335872xi32, #tpu.memory_space<hbm>> -> memref<128xi32, #tpu.memory_space<hbm>>
    tpu.enqueue_dma source(%dma_start3A_9 : memref<128xi32, #tpu.memory_space<hbm>>) target(%arg10 : memref<128xi32, #tpu.memory_space<vmem>>) target_semaphore(%arg17 : memref<!tpu.dma_semaphore, #tpu.memory_space<semaphore_mem>>)
    %add3A_10 = arith.constant 128 : i32
    %add3A_11 = arith.addi %mul3A_6, %add3A_10 : i32
    %dma_start3A_12 = tpu.memref_slice %arg4[%add3A_11] : memref<335872xi32, #tpu.memory_space<hbm>> -> memref<128xi32, #tpu.memory_space<hbm>>
    %dma_start3A_13 = tpu.memref_slice %arg4[%add3A_11] : memref<335872xi32, #tpu.memory_space<hbm>> -> memref<128xi32, #tpu.memory_space<hbm>>
    tpu.enqueue_dma source(%dma_start3A_13 : memref<128xi32, #tpu.memory_space<hbm>>) target(%arg11 : memref<128xi32, #tpu.memory_space<vmem>>) target_semaphore(%arg17 : memref<!tpu.dma_semaphore, #tpu.memory_space<semaphore_mem>>)
    "tpu.region"() ({
      %run_scoped3A = tpu.sem_alloc : memref<!tpu.dma_semaphore, #tpu.memory_space<semaphore_mem>>
      %dma_start3A_35 = arith.constant 0 : i32
      %dma_start3A_36 = tpu.memref_slice %arg14[%mul3A_2, %dma_start3A_35] : memref<10240x128xf32, #tpu.memory_space<vmem_shared>> -> memref<640x128xf32, #tpu.memory_space<vmem_shared>>
      %dma_start3A_37 = arith.constant 0 : i32
      %dma_start3A_38 = tpu.memref_slice %arg5[%mul3A_2, %dma_start3A_37] : memref<10240x128xf32, #tpu.memory_space<hbm>> -> memref<640x128xf32, #tpu.memory_space<hbm>>
      tpu.enqueue_dma source(%dma_start3A_38 : memref<640x128xf32, #tpu.memory_space<hbm>>) target(%dma_start3A_36 : memref<640x128xf32, #tpu.memory_space<vmem_shared>>) target_semaphore(%run_scoped3A : memref<!tpu.dma_semaphore, #tpu.memory_space<semaphore_mem>>)
      %dma_wait3A_39 = arith.constant 0 : i32
      %dma_wait3A_40 = tpu.memref_slice %arg14[%mul3A_2, %dma_wait3A_39] : memref<10240x128xf32, #tpu.memory_space<vmem_shared>> -> memref<640x128xf32, #tpu.memory_space<vmem_shared>>
      %dma_wait3A_41 = arith.constant 0 : i32
      %dma_wait3A_42 = tpu.memref_slice %arg5[%mul3A_2, %dma_wait3A_41] : memref<10240x128xf32, #tpu.memory_space<hbm>> -> memref<640x128xf32, #tpu.memory_space<hbm>>
      tpu.wait_dma2 semaphore(%run_scoped3A : memref<!tpu.dma_semaphore, #tpu.memory_space<semaphore_mem>>) src(%dma_wait3A_42 : memref<640x128xf32, #tpu.memory_space<hbm>>) dst(%dma_wait3A_40 : memref<640x128xf32, #tpu.memory_space<vmem_shared>>)
      tpu.yield
    }) : () -> ()
    %barrier3A = arith.constant 0 : index
    tpu.barrier barrier_id(%barrier3A)
    %dma_start3A_14 = arith.constant 0 : i32
    %dma_start3A_15 = arith.constant 0 : i32
    %dma_start3A_16 = tpu.memref_slice %arg2[%dma_start3A_14, %dma_start3A_15] : memref<10240x128xf32, #tpu.memory_space<hbm>> -> memref<10240x128xf32, #tpu.memory_space<hbm>>
    tpu.enqueue_indirect_dma source(%dma_start3A_16 : memref<10240x128xf32, #tpu.memory_space<hbm>>) target(%arg12 : memref<128x128xf32, #tpu.memory_space<vmem>>) offsets(%arg8 : memref<128xi32, #tpu.memory_space<vmem>>) semaphore(%arg15 : memref<!tpu.dma_semaphore, #tpu.memory_space<semaphore_mem>>)
    %scan3A = arith.constant 0 : i32
    %scan3A_17 = arith.constant 40 : i32
    %scan3A_18 = arith.addi %scan3A, %scan3A_17 : i32
    %scan3A_19 = arith.constant 1 : i32
    scf.for %scan3A_35 = %scan3A to %scan3A_18 step %scan3A_19  : i32 {
      %mul3A_36 = arith.constant 2 : i32
      %mul3A_37 = arith.muli %scan3A_35, %mul3A_36 : i32
      %add3A_38 = arith.constant 0 : i32
      %add3A_39 = arith.addi %add3A_38, %mul3A_37 : i32
      %add3A_40 = arith.constant 1 : i32
      %add3A_41 = arith.addi %add3A_39, %add3A_40 : i32
      %mul3A_42 = arith.constant 128 : i32
      %mul3A_43 = arith.muli %add3A_41, %mul3A_42 : i32
      %add3A_44 = arith.addi %mul3A_6, %mul3A_43 : i32
      %dma_wait3A_45 = tpu.memref_slice %arg3[%add3A_44] : memref<335872xi32, #tpu.memory_space<hbm>> -> memref<128xi32, #tpu.memory_space<hbm>>
      %dma_wait3A_46 = tpu.memref_slice %arg3[%add3A_44] : memref<335872xi32, #tpu.memory_space<hbm>> -> memref<128xi32, #tpu.memory_space<hbm>>
      tpu.wait_dma2 semaphore(%arg17 : memref<!tpu.dma_semaphore, #tpu.memory_space<semaphore_mem>>) src(%dma_wait3A_46 : memref<128xi32, #tpu.memory_space<hbm>>) dst(%arg10 : memref<128xi32, #tpu.memory_space<vmem>>)
      %dma_wait3A_47 = tpu.memref_slice %arg4[%add3A_44] : memref<335872xi32, #tpu.memory_space<hbm>> -> memref<128xi32, #tpu.memory_space<hbm>>
      %dma_wait3A_48 = tpu.memref_slice %arg4[%add3A_44] : memref<335872xi32, #tpu.memory_space<hbm>> -> memref<128xi32, #tpu.memory_space<hbm>>
      tpu.wait_dma2 semaphore(%arg17 : memref<!tpu.dma_semaphore, #tpu.memory_space<semaphore_mem>>) src(%dma_wait3A_48 : memref<128xi32, #tpu.memory_space<hbm>>) dst(%arg11 : memref<128xi32, #tpu.memory_space<vmem>>)
      %dma_start3A_49 = arith.constant 0 : i32
      %dma_start3A_50 = arith.constant 0 : i32
      %dma_start3A_51 = tpu.memref_slice %arg2[%dma_start3A_49, %dma_start3A_50] : memref<10240x128xf32, #tpu.memory_space<hbm>> -> memref<10240x128xf32, #tpu.memory_space<hbm>>
      tpu.enqueue_indirect_dma source(%dma_start3A_51 : memref<10240x128xf32, #tpu.memory_space<hbm>>) target(%arg13 : memref<128x128xf32, #tpu.memory_space<vmem>>) offsets(%arg10 : memref<128xi32, #tpu.memory_space<vmem>>) semaphore(%arg16 : memref<!tpu.dma_semaphore, #tpu.memory_space<semaphore_mem>>)
      %dma_wait3A_52 = arith.constant 0 : i32
      %dma_wait3A_53 = arith.constant 0 : i32
      %dma_wait3A_54 = tpu.memref_slice %arg2[%dma_wait3A_52, %dma_wait3A_53] : memref<10240x128xf32, #tpu.memory_space<hbm>> -> memref<10240x128xf32, #tpu.memory_space<hbm>>
      tpu.wait_indirect_dma semaphore(%arg15 : memref<!tpu.dma_semaphore, #tpu.memory_space<semaphore_mem>>) src(%dma_wait3A_54 : memref<10240x128xf32, #tpu.memory_space<hbm>>) dst(%arg12 : memref<128x128xf32, #tpu.memory_space<vmem>>)
      "tpu.region"() ({
        %run_scoped3A = tpu.sem_alloc : memref<!tpu.dma_semaphore, #tpu.memory_space<semaphore_mem>>
        %dma_start3A_90 = arith.constant 0 : i32
        %dma_start3A_91 = arith.constant 0 : i32
        %dma_start3A_92 = tpu.memref_slice %arg14[%dma_start3A_90, %dma_start3A_91] : memref<10240x128xf32, #tpu.memory_space<vmem_shared>> -> memref<10240x128xf32, #tpu.memory_space<vmem_shared>>
        tpu.enqueue_indirect_dma source(%arg12 : memref<128x128xf32, #tpu.memory_space<vmem>>) target(%dma_start3A_92 : memref<10240x128xf32, #tpu.memory_space<vmem_shared>>) offsets(%arg9 : memref<128xi32, #tpu.memory_space<vmem>>) semaphore(%run_scoped3A : memref<!tpu.dma_semaphore, #tpu.memory_space<semaphore_mem>>) {add = true}
        %dma_wait3A_93 = arith.constant 0 : i32
        %dma_wait3A_94 = arith.constant 0 : i32
        %dma_wait3A_95 = tpu.memref_slice %arg14[%dma_wait3A_93, %dma_wait3A_94] : memref<10240x128xf32, #tpu.memory_space<vmem_shared>> -> memref<10240x128xf32, #tpu.memory_space<vmem_shared>>
        tpu.wait_indirect_dma semaphore(%run_scoped3A : memref<!tpu.dma_semaphore, #tpu.memory_space<semaphore_mem>>) src(%arg12 : memref<128x128xf32, #tpu.memory_space<vmem>>) dst(%dma_wait3A_95 : memref<10240x128xf32, #tpu.memory_space<vmem_shared>>)
        tpu.yield
      }) : () -> ()
      %add3A_55 = arith.constant 2 : i32
      %add3A_56 = arith.addi %add3A_39, %add3A_55 : i32
      %mul3A_57 = arith.constant 128 : i32
      %mul3A_58 = arith.muli %add3A_56, %mul3A_57 : i32
      %add3A_59 = arith.addi %mul3A_6, %mul3A_58 : i32
      %dma_start3A_60 = tpu.memref_slice %arg3[%add3A_59] : memref<335872xi32, #tpu.memory_space<hbm>> -> memref<128xi32, #tpu.memory_space<hbm>>
      %dma_start3A_61 = tpu.memref_slice %arg3[%add3A_59] : memref<335872xi32, #tpu.memory_space<hbm>> -> memref<128xi32, #tpu.memory_space<hbm>>
      tpu.enqueue_dma source(%dma_start3A_61 : memref<128xi32, #tpu.memory_space<hbm>>) target(%arg8 : memref<128xi32, #tpu.memory_space<vmem>>) target_semaphore(%arg17 : memref<!tpu.dma_semaphore, #tpu.memory_space<semaphore_mem>>)
      %dma_start3A_62 = tpu.memref_slice %arg4[%add3A_59] : memref<335872xi32, #tpu.memory_space<hbm>> -> memref<128xi32, #tpu.memory_space<hbm>>
      %dma_start3A_63 = tpu.memref_slice %arg4[%add3A_59] : memref<335872xi32, #tpu.memory_space<hbm>> -> memref<128xi32, #tpu.memory_space<hbm>>
      tpu.enqueue_dma source(%dma_start3A_63 : memref<128xi32, #tpu.memory_space<hbm>>) target(%arg9 : memref<128xi32, #tpu.memory_space<vmem>>) target_semaphore(%arg17 : memref<!tpu.dma_semaphore, #tpu.memory_space<semaphore_mem>>)
      %add3A_64 = arith.constant 1 : i32
      %add3A_65 = arith.addi %add3A_39, %add3A_64 : i32
      %add3A_66 = arith.constant 1 : i32
      %add3A_67 = arith.addi %add3A_65, %add3A_66 : i32
      %mul3A_68 = arith.constant 128 : i32
      %mul3A_69 = arith.muli %add3A_67, %mul3A_68 : i32
      %add3A_70 = arith.addi %mul3A_6, %mul3A_69 : i32
      %dma_wait3A_71 = tpu.memref_slice %arg3[%add3A_70] : memref<335872xi32, #tpu.memory_space<hbm>> -> memref<128xi32, #tpu.memory_space<hbm>>
      %dma_wait3A_72 = tpu.memref_slice %arg3[%add3A_70] : memref<335872xi32, #tpu.memory_space<hbm>> -> memref<128xi32, #tpu.memory_space<hbm>>
      tpu.wait_dma2 semaphore(%arg17 : memref<!tpu.dma_semaphore, #tpu.memory_space<semaphore_mem>>) src(%dma_wait3A_72 : memref<128xi32, #tpu.memory_space<hbm>>) dst(%arg8 : memref<128xi32, #tpu.memory_space<vmem>>)
      %dma_wait3A_73 = tpu.memref_slice %arg4[%add3A_70] : memref<335872xi32, #tpu.memory_space<hbm>> -> memref<128xi32, #tpu.memory_space<hbm>>
      %dma_wait3A_74 = tpu.memref_slice %arg4[%add3A_70] : memref<335872xi32, #tpu.memory_space<hbm>> -> memref<128xi32, #tpu.memory_space<hbm>>
      tpu.wait_dma2 semaphore(%arg17 : memref<!tpu.dma_semaphore, #tpu.memory_space<semaphore_mem>>) src(%dma_wait3A_74 : memref<128xi32, #tpu.memory_space<hbm>>) dst(%arg9 : memref<128xi32, #tpu.memory_space<vmem>>)
      %dma_start3A_75 = arith.constant 0 : i32
      %dma_start3A_76 = arith.constant 0 : i32
      %dma_start3A_77 = tpu.memref_slice %arg2[%dma_start3A_75, %dma_start3A_76] : memref<10240x128xf32, #tpu.memory_space<hbm>> -> memref<10240x128xf32, #tpu.memory_space<hbm>>
      tpu.enqueue_indirect_dma source(%dma_start3A_77 : memref<10240x128xf32, #tpu.memory_space<hbm>>) target(%arg12 : memref<128x128xf32, #tpu.memory_space<vmem>>) offsets(%arg8 : memref<128xi32, #tpu.memory_space<vmem>>) semaphore(%arg15 : memref<!tpu.dma_semaphore, #tpu.memory_space<semaphore_mem>>)
      %dma_wait3A_78 = arith.constant 0 : i32
      %dma_wait3A_79 = arith.constant 0 : i32
      %dma_wait3A_80 = tpu.memref_slice %arg2[%dma_wait3A_78, %dma_wait3A_79] : memref<10240x128xf32, #tpu.memory_space<hbm>> -> memref<10240x128xf32, #tpu.memory_space<hbm>>
      tpu.wait_indirect_dma semaphore(%arg16 : memref<!tpu.dma_semaphore, #tpu.memory_space<semaphore_mem>>) src(%dma_wait3A_80 : memref<10240x128xf32, #tpu.memory_space<hbm>>) dst(%arg13 : memref<128x128xf32, #tpu.memory_space<vmem>>)
      "tpu.region"() ({
        %run_scoped3A = tpu.sem_alloc : memref<!tpu.dma_semaphore, #tpu.memory_space<semaphore_mem>>
        %dma_start3A_90 = arith.constant 0 : i32
        %dma_start3A_91 = arith.constant 0 : i32
        %dma_start3A_92 = tpu.memref_slice %arg14[%dma_start3A_90, %dma_start3A_91] : memref<10240x128xf32, #tpu.memory_space<vmem_shared>> -> memref<10240x128xf32, #tpu.memory_space<vmem_shared>>
        tpu.enqueue_indirect_dma source(%arg13 : memref<128x128xf32, #tpu.memory_space<vmem>>) target(%dma_start3A_92 : memref<10240x128xf32, #tpu.memory_space<vmem_shared>>) offsets(%arg11 : memref<128xi32, #tpu.memory_space<vmem>>) semaphore(%run_scoped3A : memref<!tpu.dma_semaphore, #tpu.memory_space<semaphore_mem>>) {add = true}
        %dma_wait3A_93 = arith.constant 0 : i32
        %dma_wait3A_94 = arith.constant 0 : i32
        %dma_wait3A_95 = tpu.memref_slice %arg14[%dma_wait3A_93, %dma_wait3A_94] : memref<10240x128xf32, #tpu.memory_space<vmem_shared>> -> memref<10240x128xf32, #tpu.memory_space<vmem_shared>>
        tpu.wait_indirect_dma semaphore(%run_scoped3A : memref<!tpu.dma_semaphore, #tpu.memory_space<semaphore_mem>>) src(%arg13 : memref<128x128xf32, #tpu.memory_space<vmem>>) dst(%dma_wait3A_95 : memref<10240x128xf32, #tpu.memory_space<vmem_shared>>)
        tpu.yield
      }) : () -> ()
      %add3A_81 = arith.constant 2 : i32
      %add3A_82 = arith.addi %add3A_65, %add3A_81 : i32
      %mul3A_83 = arith.constant 128 : i32
      %mul3A_84 = arith.muli %add3A_82, %mul3A_83 : i32
      %add3A_85 = arith.addi %mul3A_6, %mul3A_84 : i32
      %dma_start3A_86 = tpu.memref_slice %arg3[%add3A_85] : memref<335872xi32, #tpu.memory_space<hbm>> -> memref<128xi32, #tpu.memory_space<hbm>>
      %dma_start3A_87 = tpu.memref_slice %arg3[%add3A_85] : memref<335872xi32, #tpu.memory_space<hbm>> -> memref<128xi32, #tpu.memory_space<hbm>>
      tpu.enqueue_dma source(%dma_start3A_87 : memref<128xi32, #tpu.memory_space<hbm>>) target(%arg10 : memref<128xi32, #tpu.memory_space<vmem>>) target_semaphore(%arg17 : memref<!tpu.dma_semaphore, #tpu.memory_space<semaphore_mem>>)
      %dma_start3A_88 = tpu.memref_slice %arg4[%add3A_85] : memref<335872xi32, #tpu.memory_space<hbm>> -> memref<128xi32, #tpu.memory_space<hbm>>
      %dma_start3A_89 = tpu.memref_slice %arg4[%add3A_85] : memref<335872xi32, #tpu.memory_space<hbm>> -> memref<128xi32, #tpu.memory_space<hbm>>
      tpu.enqueue_dma source(%dma_start3A_89 : memref<128xi32, #tpu.memory_space<hbm>>) target(%arg11 : memref<128xi32, #tpu.memory_space<vmem>>) target_semaphore(%arg17 : memref<!tpu.dma_semaphore, #tpu.memory_space<semaphore_mem>>)
    }
    %scan3A_20 = arith.constant 40 : i32
    %dma_wait3A = arith.constant 0 : i32
    %dma_wait3A_21 = arith.constant 0 : i32
    %dma_wait3A_22 = tpu.memref_slice %arg2[%dma_wait3A, %dma_wait3A_21] : memref<10240x128xf32, #tpu.memory_space<hbm>> -> memref<10240x128xf32, #tpu.memory_space<hbm>>
    tpu.wait_indirect_dma semaphore(%arg15 : memref<!tpu.dma_semaphore, #tpu.memory_space<semaphore_mem>>) src(%dma_wait3A_22 : memref<10240x128xf32, #tpu.memory_space<hbm>>) dst(%arg12 : memref<128x128xf32, #tpu.memory_space<vmem>>)
    %dma_wait3A_23 = tpu.memref_slice %arg3[%mul3A_6] : memref<335872xi32, #tpu.memory_space<hbm>> -> memref<128xi32, #tpu.memory_space<hbm>>
    %dma_wait3A_24 = tpu.memref_slice %arg3[%mul3A_6] : memref<335872xi32, #tpu.memory_space<hbm>> -> memref<128xi32, #tpu.memory_space<hbm>>
    tpu.wait_dma2 semaphore(%arg17 : memref<!tpu.dma_semaphore, #tpu.memory_space<semaphore_mem>>) src(%dma_wait3A_24 : memref<128xi32, #tpu.memory_space<hbm>>) dst(%arg10 : memref<128xi32, #tpu.memory_space<vmem>>)
    %dma_wait3A_25 = tpu.memref_slice %arg4[%mul3A_6] : memref<335872xi32, #tpu.memory_space<hbm>> -> memref<128xi32, #tpu.memory_space<hbm>>
    %dma_wait3A_26 = tpu.memref_slice %arg4[%mul3A_6] : memref<335872xi32, #tpu.memory_space<hbm>> -> memref<128xi32, #tpu.memory_space<hbm>>
    tpu.wait_dma2 semaphore(%arg17 : memref<!tpu.dma_semaphore, #tpu.memory_space<semaphore_mem>>) src(%dma_wait3A_26 : memref<128xi32, #tpu.memory_space<hbm>>) dst(%arg11 : memref<128xi32, #tpu.memory_space<vmem>>)
    %barrier3A_27 = arith.constant 0 : index
    tpu.barrier barrier_id(%barrier3A_27)
    %eq3A = arith.constant 0 : i32
    %eq3A_28 = arith.cmpi eq, %arg0, %eq3A : i32
    %convert_element_type3A = arith.extui %eq3A_28 : i1 to i32
    %cond3A = arith.constant 0 : i32
    %cond3A_29 = arith.cmpi ne, %convert_element_type3A, %cond3A : i32
    scf.if %cond3A_29 {
      "tpu.region"() ({
        %run_scoped3A = tpu.sem_alloc : memref<!tpu.dma_semaphore, #tpu.memory_space<semaphore_mem>>
        %dma_start3A_35 = arith.constant 0 : i32
        %dma_start3A_36 = tpu.memref_slice %arg6[%mul3A_2, %dma_start3A_35] : memref<10240x128xf32, #tpu.memory_space<hbm>> -> memref<640x128xf32, #tpu.memory_space<hbm>>
        %dma_start3A_37 = arith.constant 0 : i32
        %dma_start3A_38 = tpu.memref_slice %arg14[%mul3A_2, %dma_start3A_37] : memref<10240x128xf32, #tpu.memory_space<vmem_shared>> -> memref<640x128xf32, #tpu.memory_space<vmem_shared>>
        tpu.enqueue_dma source(%dma_start3A_38 : memref<640x128xf32, #tpu.memory_space<vmem_shared>>) target(%dma_start3A_36 : memref<640x128xf32, #tpu.memory_space<hbm>>) target_semaphore(%run_scoped3A : memref<!tpu.dma_semaphore, #tpu.memory_space<semaphore_mem>>)
        %dma_wait3A_39 = arith.constant 0 : i32
        %dma_wait3A_40 = tpu.memref_slice %arg6[%mul3A_2, %dma_wait3A_39] : memref<10240x128xf32, #tpu.memory_space<hbm>> -> memref<640x128xf32, #tpu.memory_space<hbm>>
        %dma_wait3A_41 = arith.constant 0 : i32
        %dma_wait3A_42 = tpu.memref_slice %arg14[%mul3A_2, %dma_wait3A_41] : memref<10240x128xf32, #tpu.memory_space<vmem_shared>> -> memref<640x128xf32, #tpu.memory_space<vmem_shared>>
        tpu.wait_dma2 semaphore(%run_scoped3A : memref<!tpu.dma_semaphore, #tpu.memory_space<semaphore_mem>>) src(%dma_wait3A_42 : memref<640x128xf32, #tpu.memory_space<vmem_shared>>) dst(%dma_wait3A_40 : memref<640x128xf32, #tpu.memory_space<hbm>>)
        tpu.yield
      }) : () -> ()
    } else {
    }
    %eq3A_30 = arith.constant 1 : i32
    %eq3A_31 = arith.cmpi eq, %arg0, %eq3A_30 : i32
    %convert_element_type3A_32 = arith.extui %eq3A_31 : i1 to i32
    %cond3A_33 = arith.constant 0 : i32
    %cond3A_34 = arith.cmpi ne, %convert_element_type3A_32, %cond3A_33 : i32
    scf.if %cond3A_34 {
      "tpu.region"() ({
        %run_scoped3A = tpu.sem_alloc : memref<!tpu.dma_semaphore, #tpu.memory_space<semaphore_mem>>
        %dma_start3A_35 = arith.constant 0 : i32
        %dma_start3A_36 = tpu.memref_slice %arg7[%mul3A_2, %dma_start3A_35] : memref<10240x128xf32, #tpu.memory_space<hbm>> -> memref<640x128xf32, #tpu.memory_space<hbm>>
        %dma_start3A_37 = arith.constant 0 : i32
        %dma_start3A_38 = tpu.memref_slice %arg14[%mul3A_2, %dma_start3A_37] : memref<10240x128xf32, #tpu.memory_space<vmem_shared>> -> memref<640x128xf32, #tpu.memory_space<vmem_shared>>
        tpu.enqueue_dma source(%dma_start3A_38 : memref<640x128xf32, #tpu.memory_space<vmem_shared>>) target(%dma_start3A_36 : memref<640x128xf32, #tpu.memory_space<hbm>>) target_semaphore(%run_scoped3A : memref<!tpu.dma_semaphore, #tpu.memory_space<semaphore_mem>>)
        %dma_wait3A_39 = arith.constant 0 : i32
        %dma_wait3A_40 = tpu.memref_slice %arg7[%mul3A_2, %dma_wait3A_39] : memref<10240x128xf32, #tpu.memory_space<hbm>> -> memref<640x128xf32, #tpu.memory_space<hbm>>
        %dma_wait3A_41 = arith.constant 0 : i32
        %dma_wait3A_42 = tpu.memref_slice %arg14[%mul3A_2, %dma_wait3A_41] : memref<10240x128xf32, #tpu.memory_space<vmem_shared>> -> memref<640x128xf32, #tpu.memory_space<vmem_shared>>
        tpu.wait_dma2 semaphore(%run_scoped3A : memref<!tpu.dma_semaphore, #tpu.memory_space<semaphore_mem>>) src(%dma_wait3A_42 : memref<640x128xf32, #tpu.memory_space<vmem_shared>>) dst(%dma_wait3A_40 : memref<640x128xf32, #tpu.memory_space<hbm>>)
        tpu.yield
      }) : () -> ()
    } else {
    }
    return
  }
}

#map = affine_map<(d0, d1) -> (0, 0)>
#map1 = affine_map<(d0, d1) -> (0)>
module attributes {stable_mosaic.version = 14 : i64} {
  func.func @k(%arg0: i32, %arg1: i32, %arg2: memref<10240x128xf32, #tpu.memory_space<hbm>>, %arg3: memref<335872xi32, #tpu.memory_space<hbm>>, %arg4: memref<335872xi32, #tpu.memory_space<hbm>>, %arg5: memref<10240x128xf32, #tpu.memory_space<hbm>>, %arg6: memref<10240x128xf32, #tpu.memory_space<hbm>>, %arg7: memref<10240x128xf32, #tpu.memory_space<hbm>>, %arg8: memref<128xi32, #tpu.memory_space<vmem>>, %arg9: memref<128xi32, #tpu.memory_space<vmem>>, %arg10: memref<128xi32, #tpu.memory_space<vmem>>, %arg11: memref<128xi32, #tpu.memory_space<vmem>>, %arg12: memref<128x128xf32, #tpu.memory_space<vmem>>, %arg13: memref<128x128xf32, #tpu.memory_space<vmem>>, %arg14: memref<10240x128xf32, #tpu.memory_space<vmem_shared>>, %arg15: memref<!tpu.dma_semaphore, #tpu.memory_space<semaphore_mem>>, %arg16: memref<!tpu.dma_semaphore, #tpu.memory_space<semaphore_mem>>, %arg17: memref<!tpu.dma_semaphore, #tpu.memory_space<semaphore_mem>>) attributes {dimension_semantics = [#tpu.dimension_semantics<core_parallel>, #tpu.dimension_semantics<subcore_parallel>], iteration_bounds = array<i64: 2, 16>, scalar_prefetch = 0 : i64, scratch_operands = 10 : i64, tpu.core_type = #tpu.core_type<sc_vector_subcore>, window_params = [{transform_indices = #map}, {transform_indices = #map1}, {transform_indices = #map1}, {transform_indices = #map}, {transform_indices = #map}, {transform_indices = #map}]} {
    %mul3A = arith.constant 16 : i32
    %mul3A_0 = arith.muli %arg0, %mul3A : i32
    %add3A = arith.addi %mul3A_0, %arg1 : i32
    %mul3A_1 = arith.constant 640 : i32
    %mul3A_2 = arith.muli %arg1, %mul3A_1 : i32
    %mul3A_3 = arith.constant 82 : i32
    %mul3A_4 = arith.muli %add3A, %mul3A_3 : i32
    %mul3A_5 = arith.constant 128 : i32
    %mul3A_6 = arith.muli %mul3A_4, %mul3A_5 : i32
    "tpu.region"() ({
      %run_scoped3A = tpu.sem_alloc : memref<!tpu.dma_semaphore, #tpu.memory_space<semaphore_mem>>
      %dma_start3A_35 = tpu.memref_slice %arg3[%mul3A_6] : memref<335872xi32, #tpu.memory_space<hbm>> -> memref<128xi32, #tpu.memory_space<hbm>>
      %dma_start3A_36 = tpu.memref_slice %arg3[%mul3A_6] : memref<335872xi32, #tpu.memory_space<hbm>> -> memref<128xi32, #tpu.memory_space<hbm>>
      tpu.enqueue_dma source(%dma_start3A_36 : memref<128xi32, #tpu.memory_space<hbm>>) target(%arg8 : memref<128xi32, #tpu.memory_space<vmem>>) target_semaphore(%run_scoped3A : memref<!tpu.dma_semaphore, #tpu.memory_space<semaphore_mem>>)
      %dma_wait3A_37 = tpu.memref_slice %arg3[%mul3A_6] : memref<335872xi32, #tpu.memory_space<hbm>> -> memref<128xi32, #tpu.memory_space<hbm>>
      %dma_wait3A_38 = tpu.memref_slice %arg3[%mul3A_6] : memref<335872xi32, #tpu.memory_space<hbm>> -> memref<128xi32, #tpu.memory_space<hbm>>
      tpu.wait_dma2 semaphore(%run_scoped3A : memref<!tpu.dma_semaphore, #tpu.memory_space<semaphore_mem>>) src(%dma_wait3A_38 : memref<128xi32, #tpu.memory_space<hbm>>) dst(%arg8 : memref<128xi32, #tpu.memory_space<vmem>>)
      tpu.yield
    }) : () -> ()
    "tpu.region"() ({
      %run_scoped3A = tpu.sem_alloc : memref<!tpu.dma_semaphore, #tpu.memory_space<semaphore_mem>>
      %dma_start3A_35 = tpu.memref_slice %arg4[%mul3A_6] : memref<335872xi32, #tpu.memory_space<hbm>> -> memref<128xi32, #tpu.memory_space<hbm>>
      %dma_start3A_36 = tpu.memref_slice %arg4[%mul3A_6] : memref<335872xi32, #tpu.memory_space<hbm>> -> memref<128xi32, #tpu.memory_space<hbm>>
      tpu.enqueue_dma source(%dma_start3A_36 : memref<128xi32, #tpu.memory_space<hbm>>) target(%arg9 : memref<128xi32, #tpu.memory_space<vmem>>) target_semaphore(%run_scoped3A : memref<!tpu.dma_semaphore, #tpu.memory_space<semaphore_mem>>)
      %dma_wait3A_37 = tpu.memref_slice %arg4[%mul3A_6] : memref<335872xi32, #tpu.memory_space<hbm>> -> memref<128xi32, #tpu.memory_space<hbm>>
      %dma_wait3A_38 = tpu.memref_slice %arg4[%mul3A_6] : memref<335872xi32, #tpu.memory_space<hbm>> -> memref<128xi32, #tpu.memory_space<hbm>>
      tpu.wait_dma2 semaphore(%run_scoped3A : memref<!tpu.dma_semaphore, #tpu.memory_space<semaphore_mem>>) src(%dma_wait3A_38 : memref<128xi32, #tpu.memory_space<hbm>>) dst(%arg9 : memref<128xi32, #tpu.memory_space<vmem>>)
      tpu.yield
    }) : () -> ()
    %add3A_7 = arith.constant 128 : i32
    %add3A_8 = arith.addi %mul3A_6, %add3A_7 : i32
    %dma_start3A = tpu.memref_slice %arg3[%add3A_8] : memref<335872xi32, #tpu.memory_space<hbm>> -> memref<128xi32, #tpu.memory_space<hbm>>
    %dma_start3A_9 = tpu.memref_slice %arg3[%add3A_8] : memref<335872xi32, #tpu.memory_space<hbm>> -> memref<128xi32, #tpu.memory_space<hbm>>
    tpu.enqueue_dma source(%dma_start3A_9 : memref<128xi32, #tpu.memory_space<hbm>>) target(%arg10 : memref<128xi32, #tpu.memory_space<vmem>>) target_semaphore(%arg17 : memref<!tpu.dma_semaphore, #tpu.memory_space<semaphore_mem>>)
    %add3A_10 = arith.constant 128 : i32
    %add3A_11 = arith.addi %mul3A_6, %add3A_10 : i32
    %dma_start3A_12 = tpu.memref_slice %arg4[%add3A_11] : memref<335872xi32, #tpu.memory_space<hbm>> -> memref<128xi32, #tpu.memory_space<hbm>>
    %dma_start3A_13 = tpu.memref_slice %arg4[%add3A_11] : memref<335872xi32, #tpu.memory_space<hbm>> -> memref<128xi32, #tpu.memory_space<hbm>>
    tpu.enqueue_dma source(%dma_start3A_13 : memref<128xi32, #tpu.memory_space<hbm>>) target(%arg11 : memref<128xi32, #tpu.memory_space<vmem>>) target_semaphore(%arg17 : memref<!tpu.dma_semaphore, #tpu.memory_space<semaphore_mem>>)
    "tpu.region"() ({
      %run_scoped3A = tpu.sem_alloc : memref<!tpu.dma_semaphore, #tpu.memory_space<semaphore_mem>>
      %dma_start3A_35 = arith.constant 0 : i32
      %dma_start3A_36 = tpu.memref_slice %arg14[%mul3A_2, %dma_start3A_35] : memref<10240x128xf32, #tpu.memory_space<vmem_shared>> -> memref<640x128xf32, #tpu.memory_space<vmem_shared>>
      %dma_start3A_37 = arith.constant 0 : i32
      %dma_start3A_38 = tpu.memref_slice %arg5[%mul3A_2, %dma_start3A_37] : memref<10240x128xf32, #tpu.memory_space<hbm>> -> memref<640x128xf32, #tpu.memory_space<hbm>>
      tpu.enqueue_dma source(%dma_start3A_38 : memref<640x128xf32, #tpu.memory_space<hbm>>) target(%dma_start3A_36 : memref<640x128xf32, #tpu.memory_space<vmem_shared>>) target_semaphore(%run_scoped3A : memref<!tpu.dma_semaphore, #tpu.memory_space<semaphore_mem>>)
      %dma_wait3A_39 = arith.constant 0 : i32
      %dma_wait3A_40 = tpu.memref_slice %arg14[%mul3A_2, %dma_wait3A_39] : memref<10240x128xf32, #tpu.memory_space<vmem_shared>> -> memref<640x128xf32, #tpu.memory_space<vmem_shared>>
      %dma_wait3A_41 = arith.constant 0 : i32
      %dma_wait3A_42 = tpu.memref_slice %arg5[%mul3A_2, %dma_wait3A_41] : memref<10240x128xf32, #tpu.memory_space<hbm>> -> memref<640x128xf32, #tpu.memory_space<hbm>>
      tpu.wait_dma2 semaphore(%run_scoped3A : memref<!tpu.dma_semaphore, #tpu.memory_space<semaphore_mem>>) src(%dma_wait3A_42 : memref<640x128xf32, #tpu.memory_space<hbm>>) dst(%dma_wait3A_40 : memref<640x128xf32, #tpu.memory_space<vmem_shared>>)
      tpu.yield
    }) : () -> ()
    %barrier3A = arith.constant 0 : index
    tpu.barrier barrier_id(%barrier3A)
    %dma_start3A_14 = arith.constant 0 : i32
    %dma_start3A_15 = arith.constant 0 : i32
    %dma_start3A_16 = tpu.memref_slice %arg2[%dma_start3A_14, %dma_start3A_15] : memref<10240x128xf32, #tpu.memory_space<hbm>> -> memref<10240x128xf32, #tpu.memory_space<hbm>>
    tpu.enqueue_indirect_dma source(%dma_start3A_16 : memref<10240x128xf32, #tpu.memory_space<hbm>>) target(%arg12 : memref<128x128xf32, #tpu.memory_space<vmem>>) offsets(%arg8 : memref<128xi32, #tpu.memory_space<vmem>>) semaphore(%arg15 : memref<!tpu.dma_semaphore, #tpu.memory_space<semaphore_mem>>)
    %scan3A = arith.constant 0 : i32
    %scan3A_17 = arith.constant 40 : i32
    %scan3A_18 = arith.addi %scan3A, %scan3A_17 : i32
    %scan3A_19 = arith.constant 1 : i32
    scf.for %scan3A_35 = %scan3A to %scan3A_18 step %scan3A_19  : i32 {
      %mul3A_36 = arith.constant 2 : i32
      %mul3A_37 = arith.muli %scan3A_35, %mul3A_36 : i32
      %add3A_38 = arith.constant 0 : i32
      %add3A_39 = arith.addi %add3A_38, %mul3A_37 : i32
      %add3A_40 = arith.constant 1 : i32
      %add3A_41 = arith.addi %add3A_39, %add3A_40 : i32
      %mul3A_42 = arith.constant 128 : i32
      %mul3A_43 = arith.muli %add3A_41, %mul3A_42 : i32
      %add3A_44 = arith.addi %mul3A_6, %mul3A_43 : i32
      %dma_wait3A_45 = tpu.memref_slice %arg3[%add3A_44] : memref<335872xi32, #tpu.memory_space<hbm>> -> memref<128xi32, #tpu.memory_space<hbm>>
      %dma_wait3A_46 = tpu.memref_slice %arg3[%add3A_44] : memref<335872xi32, #tpu.memory_space<hbm>> -> memref<128xi32, #tpu.memory_space<hbm>>
      tpu.wait_dma2 semaphore(%arg17 : memref<!tpu.dma_semaphore, #tpu.memory_space<semaphore_mem>>) src(%dma_wait3A_46 : memref<128xi32, #tpu.memory_space<hbm>>) dst(%arg10 : memref<128xi32, #tpu.memory_space<vmem>>)
      %dma_wait3A_47 = tpu.memref_slice %arg4[%add3A_44] : memref<335872xi32, #tpu.memory_space<hbm>> -> memref<128xi32, #tpu.memory_space<hbm>>
      %dma_wait3A_48 = tpu.memref_slice %arg4[%add3A_44] : memref<335872xi32, #tpu.memory_space<hbm>> -> memref<128xi32, #tpu.memory_space<hbm>>
      tpu.wait_dma2 semaphore(%arg17 : memref<!tpu.dma_semaphore, #tpu.memory_space<semaphore_mem>>) src(%dma_wait3A_48 : memref<128xi32, #tpu.memory_space<hbm>>) dst(%arg11 : memref<128xi32, #tpu.memory_space<vmem>>)
      %dma_start3A_49 = arith.constant 0 : i32
      %dma_start3A_50 = arith.constant 0 : i32
      %dma_start3A_51 = tpu.memref_slice %arg2[%dma_start3A_49, %dma_start3A_50] : memref<10240x128xf32, #tpu.memory_space<hbm>> -> memref<10240x128xf32, #tpu.memory_space<hbm>>
      tpu.enqueue_indirect_dma source(%dma_start3A_51 : memref<10240x128xf32, #tpu.memory_space<hbm>>) target(%arg13 : memref<128x128xf32, #tpu.memory_space<vmem>>) offsets(%arg10 : memref<128xi32, #tpu.memory_space<vmem>>) semaphore(%arg16 : memref<!tpu.dma_semaphore, #tpu.memory_space<semaphore_mem>>)
      %dma_wait3A_52 = arith.constant 0 : i32
      %dma_wait3A_53 = arith.constant 0 : i32
      %dma_wait3A_54 = tpu.memref_slice %arg2[%dma_wait3A_52, %dma_wait3A_53] : memref<10240x128xf32, #tpu.memory_space<hbm>> -> memref<10240x128xf32, #tpu.memory_space<hbm>>
      tpu.wait_indirect_dma semaphore(%arg15 : memref<!tpu.dma_semaphore, #tpu.memory_space<semaphore_mem>>) src(%dma_wait3A_54 : memref<10240x128xf32, #tpu.memory_space<hbm>>) dst(%arg12 : memref<128x128xf32, #tpu.memory_space<vmem>>)
      "tpu.region"() ({
        %run_scoped3A = tpu.sem_alloc : memref<!tpu.dma_semaphore, #tpu.memory_space<semaphore_mem>>
        %dma_start3A_90 = arith.constant 0 : i32
        %dma_start3A_91 = arith.constant 0 : i32
        %dma_start3A_92 = tpu.memref_slice %arg14[%dma_start3A_90, %dma_start3A_91] : memref<10240x128xf32, #tpu.memory_space<vmem_shared>> -> memref<10240x128xf32, #tpu.memory_space<vmem_shared>>
        tpu.enqueue_indirect_dma source(%arg12 : memref<128x128xf32, #tpu.memory_space<vmem>>) target(%dma_start3A_92 : memref<10240x128xf32, #tpu.memory_space<vmem_shared>>) offsets(%arg9 : memref<128xi32, #tpu.memory_space<vmem>>) semaphore(%run_scoped3A : memref<!tpu.dma_semaphore, #tpu.memory_space<semaphore_mem>>) {add = true}
        %dma_wait3A_93 = arith.constant 0 : i32
        %dma_wait3A_94 = arith.constant 0 : i32
        %dma_wait3A_95 = tpu.memref_slice %arg14[%dma_wait3A_93, %dma_wait3A_94] : memref<10240x128xf32, #tpu.memory_space<vmem_shared>> -> memref<10240x128xf32, #tpu.memory_space<vmem_shared>>
        tpu.wait_indirect_dma semaphore(%run_scoped3A : memref<!tpu.dma_semaphore, #tpu.memory_space<semaphore_mem>>) src(%arg12 : memref<128x128xf32, #tpu.memory_space<vmem>>) dst(%dma_wait3A_95 : memref<10240x128xf32, #tpu.memory_space<vmem_shared>>)
        tpu.yield
      }) : () -> ()
      %add3A_55 = arith.constant 2 : i32
      %add3A_56 = arith.addi %add3A_39, %add3A_55 : i32
      %mul3A_57 = arith.constant 128 : i32
      %mul3A_58 = arith.muli %add3A_56, %mul3A_57 : i32
      %add3A_59 = arith.addi %mul3A_6, %mul3A_58 : i32
      %dma_start3A_60 = tpu.memref_slice %arg3[%add3A_59] : memref<335872xi32, #tpu.memory_space<hbm>> -> memref<128xi32, #tpu.memory_space<hbm>>
      %dma_start3A_61 = tpu.memref_slice %arg3[%add3A_59] : memref<335872xi32, #tpu.memory_space<hbm>> -> memref<128xi32, #tpu.memory_space<hbm>>
      tpu.enqueue_dma source(%dma_start3A_61 : memref<128xi32, #tpu.memory_space<hbm>>) target(%arg8 : memref<128xi32, #tpu.memory_space<vmem>>) target_semaphore(%arg17 : memref<!tpu.dma_semaphore, #tpu.memory_space<semaphore_mem>>)
      %dma_start3A_62 = tpu.memref_slice %arg4[%add3A_59] : memref<335872xi32, #tpu.memory_space<hbm>> -> memref<128xi32, #tpu.memory_space<hbm>>
      %dma_start3A_63 = tpu.memref_slice %arg4[%add3A_59] : memref<335872xi32, #tpu.memory_space<hbm>> -> memref<128xi32, #tpu.memory_space<hbm>>
      tpu.enqueue_dma source(%dma_start3A_63 : memref<128xi32, #tpu.memory_space<hbm>>) target(%arg9 : memref<128xi32, #tpu.memory_space<vmem>>) target_semaphore(%arg17 : memref<!tpu.dma_semaphore, #tpu.memory_space<semaphore_mem>>)
      %add3A_64 = arith.constant 1 : i32
      %add3A_65 = arith.addi %add3A_39, %add3A_64 : i32
      %add3A_66 = arith.constant 1 : i32
      %add3A_67 = arith.addi %add3A_65, %add3A_66 : i32
      %mul3A_68 = arith.constant 128 : i32
      %mul3A_69 = arith.muli %add3A_67, %mul3A_68 : i32
      %add3A_70 = arith.addi %mul3A_6, %mul3A_69 : i32
      %dma_wait3A_71 = tpu.memref_slice %arg3[%add3A_70] : memref<335872xi32, #tpu.memory_space<hbm>> -> memref<128xi32, #tpu.memory_space<hbm>>
      %dma_wait3A_72 = tpu.memref_slice %arg3[%add3A_70] : memref<335872xi32, #tpu.memory_space<hbm>> -> memref<128xi32, #tpu.memory_space<hbm>>
      tpu.wait_dma2 semaphore(%arg17 : memref<!tpu.dma_semaphore, #tpu.memory_space<semaphore_mem>>) src(%dma_wait3A_72 : memref<128xi32, #tpu.memory_space<hbm>>) dst(%arg8 : memref<128xi32, #tpu.memory_space<vmem>>)
      %dma_wait3A_73 = tpu.memref_slice %arg4[%add3A_70] : memref<335872xi32, #tpu.memory_space<hbm>> -> memref<128xi32, #tpu.memory_space<hbm>>
      %dma_wait3A_74 = tpu.memref_slice %arg4[%add3A_70] : memref<335872xi32, #tpu.memory_space<hbm>> -> memref<128xi32, #tpu.memory_space<hbm>>
      tpu.wait_dma2 semaphore(%arg17 : memref<!tpu.dma_semaphore, #tpu.memory_space<semaphore_mem>>) src(%dma_wait3A_74 : memref<128xi32, #tpu.memory_space<hbm>>) dst(%arg9 : memref<128xi32, #tpu.memory_space<vmem>>)
      %dma_start3A_75 = arith.constant 0 : i32
      %dma_start3A_76 = arith.constant 0 : i32
      %dma_start3A_77 = tpu.memref_slice %arg2[%dma_start3A_75, %dma_start3A_76] : memref<10240x128xf32, #tpu.memory_space<hbm>> -> memref<10240x128xf32, #tpu.memory_space<hbm>>
      tpu.enqueue_indirect_dma source(%dma_start3A_77 : memref<10240x128xf32, #tpu.memory_space<hbm>>) target(%arg12 : memref<128x128xf32, #tpu.memory_space<vmem>>) offsets(%arg8 : memref<128xi32, #tpu.memory_space<vmem>>) semaphore(%arg15 : memref<!tpu.dma_semaphore, #tpu.memory_space<semaphore_mem>>)
      %dma_wait3A_78 = arith.constant 0 : i32
      %dma_wait3A_79 = arith.constant 0 : i32
      %dma_wait3A_80 = tpu.memref_slice %arg2[%dma_wait3A_78, %dma_wait3A_79] : memref<10240x128xf32, #tpu.memory_space<hbm>> -> memref<10240x128xf32, #tpu.memory_space<hbm>>
      tpu.wait_indirect_dma semaphore(%arg16 : memref<!tpu.dma_semaphore, #tpu.memory_space<semaphore_mem>>) src(%dma_wait3A_80 : memref<10240x128xf32, #tpu.memory_space<hbm>>) dst(%arg13 : memref<128x128xf32, #tpu.memory_space<vmem>>)
      "tpu.region"() ({
        %run_scoped3A = tpu.sem_alloc : memref<!tpu.dma_semaphore, #tpu.memory_space<semaphore_mem>>
        %dma_start3A_90 = arith.constant 0 : i32
        %dma_start3A_91 = arith.constant 0 : i32
        %dma_start3A_92 = tpu.memref_slice %arg14[%dma_start3A_90, %dma_start3A_91] : memref<10240x128xf32, #tpu.memory_space<vmem_shared>> -> memref<10240x128xf32, #tpu.memory_space<vmem_shared>>
        tpu.enqueue_indirect_dma source(%arg13 : memref<128x128xf32, #tpu.memory_space<vmem>>) target(%dma_start3A_92 : memref<10240x128xf32, #tpu.memory_space<vmem_shared>>) offsets(%arg11 : memref<128xi32, #tpu.memory_space<vmem>>) semaphore(%run_scoped3A : memref<!tpu.dma_semaphore, #tpu.memory_space<semaphore_mem>>) {add = true}
        %dma_wait3A_93 = arith.constant 0 : i32
        %dma_wait3A_94 = arith.constant 0 : i32
        %dma_wait3A_95 = tpu.memref_slice %arg14[%dma_wait3A_93, %dma_wait3A_94] : memref<10240x128xf32, #tpu.memory_space<vmem_shared>> -> memref<10240x128xf32, #tpu.memory_space<vmem_shared>>
        tpu.wait_indirect_dma semaphore(%run_scoped3A : memref<!tpu.dma_semaphore, #tpu.memory_space<semaphore_mem>>) src(%arg13 : memref<128x128xf32, #tpu.memory_space<vmem>>) dst(%dma_wait3A_95 : memref<10240x128xf32, #tpu.memory_space<vmem_shared>>)
        tpu.yield
      }) : () -> ()
      %add3A_81 = arith.constant 2 : i32
      %add3A_82 = arith.addi %add3A_65, %add3A_81 : i32
      %mul3A_83 = arith.constant 128 : i32
      %mul3A_84 = arith.muli %add3A_82, %mul3A_83 : i32
      %add3A_85 = arith.addi %mul3A_6, %mul3A_84 : i32
      %dma_start3A_86 = tpu.memref_slice %arg3[%add3A_85] : memref<335872xi32, #tpu.memory_space<hbm>> -> memref<128xi32, #tpu.memory_space<hbm>>
      %dma_start3A_87 = tpu.memref_slice %arg3[%add3A_85] : memref<335872xi32, #tpu.memory_space<hbm>> -> memref<128xi32, #tpu.memory_space<hbm>>
      tpu.enqueue_dma source(%dma_start3A_87 : memref<128xi32, #tpu.memory_space<hbm>>) target(%arg10 : memref<128xi32, #tpu.memory_space<vmem>>) target_semaphore(%arg17 : memref<!tpu.dma_semaphore, #tpu.memory_space<semaphore_mem>>)
      %dma_start3A_88 = tpu.memref_slice %arg4[%add3A_85] : memref<335872xi32, #tpu.memory_space<hbm>> -> memref<128xi32, #tpu.memory_space<hbm>>
      %dma_start3A_89 = tpu.memref_slice %arg4[%add3A_85] : memref<335872xi32, #tpu.memory_space<hbm>> -> memref<128xi32, #tpu.memory_space<hbm>>
      tpu.enqueue_dma source(%dma_start3A_89 : memref<128xi32, #tpu.memory_space<hbm>>) target(%arg11 : memref<128xi32, #tpu.memory_space<vmem>>) target_semaphore(%arg17 : memref<!tpu.dma_semaphore, #tpu.memory_space<semaphore_mem>>)
    }
    %scan3A_20 = arith.constant 40 : i32
    %dma_wait3A = arith.constant 0 : i32
    %dma_wait3A_21 = arith.constant 0 : i32
    %dma_wait3A_22 = tpu.memref_slice %arg2[%dma_wait3A, %dma_wait3A_21] : memref<10240x128xf32, #tpu.memory_space<hbm>> -> memref<10240x128xf32, #tpu.memory_space<hbm>>
    tpu.wait_indirect_dma semaphore(%arg15 : memref<!tpu.dma_semaphore, #tpu.memory_space<semaphore_mem>>) src(%dma_wait3A_22 : memref<10240x128xf32, #tpu.memory_space<hbm>>) dst(%arg12 : memref<128x128xf32, #tpu.memory_space<vmem>>)
    %dma_wait3A_23 = tpu.memref_slice %arg3[%mul3A_6] : memref<335872xi32, #tpu.memory_space<hbm>> -> memref<128xi32, #tpu.memory_space<hbm>>
    %dma_wait3A_24 = tpu.memref_slice %arg3[%mul3A_6] : memref<335872xi32, #tpu.memory_space<hbm>> -> memref<128xi32, #tpu.memory_space<hbm>>
    tpu.wait_dma2 semaphore(%arg17 : memref<!tpu.dma_semaphore, #tpu.memory_space<semaphore_mem>>) src(%dma_wait3A_24 : memref<128xi32, #tpu.memory_space<hbm>>) dst(%arg10 : memref<128xi32, #tpu.memory_space<vmem>>)
    %dma_wait3A_25 = tpu.memref_slice %arg4[%mul3A_6] : memref<335872xi32, #tpu.memory_space<hbm>> -> memref<128xi32, #tpu.memory_space<hbm>>
    %dma_wait3A_26 = tpu.memref_slice %arg4[%mul3A_6] : memref<335872xi32, #tpu.memory_space<hbm>> -> memref<128xi32, #tpu.memory_space<hbm>>
    tpu.wait_dma2 semaphore(%arg17 : memref<!tpu.dma_semaphore, #tpu.memory_space<semaphore_mem>>) src(%dma_wait3A_26 : memref<128xi32, #tpu.memory_space<hbm>>) dst(%arg11 : memref<128xi32, #tpu.memory_space<vmem>>)
    %barrier3A_27 = arith.constant 0 : index
    tpu.barrier barrier_id(%barrier3A_27)
    %eq3A = arith.constant 0 : i32
    %eq3A_28 = arith.cmpi eq, %arg0, %eq3A : i32
    %convert_element_type3A = arith.extui %eq3A_28 : i1 to i32
    %cond3A = arith.constant 0 : i32
    %cond3A_29 = arith.cmpi ne, %convert_element_type3A, %cond3A : i32
    scf.if %cond3A_29 {
      "tpu.region"() ({
        %run_scoped3A = tpu.sem_alloc : memref<!tpu.dma_semaphore, #tpu.memory_space<semaphore_mem>>
        %dma_start3A_35 = arith.constant 0 : i32
        %dma_start3A_36 = tpu.memref_slice %arg6[%mul3A_2, %dma_start3A_35] : memref<10240x128xf32, #tpu.memory_space<hbm>> -> memref<640x128xf32, #tpu.memory_space<hbm>>
        %dma_start3A_37 = arith.constant 0 : i32
        %dma_start3A_38 = tpu.memref_slice %arg14[%mul3A_2, %dma_start3A_37] : memref<10240x128xf32, #tpu.memory_space<vmem_shared>> -> memref<640x128xf32, #tpu.memory_space<vmem_shared>>
        tpu.enqueue_dma source(%dma_start3A_38 : memref<640x128xf32, #tpu.memory_space<vmem_shared>>) target(%dma_start3A_36 : memref<640x128xf32, #tpu.memory_space<hbm>>) target_semaphore(%run_scoped3A : memref<!tpu.dma_semaphore, #tpu.memory_space<semaphore_mem>>)
        %dma_wait3A_39 = arith.constant 0 : i32
        %dma_wait3A_40 = tpu.memref_slice %arg6[%mul3A_2, %dma_wait3A_39] : memref<10240x128xf32, #tpu.memory_space<hbm>> -> memref<640x128xf32, #tpu.memory_space<hbm>>
        %dma_wait3A_41 = arith.constant 0 : i32
        %dma_wait3A_42 = tpu.memref_slice %arg14[%mul3A_2, %dma_wait3A_41] : memref<10240x128xf32, #tpu.memory_space<vmem_shared>> -> memref<640x128xf32, #tpu.memory_space<vmem_shared>>
        tpu.wait_dma2 semaphore(%run_scoped3A : memref<!tpu.dma_semaphore, #tpu.memory_space<semaphore_mem>>) src(%dma_wait3A_42 : memref<640x128xf32, #tpu.memory_space<vmem_shared>>) dst(%dma_wait3A_40 : memref<640x128xf32, #tpu.memory_space<hbm>>)
        tpu.yield
      }) : () -> ()
    } else {
    }
    %eq3A_30 = arith.constant 1 : i32
    %eq3A_31 = arith.cmpi eq, %arg0, %eq3A_30 : i32
    %convert_element_type3A_32 = arith.extui %eq3A_31 : i1 to i32
    %cond3A_33 = arith.constant 0 : i32
    %cond3A_34 = arith.cmpi ne, %convert_element_type3A_32, %cond3A_33 : i32
    scf.if %cond3A_34 {
      "tpu.region"() ({
        %run_scoped3A = tpu.sem_alloc : memref<!tpu.dma_semaphore, #tpu.memory_space<semaphore_mem>>
        %dma_start3A_35 = arith.constant 0 : i32
        %dma_start3A_36 = tpu.memref_slice %arg7[%mul3A_2, %dma_start3A_35] : memref<10240x128xf32, #tpu.memory_space<hbm>> -> memref<640x128xf32, #tpu.memory_space<hbm>>
        %dma_start3A_37 = arith.constant 0 : i32
        %dma_start3A_38 = tpu.memref_slice %arg14[%mul3A_2, %dma_start3A_37] : memref<10240x128xf32, #tpu.memory_space<vmem_shared>> -> memref<640x128xf32, #tpu.memory_space<vmem_shared>>
        tpu.enqueue_dma source(%dma_start3A_38 : memref<640x128xf32, #tpu.memory_space<vmem_shared>>) target(%dma_start3A_36 : memref<640x128xf32, #tpu.memory_space<hbm>>) target_semaphore(%run_scoped3A : memref<!tpu.dma_semaphore, #tpu.memory_space<semaphore_mem>>)
        %dma_wait3A_39 = arith.constant 0 : i32
        %dma_wait3A_40 = tpu.memref_slice %arg7[%mul3A_2, %dma_wait3A_39] : memref<10240x128xf32, #tpu.memory_space<hbm>> -> memref<640x128xf32, #tpu.memory_space<hbm>>
        %dma_wait3A_41 = arith.constant 0 : i32
        %dma_wait3A_42 = tpu.memref_slice %arg14[%mul3A_2, %dma_wait3A_41] : memref<10240x128xf32, #tpu.memory_space<vmem_shared>> -> memref<640x128xf32, #tpu.memory_space<vmem_shared>>
        tpu.wait_dma2 semaphore(%run_scoped3A : memref<!tpu.dma_semaphore, #tpu.memory_space<semaphore_mem>>) src(%dma_wait3A_42 : memref<640x128xf32, #tpu.memory_space<vmem_shared>>) dst(%dma_wait3A_40 : memref<640x128xf32, #tpu.memory_space<hbm>>)
        tpu.yield
      }) : () -> ()
    } else {
    }
    return
  }
}

#map = affine_map<(d0, d1) -> (0, 0)>
#map1 = affine_map<(d0, d1) -> (0)>
module attributes {stable_mosaic.version = 14 : i64} {
  func.func @k(%arg0: i32, %arg1: i32, %arg2: memref<10240x128xf32, #tpu.memory_space<hbm>>, %arg3: memref<335872xi32, #tpu.memory_space<hbm>>, %arg4: memref<335872xi32, #tpu.memory_space<hbm>>, %arg5: memref<10240x128xf32, #tpu.memory_space<hbm>>, %arg6: memref<10240x128xf32, #tpu.memory_space<hbm>>, %arg7: memref<10240x128xf32, #tpu.memory_space<hbm>>, %arg8: memref<128xi32, #tpu.memory_space<vmem>>, %arg9: memref<128xi32, #tpu.memory_space<vmem>>, %arg10: memref<128xi32, #tpu.memory_space<vmem>>, %arg11: memref<128xi32, #tpu.memory_space<vmem>>, %arg12: memref<128x128xf32, #tpu.memory_space<vmem>>, %arg13: memref<128x128xf32, #tpu.memory_space<vmem>>, %arg14: memref<10240x128xf32, #tpu.memory_space<vmem_shared>>, %arg15: memref<!tpu.dma_semaphore, #tpu.memory_space<semaphore_mem>>, %arg16: memref<!tpu.dma_semaphore, #tpu.memory_space<semaphore_mem>>, %arg17: memref<!tpu.dma_semaphore, #tpu.memory_space<semaphore_mem>>) attributes {dimension_semantics = [#tpu.dimension_semantics<core_parallel>, #tpu.dimension_semantics<subcore_parallel>], iteration_bounds = array<i64: 2, 16>, scalar_prefetch = 0 : i64, scratch_operands = 10 : i64, tpu.core_type = #tpu.core_type<sc_vector_subcore>, window_params = [{transform_indices = #map}, {transform_indices = #map1}, {transform_indices = #map1}, {transform_indices = #map}, {transform_indices = #map}, {transform_indices = #map}]} {
    %mul3A = arith.constant 16 : i32
    %mul3A_0 = arith.muli %arg0, %mul3A : i32
    %add3A = arith.addi %mul3A_0, %arg1 : i32
    %mul3A_1 = arith.constant 640 : i32
    %mul3A_2 = arith.muli %arg1, %mul3A_1 : i32
    %mul3A_3 = arith.constant 82 : i32
    %mul3A_4 = arith.muli %add3A, %mul3A_3 : i32
    %mul3A_5 = arith.constant 128 : i32
    %mul3A_6 = arith.muli %mul3A_4, %mul3A_5 : i32
    "tpu.region"() ({
      %run_scoped3A = tpu.sem_alloc : memref<!tpu.dma_semaphore, #tpu.memory_space<semaphore_mem>>
      %dma_start3A_35 = tpu.memref_slice %arg3[%mul3A_6] : memref<335872xi32, #tpu.memory_space<hbm>> -> memref<128xi32, #tpu.memory_space<hbm>>
      %dma_start3A_36 = tpu.memref_slice %arg3[%mul3A_6] : memref<335872xi32, #tpu.memory_space<hbm>> -> memref<128xi32, #tpu.memory_space<hbm>>
      tpu.enqueue_dma source(%dma_start3A_36 : memref<128xi32, #tpu.memory_space<hbm>>) target(%arg8 : memref<128xi32, #tpu.memory_space<vmem>>) target_semaphore(%run_scoped3A : memref<!tpu.dma_semaphore, #tpu.memory_space<semaphore_mem>>)
      %dma_wait3A_37 = tpu.memref_slice %arg3[%mul3A_6] : memref<335872xi32, #tpu.memory_space<hbm>> -> memref<128xi32, #tpu.memory_space<hbm>>
      %dma_wait3A_38 = tpu.memref_slice %arg3[%mul3A_6] : memref<335872xi32, #tpu.memory_space<hbm>> -> memref<128xi32, #tpu.memory_space<hbm>>
      tpu.wait_dma2 semaphore(%run_scoped3A : memref<!tpu.dma_semaphore, #tpu.memory_space<semaphore_mem>>) src(%dma_wait3A_38 : memref<128xi32, #tpu.memory_space<hbm>>) dst(%arg8 : memref<128xi32, #tpu.memory_space<vmem>>)
      tpu.yield
    }) : () -> ()
    "tpu.region"() ({
      %run_scoped3A = tpu.sem_alloc : memref<!tpu.dma_semaphore, #tpu.memory_space<semaphore_mem>>
      %dma_start3A_35 = tpu.memref_slice %arg4[%mul3A_6] : memref<335872xi32, #tpu.memory_space<hbm>> -> memref<128xi32, #tpu.memory_space<hbm>>
      %dma_start3A_36 = tpu.memref_slice %arg4[%mul3A_6] : memref<335872xi32, #tpu.memory_space<hbm>> -> memref<128xi32, #tpu.memory_space<hbm>>
      tpu.enqueue_dma source(%dma_start3A_36 : memref<128xi32, #tpu.memory_space<hbm>>) target(%arg9 : memref<128xi32, #tpu.memory_space<vmem>>) target_semaphore(%run_scoped3A : memref<!tpu.dma_semaphore, #tpu.memory_space<semaphore_mem>>)
      %dma_wait3A_37 = tpu.memref_slice %arg4[%mul3A_6] : memref<335872xi32, #tpu.memory_space<hbm>> -> memref<128xi32, #tpu.memory_space<hbm>>
      %dma_wait3A_38 = tpu.memref_slice %arg4[%mul3A_6] : memref<335872xi32, #tpu.memory_space<hbm>> -> memref<128xi32, #tpu.memory_space<hbm>>
      tpu.wait_dma2 semaphore(%run_scoped3A : memref<!tpu.dma_semaphore, #tpu.memory_space<semaphore_mem>>) src(%dma_wait3A_38 : memref<128xi32, #tpu.memory_space<hbm>>) dst(%arg9 : memref<128xi32, #tpu.memory_space<vmem>>)
      tpu.yield
    }) : () -> ()
    %add3A_7 = arith.constant 128 : i32
    %add3A_8 = arith.addi %mul3A_6, %add3A_7 : i32
    %dma_start3A = tpu.memref_slice %arg3[%add3A_8] : memref<335872xi32, #tpu.memory_space<hbm>> -> memref<128xi32, #tpu.memory_space<hbm>>
    %dma_start3A_9 = tpu.memref_slice %arg3[%add3A_8] : memref<335872xi32, #tpu.memory_space<hbm>> -> memref<128xi32, #tpu.memory_space<hbm>>
    tpu.enqueue_dma source(%dma_start3A_9 : memref<128xi32, #tpu.memory_space<hbm>>) target(%arg10 : memref<128xi32, #tpu.memory_space<vmem>>) target_semaphore(%arg17 : memref<!tpu.dma_semaphore, #tpu.memory_space<semaphore_mem>>)
    %add3A_10 = arith.constant 128 : i32
    %add3A_11 = arith.addi %mul3A_6, %add3A_10 : i32
    %dma_start3A_12 = tpu.memref_slice %arg4[%add3A_11] : memref<335872xi32, #tpu.memory_space<hbm>> -> memref<128xi32, #tpu.memory_space<hbm>>
    %dma_start3A_13 = tpu.memref_slice %arg4[%add3A_11] : memref<335872xi32, #tpu.memory_space<hbm>> -> memref<128xi32, #tpu.memory_space<hbm>>
    tpu.enqueue_dma source(%dma_start3A_13 : memref<128xi32, #tpu.memory_space<hbm>>) target(%arg11 : memref<128xi32, #tpu.memory_space<vmem>>) target_semaphore(%arg17 : memref<!tpu.dma_semaphore, #tpu.memory_space<semaphore_mem>>)
    "tpu.region"() ({
      %run_scoped3A = tpu.sem_alloc : memref<!tpu.dma_semaphore, #tpu.memory_space<semaphore_mem>>
      %dma_start3A_35 = arith.constant 0 : i32
      %dma_start3A_36 = tpu.memref_slice %arg14[%mul3A_2, %dma_start3A_35] : memref<10240x128xf32, #tpu.memory_space<vmem_shared>> -> memref<640x128xf32, #tpu.memory_space<vmem_shared>>
      %dma_start3A_37 = arith.constant 0 : i32
      %dma_start3A_38 = tpu.memref_slice %arg5[%mul3A_2, %dma_start3A_37] : memref<10240x128xf32, #tpu.memory_space<hbm>> -> memref<640x128xf32, #tpu.memory_space<hbm>>
      tpu.enqueue_dma source(%dma_start3A_38 : memref<640x128xf32, #tpu.memory_space<hbm>>) target(%dma_start3A_36 : memref<640x128xf32, #tpu.memory_space<vmem_shared>>) target_semaphore(%run_scoped3A : memref<!tpu.dma_semaphore, #tpu.memory_space<semaphore_mem>>)
      %dma_wait3A_39 = arith.constant 0 : i32
      %dma_wait3A_40 = tpu.memref_slice %arg14[%mul3A_2, %dma_wait3A_39] : memref<10240x128xf32, #tpu.memory_space<vmem_shared>> -> memref<640x128xf32, #tpu.memory_space<vmem_shared>>
      %dma_wait3A_41 = arith.constant 0 : i32
      %dma_wait3A_42 = tpu.memref_slice %arg5[%mul3A_2, %dma_wait3A_41] : memref<10240x128xf32, #tpu.memory_space<hbm>> -> memref<640x128xf32, #tpu.memory_space<hbm>>
      tpu.wait_dma2 semaphore(%run_scoped3A : memref<!tpu.dma_semaphore, #tpu.memory_space<semaphore_mem>>) src(%dma_wait3A_42 : memref<640x128xf32, #tpu.memory_space<hbm>>) dst(%dma_wait3A_40 : memref<640x128xf32, #tpu.memory_space<vmem_shared>>)
      tpu.yield
    }) : () -> ()
    %barrier3A = arith.constant 0 : index
    tpu.barrier barrier_id(%barrier3A)
    %dma_start3A_14 = arith.constant 0 : i32
    %dma_start3A_15 = arith.constant 0 : i32
    %dma_start3A_16 = tpu.memref_slice %arg2[%dma_start3A_14, %dma_start3A_15] : memref<10240x128xf32, #tpu.memory_space<hbm>> -> memref<10240x128xf32, #tpu.memory_space<hbm>>
    tpu.enqueue_indirect_dma source(%dma_start3A_16 : memref<10240x128xf32, #tpu.memory_space<hbm>>) target(%arg12 : memref<128x128xf32, #tpu.memory_space<vmem>>) offsets(%arg8 : memref<128xi32, #tpu.memory_space<vmem>>) semaphore(%arg15 : memref<!tpu.dma_semaphore, #tpu.memory_space<semaphore_mem>>)
    %scan3A = arith.constant 0 : i32
    %scan3A_17 = arith.constant 40 : i32
    %scan3A_18 = arith.addi %scan3A, %scan3A_17 : i32
    %scan3A_19 = arith.constant 1 : i32
    scf.for %scan3A_35 = %scan3A to %scan3A_18 step %scan3A_19  : i32 {
      %mul3A_36 = arith.constant 2 : i32
      %mul3A_37 = arith.muli %scan3A_35, %mul3A_36 : i32
      %add3A_38 = arith.constant 0 : i32
      %add3A_39 = arith.addi %add3A_38, %mul3A_37 : i32
      %add3A_40 = arith.constant 1 : i32
      %add3A_41 = arith.addi %add3A_39, %add3A_40 : i32
      %mul3A_42 = arith.constant 128 : i32
      %mul3A_43 = arith.muli %add3A_41, %mul3A_42 : i32
      %add3A_44 = arith.addi %mul3A_6, %mul3A_43 : i32
      %dma_wait3A_45 = tpu.memref_slice %arg3[%add3A_44] : memref<335872xi32, #tpu.memory_space<hbm>> -> memref<128xi32, #tpu.memory_space<hbm>>
      %dma_wait3A_46 = tpu.memref_slice %arg3[%add3A_44] : memref<335872xi32, #tpu.memory_space<hbm>> -> memref<128xi32, #tpu.memory_space<hbm>>
      tpu.wait_dma2 semaphore(%arg17 : memref<!tpu.dma_semaphore, #tpu.memory_space<semaphore_mem>>) src(%dma_wait3A_46 : memref<128xi32, #tpu.memory_space<hbm>>) dst(%arg10 : memref<128xi32, #tpu.memory_space<vmem>>)
      %dma_wait3A_47 = tpu.memref_slice %arg4[%add3A_44] : memref<335872xi32, #tpu.memory_space<hbm>> -> memref<128xi32, #tpu.memory_space<hbm>>
      %dma_wait3A_48 = tpu.memref_slice %arg4[%add3A_44] : memref<335872xi32, #tpu.memory_space<hbm>> -> memref<128xi32, #tpu.memory_space<hbm>>
      tpu.wait_dma2 semaphore(%arg17 : memref<!tpu.dma_semaphore, #tpu.memory_space<semaphore_mem>>) src(%dma_wait3A_48 : memref<128xi32, #tpu.memory_space<hbm>>) dst(%arg11 : memref<128xi32, #tpu.memory_space<vmem>>)
      %dma_start3A_49 = arith.constant 0 : i32
      %dma_start3A_50 = arith.constant 0 : i32
      %dma_start3A_51 = tpu.memref_slice %arg2[%dma_start3A_49, %dma_start3A_50] : memref<10240x128xf32, #tpu.memory_space<hbm>> -> memref<10240x128xf32, #tpu.memory_space<hbm>>
      tpu.enqueue_indirect_dma source(%dma_start3A_51 : memref<10240x128xf32, #tpu.memory_space<hbm>>) target(%arg13 : memref<128x128xf32, #tpu.memory_space<vmem>>) offsets(%arg10 : memref<128xi32, #tpu.memory_space<vmem>>) semaphore(%arg16 : memref<!tpu.dma_semaphore, #tpu.memory_space<semaphore_mem>>)
      %dma_wait3A_52 = arith.constant 0 : i32
      %dma_wait3A_53 = arith.constant 0 : i32
      %dma_wait3A_54 = tpu.memref_slice %arg2[%dma_wait3A_52, %dma_wait3A_53] : memref<10240x128xf32, #tpu.memory_space<hbm>> -> memref<10240x128xf32, #tpu.memory_space<hbm>>
      tpu.wait_indirect_dma semaphore(%arg15 : memref<!tpu.dma_semaphore, #tpu.memory_space<semaphore_mem>>) src(%dma_wait3A_54 : memref<10240x128xf32, #tpu.memory_space<hbm>>) dst(%arg12 : memref<128x128xf32, #tpu.memory_space<vmem>>)
      "tpu.region"() ({
        %run_scoped3A = tpu.sem_alloc : memref<!tpu.dma_semaphore, #tpu.memory_space<semaphore_mem>>
        %dma_start3A_90 = arith.constant 0 : i32
        %dma_start3A_91 = arith.constant 0 : i32
        %dma_start3A_92 = tpu.memref_slice %arg14[%dma_start3A_90, %dma_start3A_91] : memref<10240x128xf32, #tpu.memory_space<vmem_shared>> -> memref<10240x128xf32, #tpu.memory_space<vmem_shared>>
        tpu.enqueue_indirect_dma source(%arg12 : memref<128x128xf32, #tpu.memory_space<vmem>>) target(%dma_start3A_92 : memref<10240x128xf32, #tpu.memory_space<vmem_shared>>) offsets(%arg9 : memref<128xi32, #tpu.memory_space<vmem>>) semaphore(%run_scoped3A : memref<!tpu.dma_semaphore, #tpu.memory_space<semaphore_mem>>) {add = true}
        %dma_wait3A_93 = arith.constant 0 : i32
        %dma_wait3A_94 = arith.constant 0 : i32
        %dma_wait3A_95 = tpu.memref_slice %arg14[%dma_wait3A_93, %dma_wait3A_94] : memref<10240x128xf32, #tpu.memory_space<vmem_shared>> -> memref<10240x128xf32, #tpu.memory_space<vmem_shared>>
        tpu.wait_indirect_dma semaphore(%run_scoped3A : memref<!tpu.dma_semaphore, #tpu.memory_space<semaphore_mem>>) src(%arg12 : memref<128x128xf32, #tpu.memory_space<vmem>>) dst(%dma_wait3A_95 : memref<10240x128xf32, #tpu.memory_space<vmem_shared>>)
        tpu.yield
      }) : () -> ()
      %add3A_55 = arith.constant 2 : i32
      %add3A_56 = arith.addi %add3A_39, %add3A_55 : i32
      %mul3A_57 = arith.constant 128 : i32
      %mul3A_58 = arith.muli %add3A_56, %mul3A_57 : i32
      %add3A_59 = arith.addi %mul3A_6, %mul3A_58 : i32
      %dma_start3A_60 = tpu.memref_slice %arg3[%add3A_59] : memref<335872xi32, #tpu.memory_space<hbm>> -> memref<128xi32, #tpu.memory_space<hbm>>
      %dma_start3A_61 = tpu.memref_slice %arg3[%add3A_59] : memref<335872xi32, #tpu.memory_space<hbm>> -> memref<128xi32, #tpu.memory_space<hbm>>
      tpu.enqueue_dma source(%dma_start3A_61 : memref<128xi32, #tpu.memory_space<hbm>>) target(%arg8 : memref<128xi32, #tpu.memory_space<vmem>>) target_semaphore(%arg17 : memref<!tpu.dma_semaphore, #tpu.memory_space<semaphore_mem>>)
      %dma_start3A_62 = tpu.memref_slice %arg4[%add3A_59] : memref<335872xi32, #tpu.memory_space<hbm>> -> memref<128xi32, #tpu.memory_space<hbm>>
      %dma_start3A_63 = tpu.memref_slice %arg4[%add3A_59] : memref<335872xi32, #tpu.memory_space<hbm>> -> memref<128xi32, #tpu.memory_space<hbm>>
      tpu.enqueue_dma source(%dma_start3A_63 : memref<128xi32, #tpu.memory_space<hbm>>) target(%arg9 : memref<128xi32, #tpu.memory_space<vmem>>) target_semaphore(%arg17 : memref<!tpu.dma_semaphore, #tpu.memory_space<semaphore_mem>>)
      %add3A_64 = arith.constant 1 : i32
      %add3A_65 = arith.addi %add3A_39, %add3A_64 : i32
      %add3A_66 = arith.constant 1 : i32
      %add3A_67 = arith.addi %add3A_65, %add3A_66 : i32
      %mul3A_68 = arith.constant 128 : i32
      %mul3A_69 = arith.muli %add3A_67, %mul3A_68 : i32
      %add3A_70 = arith.addi %mul3A_6, %mul3A_69 : i32
      %dma_wait3A_71 = tpu.memref_slice %arg3[%add3A_70] : memref<335872xi32, #tpu.memory_space<hbm>> -> memref<128xi32, #tpu.memory_space<hbm>>
      %dma_wait3A_72 = tpu.memref_slice %arg3[%add3A_70] : memref<335872xi32, #tpu.memory_space<hbm>> -> memref<128xi32, #tpu.memory_space<hbm>>
      tpu.wait_dma2 semaphore(%arg17 : memref<!tpu.dma_semaphore, #tpu.memory_space<semaphore_mem>>) src(%dma_wait3A_72 : memref<128xi32, #tpu.memory_space<hbm>>) dst(%arg8 : memref<128xi32, #tpu.memory_space<vmem>>)
      %dma_wait3A_73 = tpu.memref_slice %arg4[%add3A_70] : memref<335872xi32, #tpu.memory_space<hbm>> -> memref<128xi32, #tpu.memory_space<hbm>>
      %dma_wait3A_74 = tpu.memref_slice %arg4[%add3A_70] : memref<335872xi32, #tpu.memory_space<hbm>> -> memref<128xi32, #tpu.memory_space<hbm>>
      tpu.wait_dma2 semaphore(%arg17 : memref<!tpu.dma_semaphore, #tpu.memory_space<semaphore_mem>>) src(%dma_wait3A_74 : memref<128xi32, #tpu.memory_space<hbm>>) dst(%arg9 : memref<128xi32, #tpu.memory_space<vmem>>)
      %dma_start3A_75 = arith.constant 0 : i32
      %dma_start3A_76 = arith.constant 0 : i32
      %dma_start3A_77 = tpu.memref_slice %arg2[%dma_start3A_75, %dma_start3A_76] : memref<10240x128xf32, #tpu.memory_space<hbm>> -> memref<10240x128xf32, #tpu.memory_space<hbm>>
      tpu.enqueue_indirect_dma source(%dma_start3A_77 : memref<10240x128xf32, #tpu.memory_space<hbm>>) target(%arg12 : memref<128x128xf32, #tpu.memory_space<vmem>>) offsets(%arg8 : memref<128xi32, #tpu.memory_space<vmem>>) semaphore(%arg15 : memref<!tpu.dma_semaphore, #tpu.memory_space<semaphore_mem>>)
      %dma_wait3A_78 = arith.constant 0 : i32
      %dma_wait3A_79 = arith.constant 0 : i32
      %dma_wait3A_80 = tpu.memref_slice %arg2[%dma_wait3A_78, %dma_wait3A_79] : memref<10240x128xf32, #tpu.memory_space<hbm>> -> memref<10240x128xf32, #tpu.memory_space<hbm>>
      tpu.wait_indirect_dma semaphore(%arg16 : memref<!tpu.dma_semaphore, #tpu.memory_space<semaphore_mem>>) src(%dma_wait3A_80 : memref<10240x128xf32, #tpu.memory_space<hbm>>) dst(%arg13 : memref<128x128xf32, #tpu.memory_space<vmem>>)
      "tpu.region"() ({
        %run_scoped3A = tpu.sem_alloc : memref<!tpu.dma_semaphore, #tpu.memory_space<semaphore_mem>>
        %dma_start3A_90 = arith.constant 0 : i32
        %dma_start3A_91 = arith.constant 0 : i32
        %dma_start3A_92 = tpu.memref_slice %arg14[%dma_start3A_90, %dma_start3A_91] : memref<10240x128xf32, #tpu.memory_space<vmem_shared>> -> memref<10240x128xf32, #tpu.memory_space<vmem_shared>>
        tpu.enqueue_indirect_dma source(%arg13 : memref<128x128xf32, #tpu.memory_space<vmem>>) target(%dma_start3A_92 : memref<10240x128xf32, #tpu.memory_space<vmem_shared>>) offsets(%arg11 : memref<128xi32, #tpu.memory_space<vmem>>) semaphore(%run_scoped3A : memref<!tpu.dma_semaphore, #tpu.memory_space<semaphore_mem>>) {add = true}
        %dma_wait3A_93 = arith.constant 0 : i32
        %dma_wait3A_94 = arith.constant 0 : i32
        %dma_wait3A_95 = tpu.memref_slice %arg14[%dma_wait3A_93, %dma_wait3A_94] : memref<10240x128xf32, #tpu.memory_space<vmem_shared>> -> memref<10240x128xf32, #tpu.memory_space<vmem_shared>>
        tpu.wait_indirect_dma semaphore(%run_scoped3A : memref<!tpu.dma_semaphore, #tpu.memory_space<semaphore_mem>>) src(%arg13 : memref<128x128xf32, #tpu.memory_space<vmem>>) dst(%dma_wait3A_95 : memref<10240x128xf32, #tpu.memory_space<vmem_shared>>)
        tpu.yield
      }) : () -> ()
      %add3A_81 = arith.constant 2 : i32
      %add3A_82 = arith.addi %add3A_65, %add3A_81 : i32
      %mul3A_83 = arith.constant 128 : i32
      %mul3A_84 = arith.muli %add3A_82, %mul3A_83 : i32
      %add3A_85 = arith.addi %mul3A_6, %mul3A_84 : i32
      %dma_start3A_86 = tpu.memref_slice %arg3[%add3A_85] : memref<335872xi32, #tpu.memory_space<hbm>> -> memref<128xi32, #tpu.memory_space<hbm>>
      %dma_start3A_87 = tpu.memref_slice %arg3[%add3A_85] : memref<335872xi32, #tpu.memory_space<hbm>> -> memref<128xi32, #tpu.memory_space<hbm>>
      tpu.enqueue_dma source(%dma_start3A_87 : memref<128xi32, #tpu.memory_space<hbm>>) target(%arg10 : memref<128xi32, #tpu.memory_space<vmem>>) target_semaphore(%arg17 : memref<!tpu.dma_semaphore, #tpu.memory_space<semaphore_mem>>)
      %dma_start3A_88 = tpu.memref_slice %arg4[%add3A_85] : memref<335872xi32, #tpu.memory_space<hbm>> -> memref<128xi32, #tpu.memory_space<hbm>>
      %dma_start3A_89 = tpu.memref_slice %arg4[%add3A_85] : memref<335872xi32, #tpu.memory_space<hbm>> -> memref<128xi32, #tpu.memory_space<hbm>>
      tpu.enqueue_dma source(%dma_start3A_89 : memref<128xi32, #tpu.memory_space<hbm>>) target(%arg11 : memref<128xi32, #tpu.memory_space<vmem>>) target_semaphore(%arg17 : memref<!tpu.dma_semaphore, #tpu.memory_space<semaphore_mem>>)
    }
    %scan3A_20 = arith.constant 40 : i32
    %dma_wait3A = arith.constant 0 : i32
    %dma_wait3A_21 = arith.constant 0 : i32
    %dma_wait3A_22 = tpu.memref_slice %arg2[%dma_wait3A, %dma_wait3A_21] : memref<10240x128xf32, #tpu.memory_space<hbm>> -> memref<10240x128xf32, #tpu.memory_space<hbm>>
    tpu.wait_indirect_dma semaphore(%arg15 : memref<!tpu.dma_semaphore, #tpu.memory_space<semaphore_mem>>) src(%dma_wait3A_22 : memref<10240x128xf32, #tpu.memory_space<hbm>>) dst(%arg12 : memref<128x128xf32, #tpu.memory_space<vmem>>)
    %dma_wait3A_23 = tpu.memref_slice %arg3[%mul3A_6] : memref<335872xi32, #tpu.memory_space<hbm>> -> memref<128xi32, #tpu.memory_space<hbm>>
    %dma_wait3A_24 = tpu.memref_slice %arg3[%mul3A_6] : memref<335872xi32, #tpu.memory_space<hbm>> -> memref<128xi32, #tpu.memory_space<hbm>>
    tpu.wait_dma2 semaphore(%arg17 : memref<!tpu.dma_semaphore, #tpu.memory_space<semaphore_mem>>) src(%dma_wait3A_24 : memref<128xi32, #tpu.memory_space<hbm>>) dst(%arg10 : memref<128xi32, #tpu.memory_space<vmem>>)
    %dma_wait3A_25 = tpu.memref_slice %arg4[%mul3A_6] : memref<335872xi32, #tpu.memory_space<hbm>> -> memref<128xi32, #tpu.memory_space<hbm>>
    %dma_wait3A_26 = tpu.memref_slice %arg4[%mul3A_6] : memref<335872xi32, #tpu.memory_space<hbm>> -> memref<128xi32, #tpu.memory_space<hbm>>
    tpu.wait_dma2 semaphore(%arg17 : memref<!tpu.dma_semaphore, #tpu.memory_space<semaphore_mem>>) src(%dma_wait3A_26 : memref<128xi32, #tpu.memory_space<hbm>>) dst(%arg11 : memref<128xi32, #tpu.memory_space<vmem>>)
    %barrier3A_27 = arith.constant 0 : index
    tpu.barrier barrier_id(%barrier3A_27)
    %eq3A = arith.constant 0 : i32
    %eq3A_28 = arith.cmpi eq, %arg0, %eq3A : i32
    %convert_element_type3A = arith.extui %eq3A_28 : i1 to i32
    %cond3A = arith.constant 0 : i32
    %cond3A_29 = arith.cmpi ne, %convert_element_type3A, %cond3A : i32
    scf.if %cond3A_29 {
      "tpu.region"() ({
        %run_scoped3A = tpu.sem_alloc : memref<!tpu.dma_semaphore, #tpu.memory_space<semaphore_mem>>
        %dma_start3A_35 = arith.constant 0 : i32
        %dma_start3A_36 = tpu.memref_slice %arg6[%mul3A_2, %dma_start3A_35] : memref<10240x128xf32, #tpu.memory_space<hbm>> -> memref<640x128xf32, #tpu.memory_space<hbm>>
        %dma_start3A_37 = arith.constant 0 : i32
        %dma_start3A_38 = tpu.memref_slice %arg14[%mul3A_2, %dma_start3A_37] : memref<10240x128xf32, #tpu.memory_space<vmem_shared>> -> memref<640x128xf32, #tpu.memory_space<vmem_shared>>
        tpu.enqueue_dma source(%dma_start3A_38 : memref<640x128xf32, #tpu.memory_space<vmem_shared>>) target(%dma_start3A_36 : memref<640x128xf32, #tpu.memory_space<hbm>>) target_semaphore(%run_scoped3A : memref<!tpu.dma_semaphore, #tpu.memory_space<semaphore_mem>>)
        %dma_wait3A_39 = arith.constant 0 : i32
        %dma_wait3A_40 = tpu.memref_slice %arg6[%mul3A_2, %dma_wait3A_39] : memref<10240x128xf32, #tpu.memory_space<hbm>> -> memref<640x128xf32, #tpu.memory_space<hbm>>
        %dma_wait3A_41 = arith.constant 0 : i32
        %dma_wait3A_42 = tpu.memref_slice %arg14[%mul3A_2, %dma_wait3A_41] : memref<10240x128xf32, #tpu.memory_space<vmem_shared>> -> memref<640x128xf32, #tpu.memory_space<vmem_shared>>
        tpu.wait_dma2 semaphore(%run_scoped3A : memref<!tpu.dma_semaphore, #tpu.memory_space<semaphore_mem>>) src(%dma_wait3A_42 : memref<640x128xf32, #tpu.memory_space<vmem_shared>>) dst(%dma_wait3A_40 : memref<640x128xf32, #tpu.memory_space<hbm>>)
        tpu.yield
      }) : () -> ()
    } else {
    }
    %eq3A_30 = arith.constant 1 : i32
    %eq3A_31 = arith.cmpi eq, %arg0, %eq3A_30 : i32
    %convert_element_type3A_32 = arith.extui %eq3A_31 : i1 to i32
    %cond3A_33 = arith.constant 0 : i32
    %cond3A_34 = arith.cmpi ne, %convert_element_type3A_32, %cond3A_33 : i32
    scf.if %cond3A_34 {
      "tpu.region"() ({
        %run_scoped3A = tpu.sem_alloc : memref<!tpu.dma_semaphore, #tpu.memory_space<semaphore_mem>>
        %dma_start3A_35 = arith.constant 0 : i32
        %dma_start3A_36 = tpu.memref_slice %arg7[%mul3A_2, %dma_start3A_35] : memref<10240x128xf32, #tpu.memory_space<hbm>> -> memref<640x128xf32, #tpu.memory_space<hbm>>
        %dma_start3A_37 = arith.constant 0 : i32
        %dma_start3A_38 = tpu.memref_slice %arg14[%mul3A_2, %dma_start3A_37] : memref<10240x128xf32, #tpu.memory_space<vmem_shared>> -> memref<640x128xf32, #tpu.memory_space<vmem_shared>>
        tpu.enqueue_dma source(%dma_start3A_38 : memref<640x128xf32, #tpu.memory_space<vmem_shared>>) target(%dma_start3A_36 : memref<640x128xf32, #tpu.memory_space<hbm>>) target_semaphore(%run_scoped3A : memref<!tpu.dma_semaphore, #tpu.memory_space<semaphore_mem>>)
        %dma_wait3A_39 = arith.constant 0 : i32
        %dma_wait3A_40 = tpu.memref_slice %arg7[%mul3A_2, %dma_wait3A_39] : memref<10240x128xf32, #tpu.memory_space<hbm>> -> memref<640x128xf32, #tpu.memory_space<hbm>>
        %dma_wait3A_41 = arith.constant 0 : i32
        %dma_wait3A_42 = tpu.memref_slice %arg14[%mul3A_2, %dma_wait3A_41] : memref<10240x128xf32, #tpu.memory_space<vmem_shared>> -> memref<640x128xf32, #tpu.memory_space<vmem_shared>>
        tpu.wait_dma2 semaphore(%run_scoped3A : memref<!tpu.dma_semaphore, #tpu.memory_space<semaphore_mem>>) src(%dma_wait3A_42 : memref<640x128xf32, #tpu.memory_space<vmem_shared>>) dst(%dma_wait3A_40 : memref<640x128xf32, #tpu.memory_space<hbm>>)
        tpu.yield
      }) : () -> ()
    } else {
    }
    return
  }
}

module attributes {stable_mosaic.version = 14 : i64} {
  func.func @_mm_body(%arg0: memref<10240x128xf32, #tpu.memory_space<vmem>>, %arg1: memref<128x128xf32, #tpu.memory_space<vmem>>, %arg2: memref<10240x128xf32, #tpu.memory_space<vmem>>) attributes {dimension_semantics = [], scalar_prefetch = 0 : i64, scratch_operands = 0 : i64, tpu.core_type = #tpu.core_type<tc>} {
    %get3A = arith.constant 0 : index
    %get3A_0 = arith.constant 0 : index
    %get3A_1 = vector.load %arg0[%get3A, %get3A_0] : memref<10240x128xf32, #tpu.memory_space<vmem>>, vector<10240x128xf32>
    %get3A_2 = arith.constant 0 : index
    %get3A_3 = arith.constant 0 : index
    %get3A_4 = vector.load %arg1[%get3A_2, %get3A_3] : memref<128x128xf32, #tpu.memory_space<vmem>>, vector<128x128xf32>
    %dot_general3A = arith.constant dense<0.000000e+00> : vector<10240x128xf32>
    %dot_general3A_5 = tpu.matmul %get3A_1, %get3A_4, %dot_general3A {dimension_numbers = #tpu.dot_dimension_numbers<[1], [0], [0], [1], [0, 0, 1, 1], [], []>, transpose_lhs_hint = false} : vector<10240x128xf32>, vector<128x128xf32>, vector<10240x128xf32> -> vector<10240x128xf32>
    %swap3A = arith.constant 0 : index
    %swap3A_6 = arith.constant 0 : index
    %swap3A_7 = vector.load %arg2[%swap3A, %swap3A_6] : memref<10240x128xf32, #tpu.memory_space<vmem>>, vector<10240x128xf32>
    tpu.vector_store %arg2[%swap3A, %swap3A_6], %dot_general3A_5 {strides = array<i32>} : memref<10240x128xf32, #tpu.memory_space<vmem>>, vector<10240x128xf32>,
    return
  }
}

module attributes {stable_mosaic.version = 14 : i64} {
  func.func @_fused_body(%arg0: memref<10240x128xf32, #tpu.memory_space<vmem>>, %arg1: memref<10240x128xf32, #tpu.memory_space<vmem>>, %arg2: memref<10240x128xf32, #tpu.memory_space<vmem>>, %arg3: memref<128x128xf32, #tpu.memory_space<vmem>>, %arg4: memref<10240x128xf32, #tpu.memory_space<vmem>>) attributes {dimension_semantics = [], scalar_prefetch = 0 : i64, scratch_operands = 0 : i64, tpu.core_type = #tpu.core_type<tc>} {
    %get3A = arith.constant 0 : index
    %get3A_0 = arith.constant 0 : index
    %get3A_1 = vector.load %arg0[%get3A, %get3A_0] : memref<10240x128xf32, #tpu.memory_space<vmem>>, vector<10240x128xf32>
    %get3A_2 = arith.constant 0 : index
    %get3A_3 = arith.constant 0 : index
    %get3A_4 = vector.load %arg1[%get3A_2, %get3A_3] : memref<10240x128xf32, #tpu.memory_space<vmem>>, vector<10240x128xf32>
    %add3A = arith.addf %get3A_1, %get3A_4 : vector<10240x128xf32>
    %get3A_5 = arith.constant 0 : index
    %get3A_6 = arith.constant 0 : index
    %get3A_7 = vector.load %arg2[%get3A_5, %get3A_6] : memref<10240x128xf32, #tpu.memory_space<vmem>>, vector<10240x128xf32>
    %add3A_8 = arith.addf %add3A, %get3A_7 : vector<10240x128xf32>
    %max3A = arith.constant 0.000000e+00 : f32
    %max3A_9 = vector.broadcast %max3A : f32 to vector<10240x128xf32>
    %max3A_10 = arith.maximumf %add3A_8, %max3A_9 : vector<10240x128xf32>
    %get3A_11 = arith.constant 0 : index
    %get3A_12 = arith.constant 0 : index
    %get3A_13 = vector.load %arg3[%get3A_11, %get3A_12] : memref<128x128xf32, #tpu.memory_space<vmem>>, vector<128x128xf32>
    %dot_general3A = arith.constant dense<0.000000e+00> : vector<10240x128xf32>
    %dot_general3A_14 = tpu.matmul %max3A_10, %get3A_13, %dot_general3A {dimension_numbers = #tpu.dot_dimension_numbers<[1], [0], [0], [1], [0, 0, 1, 1], [], []>, transpose_lhs_hint = false} : vector<10240x128xf32>, vector<128x128xf32>, vector<10240x128xf32> -> vector<10240x128xf32>
    %swap3A = arith.constant 0 : index
    %swap3A_15 = arith.constant 0 : index
    %swap3A_16 = vector.load %arg4[%swap3A, %swap3A_15] : memref<10240x128xf32, #tpu.memory_space<vmem>>, vector<10240x128xf32>
    tpu.vector_store %arg4[%swap3A, %swap3A_15], %dot_general3A_14 {strides = array<i32>} : memref<10240x128xf32, #tpu.memory_space<vmem>>, vector<10240x128xf32>,
    return
  }
}

module attributes {stable_mosaic.version = 14 : i64} {
  func.func @_pool_body(%arg0: memref<10240x128xf32, #tpu.memory_space<vmem>>, %arg1: memref<10240x128xf32, #tpu.memory_space<vmem>>, %arg2: memref<10240x128xf32, #tpu.memory_space<vmem>>, %arg3: memref<1x10240xi32, #tpu.memory_space<vmem>>, %arg4: memref<256x128xf32, #tpu.memory_space<vmem>>) attributes {dimension_semantics = [], scalar_prefetch = 0 : i64, scratch_operands = 0 : i64, tpu.core_type = #tpu.core_type<tc>} {
    %get3A = arith.constant 0 : index
    %get3A_0 = arith.constant 0 : index
    %get3A_1 = vector.load %arg0[%get3A, %get3A_0] : memref<10240x128xf32, #tpu.memory_space<vmem>>, vector<10240x128xf32>
    %get3A_2 = arith.constant 0 : index
    %get3A_3 = arith.constant 0 : index
    %get3A_4 = vector.load %arg1[%get3A_2, %get3A_3] : memref<10240x128xf32, #tpu.memory_space<vmem>>, vector<10240x128xf32>
    %add3A = arith.addf %get3A_1, %get3A_4 : vector<10240x128xf32>
    %get3A_5 = arith.constant 0 : index
    %get3A_6 = arith.constant 0 : index
    %get3A_7 = vector.load %arg2[%get3A_5, %get3A_6] : memref<10240x128xf32, #tpu.memory_space<vmem>>, vector<10240x128xf32>
    %add3A_8 = arith.addf %add3A, %get3A_7 : vector<10240x128xf32>
    %max3A = arith.constant 0.000000e+00 : f32
    %max3A_9 = vector.broadcast %max3A : f32 to vector<10240x128xf32>
    %max3A_10 = arith.maximumf %add3A_8, %max3A_9 : vector<10240x128xf32>
    %get3A_11 = arith.constant 0 : index
    %get3A_12 = arith.constant 0 : index
    %get3A_13 = vector.load %arg3[%get3A_11, %get3A_12] : memref<1x10240xi32, #tpu.memory_space<vmem>>, vector<1x10240xi32>
    %iota3A = tpu.iota {dimensions = array<i32: 0>} : vector<256x10240xi32>
    %eq3A = vector.broadcast %get3A_13 : vector<1x10240xi32> to vector<256x10240xi32>
    %eq3A_14 = arith.cmpi eq, %iota3A, %eq3A : vector<256x10240xi32>
    %convert_element_type3A = arith.extui %eq3A_14 : vector<256x10240xi1> to vector<256x10240xi32>
    %convert_element_type3A_15 = arith.sitofp %convert_element_type3A : vector<256x10240xi32> to vector<256x10240xf32>
    %dot_general3A = arith.constant dense<0.000000e+00> : vector<256x128xf32>
    %dot_general3A_16 = tpu.matmul %convert_element_type3A_15, %max3A_10, %dot_general3A {dimension_numbers = #tpu.dot_dimension_numbers<[1], [0], [0], [1], [0, 0, 1, 1], [], []>, transpose_lhs_hint = false} : vector<256x10240xf32>, vector<10240x128xf32>, vector<256x128xf32> -> vector<256x128xf32>
    %reduce_sum3A = arith.constant dense<0.000000e+00> : vector<256xf32>
    %reduce_sum3A_17 = vector.multi_reduction <add>, %convert_element_type3A_15, %reduce_sum3A [1] : vector<256x10240xf32> to vector<256xf32>
    %broadcast_in_dim3A = vector.shape_cast %reduce_sum3A_17 : vector<256xf32> to vector<256x1xf32>
    %max3A_18 = arith.constant 1.000000e+00 : f32
    %max3A_19 = vector.broadcast %max3A_18 : f32 to vector<256x1xf32>
    %max3A_20 = arith.maximumf %broadcast_in_dim3A, %max3A_19 : vector<256x1xf32>
    %div3A = vector.broadcast %max3A_20 : vector<256x1xf32> to vector<256x128xf32>
    %div3A_21 = arith.divf %dot_general3A_16, %div3A : vector<256x128xf32>
    %swap3A = arith.constant 0 : index
    %swap3A_22 = arith.constant 0 : index
    %swap3A_23 = vector.load %arg4[%swap3A, %swap3A_22] : memref<256x128xf32, #tpu.memory_space<vmem>>, vector<256x128xf32>
    tpu.vector_store %arg4[%swap3A, %swap3A_22], %div3A_21 {strides = array<i32>} : memref<256x128xf32, #tpu.memory_space<vmem>>, vector<256x128xf32>,
    return
  }
}

module attributes {stable_mosaic.version = 14 : i64} {
  func.func @_cls_body(%arg0: memref<256x128xf32, #tpu.memory_space<vmem>>, %arg1: memref<256x128xf32, #tpu.memory_space<vmem>>, %arg2: memref<256x128xf32, #tpu.memory_space<vmem>>, %arg3: memref<1x128xf32, #tpu.memory_space<vmem>>, %arg4: memref<128x64xf32, #tpu.memory_space<vmem>>, %arg5: memref<1x64xf32, #tpu.memory_space<vmem>>, %arg6: memref<64x86xf32, #tpu.memory_space<vmem>>, %arg7: memref<1x86xf32, #tpu.memory_space<vmem>>, %arg8: memref<256x86xf32, #tpu.memory_space<vmem>>) attributes {dimension_semantics = [], scalar_prefetch = 0 : i64, scratch_operands = 0 : i64, tpu.core_type = #tpu.core_type<tc>} {
    %get3A = arith.constant 0 : index
    %get3A_0 = arith.constant 0 : index
    %get3A_1 = vector.load %arg0[%get3A, %get3A_0] : memref<256x128xf32, #tpu.memory_space<vmem>>, vector<256x128xf32>
    %get3A_2 = arith.constant 0 : index
    %get3A_3 = arith.constant 0 : index
    %get3A_4 = vector.load %arg1[%get3A_2, %get3A_3] : memref<256x128xf32, #tpu.memory_space<vmem>>, vector<256x128xf32>
    %concatenate3A = tpu.concatenate %get3A_1, %get3A_4 in 1 : vector<256x128xf32>, vector<256x128xf32> -> vector<256x256xf32>
    %get3A_5 = arith.constant 0 : index
    %get3A_6 = arith.constant 0 : index
    %get3A_7 = vector.load %arg2[%get3A_5, %get3A_6] : memref<256x128xf32, #tpu.memory_space<vmem>>, vector<256x128xf32>
    %dot_general3A = arith.constant dense<0.000000e+00> : vector<256x128xf32>
    %dot_general3A_8 = tpu.matmul %concatenate3A, %get3A_7, %dot_general3A {dimension_numbers = #tpu.dot_dimension_numbers<[1], [0], [0], [1], [0, 0, 1, 1], [], []>, transpose_lhs_hint = false} : vector<256x256xf32>, vector<256x128xf32>, vector<256x128xf32> -> vector<256x128xf32>
    %get3A_9 = arith.constant 0 : index
    %get3A_10 = arith.constant 0 : index
    %get3A_11 = vector.load %arg3[%get3A_9, %get3A_10] : memref<1x128xf32, #tpu.memory_space<vmem>>, vector<1x128xf32>
    %add3A = vector.broadcast %get3A_11 : vector<1x128xf32> to vector<256x128xf32>
    %add3A_12 = arith.addf %dot_general3A_8, %add3A : vector<256x128xf32>
    %max3A = arith.constant 0.000000e+00 : f32
    %max3A_13 = vector.broadcast %max3A : f32 to vector<256x128xf32>
    %max3A_14 = arith.maximumf %add3A_12, %max3A_13 : vector<256x128xf32>
    %get3A_15 = arith.constant 0 : index
    %get3A_16 = arith.constant 0 : index
    %get3A_17 = vector.load %arg4[%get3A_15, %get3A_16] : memref<128x64xf32, #tpu.memory_space<vmem>>, vector<128x64xf32>
    %dot_general3A_18 = arith.constant dense<0.000000e+00> : vector<256x64xf32>
    %dot_general3A_19 = tpu.matmul %max3A_14, %get3A_17, %dot_general3A_18 {dimension_numbers = #tpu.dot_dimension_numbers<[1], [0], [0], [1], [0, 0, 1, 1], [], []>, transpose_lhs_hint = false} : vector<256x128xf32>, vector<128x64xf32>, vector<256x64xf32> -> vector<256x64xf32>
    %get3A_20 = arith.constant 0 : index
    %get3A_21 = arith.constant 0 : index
    %get3A_22 = vector.load %arg5[%get3A_20, %get3A_21] : memref<1x64xf32, #tpu.memory_space<vmem>>, vector<1x64xf32>
    %add3A_23 = vector.broadcast %get3A_22 : vector<1x64xf32> to vector<256x64xf32>
    %add3A_24 = arith.addf %dot_general3A_19, %add3A_23 : vector<256x64xf32>
    %max3A_25 = arith.constant 0.000000e+00 : f32
    %max3A_26 = vector.broadcast %max3A_25 : f32 to vector<256x64xf32>
    %max3A_27 = arith.maximumf %add3A_24, %max3A_26 : vector<256x64xf32>
    %get3A_28 = arith.constant 0 : index
    %get3A_29 = arith.constant 0 : index
    %get3A_30 = vector.load %arg6[%get3A_28, %get3A_29] : memref<64x86xf32, #tpu.memory_space<vmem>>, vector<64x86xf32>
    %dot_general3A_31 = arith.constant dense<0.000000e+00> : vector<256x86xf32>
    %dot_general3A_32 = tpu.matmul %max3A_27, %get3A_30, %dot_general3A_31 {dimension_numbers = #tpu.dot_dimension_numbers<[1], [0], [0], [1], [0, 0, 1, 1], [], []>, transpose_lhs_hint = false} : vector<256x64xf32>, vector<64x86xf32>, vector<256x86xf32> -> vector<256x86xf32>
    %get3A_33 = arith.constant 0 : index
    %get3A_34 = arith.constant 0 : index
    %get3A_35 = vector.load %arg7[%get3A_33, %get3A_34] : memref<1x86xf32, #tpu.memory_space<vmem>>, vector<1x86xf32>
    %add3A_36 = vector.broadcast %get3A_35 : vector<1x86xf32> to vector<256x86xf32>
    %add3A_37 = arith.addf %dot_general3A_32, %add3A_36 : vector<256x86xf32>
    %swap3A = arith.constant 0 : index
    %swap3A_38 = arith.constant 0 : index
    %swap3A_39 = vector.load %arg8[%swap3A, %swap3A_38] : memref<256x86xf32, #tpu.memory_space<vmem>>, vector<256x86xf32>
    tpu.vector_store %arg8[%swap3A, %swap3A_38], %add3A_37 {strides = array<i32>} : memref<256x86xf32, #tpu.memory_space<vmem>>, vector<256x86xf32>,
    return
  }
}

</mosaic_0001>

<sc_bundles>
// kernel: kernel.17.cloned.1.call-start
scs
__scs_entry_jumppad:
0x0: {  	(pc) =	sbr.rel $0x88, $3  }
0x1: {  	(tag) =	ssettag $0x0;
	lr =	simm.s32 $0x1  }
0x2: {  	[smem:$0x3F92] =	sst lr;
	_ =	strace $0xD0000000  }
0x3: {  	_ = 	snop  }
0x4: {  	_ = 	snop  }
0x5: {  	_ = 	snop  }
0x6: {  	_ = 	snop  }
0x7: {  	_ = 	snop  }
__scs_overlays_trampoline_lowered:
0x8: {  	[smem:$0x3FA1] =	sst s0  }
0x9: {  	[smem:$0x3FA2] =	sst s1  }
0xa: {  	[smem:$0x3FA3] =	sst s2  }
0xb: {  	[smem:$0x3FA4] =	sst s3  }
0xc: {  	[smem:$0x3FA5] =	sst s4  }
0xd: {  	[smem:$0x3FA6] =	sst s5  }
0xe: {  	[smem:$0x3FA7] =	sst s6  }
0xf: {  	[smem:$0x3FA8] =	sst s7  }
0x10: {  	[smem:$0x3FA9] =	sst s8  }
0x11: {  	[smem:$0x3FAA] =	sst s9;
	s0 =	simm.s32 @!p0 $0x0  }
0x12: {  	s1 =	sld [smem:$0x3F90];
	s0 =	simm.s32 @p0 $0x1  }
0x13: {  	[smem:$0x3FAB] =	sst s0;
	s0 =	simm.s32 @!p1 $0x0  }
0x14: {  	s2 =	sld [smem:$0x3F8F];
	s0 =	simm.s32 @p1 $0x1  }
0x15: {  	[smem:$0x3FAC] =	sst s0;
	s0 =	simm.s32 @!p2 $0x0  }
0x16: {  	s3 =	sld [smem:$0x3FDB];
	s0 =	simm.s32 @p2 $0x1  }
0x17: {  	s4 =	simm.s32 $0x1BF5;
	[smem:$0x3FAE] =	sst s0  }
0x18: {  	s0 =	sld [smem:$0x3F91];
	_ =	swait.ge [sflag:s4], $0x0  }
0x19: {  	s7 =	sld [smem:$0x3F92]  }
0x1a: {  	s8 =	sadd.s32 $0xFFFFE003, lr  }
0x1b: {  	s9 =	sadd.s32 $0xFFFFFEF7, lr;
	s5 =	simm.s32 $0xFFFFFFFF;
	p2 =	slt.u32 s8, $0xFFFFF086  }
0x1c: {  	p1 =	slt.u32 s9, $0xF7A;
	s5 =	simm.s32 @!p2 $0x0  }
0x1d: {  	s5 =	simm.s32 @p1 $0x1;
	p0 =	seq.s32 s7, s2  }
0x1e: {  	s7 =	smul.u32 @!p0 $0xF7A, s2;
	p2 =	seq.s32 @!p0 s5, $0x0  }
0x1f: {  	s9 =	smul.u32 $0xF7A, s1;
	s8 =	simm.s32 @!p0 $0x1BF5;
	p2 =	por !p2, p0  }
0x20: {  	[sflag:s8] =	ssyncset.s32 @!p0 $0xFFFFF086;
	s6 =	sadd.s32 @!p0 s3, s7;
	s7 =	simm.s32 @!p0 $0x108  }
0x21: {  	s3 =	sadd.s32 s3, s9;
	s6 =	sadd.s32 @!p0 $0x88, s6;
	s7 =	simm.s32 @p2 $0x1082  }
0x22: {  	[simem:s7], [sflag:s8] =	dma.local @!p0 [hbm:s6], $0xF7A  }
0x23: {  	s9 =	sor.u32 $0xD0000000, s2;
	s6 =	simm.s32 $0x108;
	_ =	swait.ge @!p0 [sflag:s8], $0x0  }
0x24: {  	s3 =	sadd.s32 $0x88, s3;
	s6 =	simm.s32 @!p1 $0x1082;
	[sflag:s4] =	ssyncset.s32 $0xFFFFF086  }
0x25: {  	[simem:s6], [sflag:s4] =	dma.local [hbm:s3], $0xF7A  }
0x26: {  	[smem:$0x3F92] =	sst s1;
	(tag) =	ssettag s2;
	_ =	strace s9  }
0x27: {  	s1 =	sld [smem:$0x3FA2]  }
0x28: {  	s2 =	sld [smem:$0x3FA3]  }
0x29: {  	s4 =	sld [smem:$0x3FA5]  }
0x2a: {  	p0 =	seq.s32 s5, $0x0;
	s5 =	sld [smem:$0x3FA6]  }
0x2b: {  	s6 =	sld [smem:$0x3FA7]  }
0x2c: {  	s7 =	sld [smem:$0x3FA8]  }
0x2d: {  	s3 =	simm.s32 $0x108;
	s8 =	sld [smem:$0x3FA9]  }
0x2e: {  	s3 =	simm.s32 @!p0 $0x1082;
	s9 =	sld [smem:$0x3FAA]  }
0x2f: {  	lr =	sadd.s32 s0, s3;
	s0 =	sld [smem:$0x3FA1]  }
0x30: {  	s3 =	sld [smem:$0x3FA4]  }
0x31: {  	[smem:$0x3FAD] =	sst s10  }
0x32: {  	s10 =	sld [smem:$0x3FAB];
	_ =	sdelay $0x3  }
0x33: {  	p0 =	seq.s32 s10, $0x1;
	s10 =	sld [smem:$0x3FAD];
	_ =	sdelay $0x3  }
0x34: {  	[smem:$0x3FAD] =	sst s10  }
0x35: {  	s10 =	sld [smem:$0x3FAC];
	_ =	sdelay $0x3  }
0x36: {  	p1 =	seq.s32 s10, $0x1;
	s10 =	sld [smem:$0x3FAD];
	_ =	sdelay $0x3  }
0x37: {  	[smem:$0x3FAD] =	sst s10  }
0x38: {  	s10 =	sld [smem:$0x3FAE]  }
0x39: {  	_ = 	snop;
	(pc) =	sbr.ind lr, $3  }
0x3a: {  	_ = 	snop  }
0x3b: {  	_ = 	snop  }
0x3c: {  	p2 =	seq.s32 s10, $0x1;
	s10 =	sld [smem:$0x3FAD]  }
0x3d: {  	_ =	shalt  }
0x3e: {  	_ =	shalt  }
0x3f: {  	_ =	shalt  }
0x40: {  	_ =	shalt  }
0x41: {  	_ =	shalt  }
0x42: {  	_ =	shalt  }
0x43: {  	_ =	shalt  }
0x44: {  	_ =	shalt  }
0x45: {  	_ =	shalt  }
0x46: {  	_ =	shalt  }
0x47: {  	_ =	shalt  }
0x48: {  	_ =	shalt  }
0x49: {  	_ =	shalt  }
0x4a: {  	_ =	shalt  }
0x4b: {  	_ =	shalt  }
0x4c: {  	_ =	shalt  }
0x4d: {  	_ =	shalt  }
0x4e: {  	_ =	shalt  }
0x4f: {  	_ =	shalt  }
0x50: {  	_ =	shalt  }
0x51: {  	_ =	shalt  }
0x52: {  	_ =	shalt  }
0x53: {  	_ =	shalt  }
0x54: {  	_ =	shalt  }
0x55: {  	_ =	shalt  }
0x56: {  	_ =	shalt  }
0x57: {  	_ =	shalt  }
0x58: {  	_ =	shalt  }
0x59: {  	_ =	shalt  }
0x5a: {  	_ =	shalt  }
0x5b: {  	_ =	shalt  }
0x5c: {  	_ =	shalt  }
0x5d: {  	_ =	shalt  }
0x5e: {  	_ =	shalt  }
0x5f: {  	_ =	shalt  }
0x60: {  	_ =	shalt  }
0x61: {  	_ =	shalt  }
0x62: {  	_ =	shalt  }
0x63: {  	_ =	shalt  }
0x64: {  	_ =	shalt  }
0x65: {  	_ =	shalt  }
0x66: {  	_ =	shalt  }
0x67: {  	_ =	shalt  }
0x68: {  	_ =	shalt  }
0x69: {  	_ =	shalt  }
0x6a: {  	_ =	shalt  }
0x6b: {  	_ =	shalt  }
0x6c: {  	_ =	shalt  }
0x6d: {  	_ =	shalt  }
0x6e: {  	_ =	shalt  }
0x6f: {  	_ =	shalt  }
0x70: {  	_ =	shalt  }
0x71: {  	_ =	shalt  }
0x72: {  	_ =	shalt  }
0x73: {  	_ =	shalt  }
0x74: {  	_ =	shalt  }
0x75: {  	_ =	shalt  }
0x76: {  	_ =	shalt  }
0x77: {  	_ =	shalt  }
0x78: {  	_ =	shalt  }
0x79: {  	_ =	shalt  }
0x7a: {  	_ =	shalt  }
0x7b: {  	_ =	shalt  }
0x7c: {  	_ =	shalt  }
0x7d: {  	_ =	shalt  }
0x7e: {  	_ =	shalt  }
0x7f: {  	_ =	shalt  }
0x80: {  	_ =	shalt  }
0x81: {  	_ =	shalt  }
0x82: {  	_ =	shalt  }
0x83: {  	_ =	shalt  }
0x84: {  	_ =	shalt  }
0x85: {  	_ =	shalt  }
0x86: {  	_ =	shalt  }
0x87: {  	_ =	shalt  }
.Lfunc_end0:
.L_simem_size_0:
called_computation_lowered:
.L_overlay_start_0:
0x88: {  	s2 =	sld [smem:$0x3FD9]  }
0x89: {  	s3 =	sld [smem:$0x3FFE];
	_ =	sdelay $0x1  }
0x8a: {  	s1 =	srdreg.scid  }
0x8b: {  	s0 =	sand.u32 $0x1, s1  }
0x8c: {  	s17 =	sshll.u32 s0, $0xA;
	s2 =	sadd.s32 s3, s2  }
0x8d: {  	s2 =	sadd.s32 s2, s17  }
0x8e: {  	[smem:$0x3FB9] =	sst s2  }
0x8f: {  	_ = 	snop  }
0x90: {  	(tm) =	ssettm $0x1  }
0x91: {  	s18 =	sld [smem:$0x3FFB];
	_ =	sdelay $0x3  }
0x92: {  	_ =	strace s18  }
0x93: {  	s2 =	sld [smem:$0x3FFC];
	_ =	sdelay $0x3  }
0x94: {  	_ =	strace s2  }
0x95: {  	s2 =	sld [smem:$0x3FFD];
	_ =	sdelay $0x3  }
0x96: {  	_ =	strace s2  }
0x97: {  	_ =	strace $0x8FFFFFFF  }
0x98: {  	s19 =	sld [smem:$0x3FDB];
	_ =	sdelay $0x1  }
0x99: {  	s20 =	simm.s32 $_scs_section_size  }
0x9a: {  	s4 =	simm.s32 $_size__tile_overlayer_lowered;
	s5 =	simm.s32 $_tile_overlayer_lowered  }
0x9b: {  	s6 =	simm.s32 $0x1BFF;
	s21 =	sshll.u32 s5, $0x1;
	s3 =	sadd.s32 s20, s19  }
0x9c: {  	s22 =	simm.s32 $0x0;
	s4 =	sshll.u32 s4, $0x1;
	s5 =	sadd.s32 s21, s3  }
0x9d: {  	[timem:s22], [sflag:s6] =	dma.local [hbm:s5], s4  }
0x9e: {  	_ =	swait.ge [sflag:s6], s4  }
0x9f: {  	s4 =	ssub.s32 $0x0, s4;
	[sflag:s6] =	ssyncset.done $0x0  }
0xa0: {  	[sflag:s6] =	ssyncadd.s32 s4;
	_ =	sdelay $0x1  }
0xa1: {  	s23 =	simm.s32 $0x1B8B  }
0xa2: {  	_ =	swait.ge [sflag:s23], $0x1  }
0xa3: {  	[sflag:s23] =	ssyncset.done $0x0  }
0xa4: {  	[sflag:s23] =	ssyncadd.s32 $0xFFFFFFFF  }
0xa5: {  	s4 =	sld [smem:$0x0]  }
0xa6: {  	s5 =	sand.u32 $0xFFFFFFFE, s1  }
0xa7: {  	p0 =	sne.s32 s1, s5  }
0xa8: {  	s5 =	sshll.u32 @p0 s5, $0xE  }
0xa9: {  	s5 =	sadd.s32 @p0 $0x11B8D, s5;
	s6 =	sshll.u32 @p0 s4, $0x11  }
0xaa: {  	s5 =	sor.u32 @p0 s6, s5  }
0xab: {  	[sflag:s5] =	ssyncadd.remote.s32 @p0 $0x1;
	_ =	sdelay $0x1  }
0xac: {  	s5 =	simm.s32 @p0 $0x1B8D  }
0xad: {  	_ =	swait.eq @p0 [sflag:s5], $0x1  }
0xae: {  	[sflag:s5] =	ssyncadd.s32 @p0 $0xFFFFFFFF  }
0xaf: {  	s6 =	sshll.u32 @!p0 s1, $0xE  }
0xb0: {  	s6 =	sor.u32 @!p0 $0x4000, s6;
	s5 =	simm.s32 @!p0 $0x1B8D  }
0xb1: {  	s4 =	sshll.u32 @!p0 s4, $0x11;
	s6 =	sadd.s32 @!p0 $0x11B8D, s6;
	_ =	swait.eq @!p0 [sflag:s5], $0x1  }
0xb2: {  	s4 =	sor.u32 @!p0 s4, s6;
	[sflag:s5] =	ssyncadd.s32 @!p0 $0xFFFFFFFF  }
0xb3: {  	s25 =	simm.s32 $0x1B8E;
	s24 =	sld [smem:$0x3FFE];
	[sflag:s4] =	ssyncadd.remote.s32 @!p0 $0x1  }
0xb4: {  	s26 =	simm.s32 $execute0_lowered;
	[smem:$0x3FD2] =	sst s25  }
0xb5: {  	s5 =	sshll.u32 s26, $0x1;
	_ =	strace $0x80000049;
	[dreg:$0x1] =	wrdreg $0xFFFFFFFF  }
0xb6: {  	s28 =	simm.s32 $_size_execute0_lowered;
	s3 =	sadd.s32 s3, s5;
	[dreg:$0x0] =	wrdreg $0x0  }
0xb7: {  	s5 =	sshll.u32 s28, $0x1;
	[dreg:$0x2] =	wrdreg s3  }
0xb8: {  	[dreg:$0x3] =	wrdreg s5  }
0xb9: {  	[dreg:$0x4] =	wrdreg $0xC0  }
0xba: {  	_ =	task [dreg:s22], $0x5FFFF  }
0xbb: {  	[dreg:$0x1] =	wrdreg $0xFFFFFFFF  }
0xbc: {  	[dreg:$0x0] =	wrdreg $0x60  }
0xbd: {  	[dreg:$0x2] =	wrdreg s24  }
0xbe: {  	[dreg:$0x3] =	wrdreg $0x82000  }
0xbf: {  	[dreg:$0x4] =	wrdreg $0x9  }
0xc0: {  	_ =	task.clear_ibuf [dreg:s22], $0x5FFFF;
	_ =	strace $0x90000049  }
0xc1: {  	s29 =	simm.s32 $0x9;
	_ =	strace $0x8000004B  }
0xc2: {  	_ =	swait.ge [sflag:s29], $0x1  }
0xc3: {  	[sflag:s29] =	ssyncadd.s32 $0xFFFFFFFF  }
0xc4: {  	_ =	strace $0x9000004B  }
0xc5: {  	_ =	sfence  }
0xc6: {  	s30 =	sld [smem:$0x0];
	_ =	sdelay $0x2  }
0xc7: {  	s31 =	sshll.u32 s1, $0xD;
	s1 =	sshrl.u32 s1, $0x2  }
0xc8: {  	s4 =	sand.u32 $0x4000, s31;
	s1 =	sadd.s32 s1, s30  }
0xc9: {  	s0 =	sor.u32 s4, s0;
	s1 =	sshll.u32 s1, $0x11  }
0xca: {  	s0 =	sor.u32 s1, s0  }
0xcb: {  	s0 =	sadd.s32 $0x8F2B, s0  }
0xcc: {  	[sflag:s0] =	ssyncadd.remote.s32 $0x1  }
0xcd: {  	_ =	sfence.sel $0xFFFF  }
0xce: {  	[dreg:$0x0] =	wrdreg $0xFFFFFFFF;
	(pc) =	sbr.abs _section_cstart, $3  }
0xcf: {  	[dreg:$0x1] =	wrdreg $0xFFFFFFFF  }
0xd0: {  	_ =	task.clear_ibuf [dreg:s22], $0x2FFFF;
	_ =	strace $0x9FFFFFFF  }
0xd1: {  	(tm) =	ssettm $0x7FFFFFFF  }
tec
execute0_lowered:
.L_overlay_start_1:
0x0: {  	(tag) =	ssettag $0x1  }
0x1: {  	s0 =	rddreg [dreg:$0x0]  }
0x2: {  	s1 =	rddreg [dreg:$0x1];
	s2 =	simm.s32 $0x0  }
0x3: {  	s3 =	srdreg.scid;
	s14 =	stileid.u32;
	s18 =	simm.s32 $0x4  }
0x4: {  	s19 =	simm.s32 $0x80;
	s20 =	simm.s32 $0x100;
	s21 =	simm.s32 $0x180  }
0x5: {  	s22 =	simm.s32 $0x200;
	s23 =	simm.s32 $0x3;
	s24 =	simm.s32 $0x4200  }
0x6: {  	s25 =	simm.s32 $0x1;
	s26 =	simm.s32 $0x2;
	s28 =	simm.s32 $0x0  }
0x7: {  	[smem:$0x7FF] =	sst s2;
	s3 =	sand.u32 $0x1, s3;
	s7 =	smul.u32 $0x2800, s14  }
0x8: {  	s4 =	sadd.s32 $0xD3000, s0;
	s5 =	sadd.s32 $0xC8C00, s0;
	s10 =	smul.u32 $0x50000, s14  }
0x9: {  	_ =	strace $0x8000004A;
	s6 =	sshll.u32 s3, $0x4;
	s9 =	ssub.s32 $0x2, s3  }
0xa: {  	s12 =	smul.u32 $0x29000, s3;
	p0 =	seq.s32 s3, $0x1;
	s3 =	simm.s32 $0x123000  }
0xb: {  	s8 =	sor.u32 s14, s6;
	s6 =	sadd.s32 $0xBE800, s0;
	s0 =	sadd.s32 s7, s0  }
0xc: {  	s29 =	sshrl.u32 s9, $0x1;
	s14 =	smul.u32 $0x2900, s14;
	s15 =	sshrl.u32 s10, $0x2  }
0xd: {  	s3 =	simm.s32 @!p0 $0xFB000;
	s8 =	smul.u32 $0x2900, s8;
	s13 =	ssub.s32 s9, s29  }
0xe: {  	s17 =	sadd.s32 s14, s12;
	s12 =	sadd.s32 $0x46800, s0;
	s13 =	smax.u32 s13, $0x1  }
0xf: {  	s8 =	sshrl.u32 s8, $0x3;
	s14 =	sadd.s32 $0x180, s17;
	s17 =	sadd.s32 $0x100, s17  }
0x10: {  	s30 =	sadd.s32 s5, s8;
	s11 =	sor.u32 $0x10, s8;
	s31 =	sadd.s32 s6, s8  }
0x11: {  	s16 =	sshrl.u32 s14, $0x3;
	s14 =	sadd.s32 s3, s0;
	[dreg:$0x3] =	wrdreg s30  }
0x12: {  	[dreg:$0x4] =	wrdreg s31;
	s9 =	sadd.s32 s5, s11;
	s10 =	sadd.s32 s6, s11  }
0x13: {  	s11 =	sadd.s32 s15, s1;
	s15 =	sadd.s32 s16, s6;
	s16 =	sadd.s32 s16, s5  }
.LBB2_1:
0x14: {  	s0 =	rddreg [dreg:$0x3]  }
0x15: {  	[tilespmem:s2], [sflag:$0x4] =	stream.linear.gather [hbm4b:s0+s2], $0x80, $0x38;
	[tilespmem:$0x1C200] =	vst v63  }
0x16: {  	_ =	swait.ge [sflag:s18], $0x80  }
0x17: {  	[sflag:s18] =	ssyncset.done $0x0  }
0x18: {  	s8 =	rddreg [dreg:$0x4];
	[sflag:s18] =	ssyncadd.s32 $0xFFFFFF80  }
0x19: {  	[tilespmem:s19], [sflag:$0x4] =	stream.linear.gather [hbm4b:s8+s2], $0x80, $0x38;
	[tilespmem:$0x1C200] =	vst v63  }
0x1a: {  	_ =	swait.ge [sflag:s18], $0x80  }
0x1b: {  	s3 =	stileid.u32;
	[sflag:s18] =	ssyncset.done $0x0  }
0x1c: {  	s0 =	sshll.u32 s3, $0x6;
	[sflag:s18] =	ssyncadd.s32 $0xFFFFFF80  }
0x1d: {  	[tilespmem:s20], [sflag:$0x3] =	stream.linear.gather [hbm4b:s9+s2], $0x80, $0x38;
	[tilespmem:$0x1C200] =	vst v63  }
0x1e: {  	s30 =	sshrl.u32 s11, $0x3;
	s29 =	sor.u32 $0x1C04, s0  }
0x1f: {  	[tilespmem:s21], [sflag:$0x3] =	stream.linear.gather [hbm4b:s10+s2], $0x80, $0x38;
	[tilespmem:$0x1C200] =	vst v63  }
0x20: {  	[spmem:s30], [sflag:s29] =	dma.local [hbm:s12], $0x2800  }
0x21: {  	_ =	swait.ge [sflag:s18], $0x2800  }
0x22: {  	[sflag:s18] =	ssyncset.done $0x0  }
0x23: {  	[sflag:s18] =	ssyncadd.s32 $0xFFFFD800  }
0x24: {  	[bflag:$0x0] =	sbarrier.arrive $0xFFFF  }
0x25: {  	[tilespmem:s22], [sflag:$0x1] =	stream.indirect.gather [hbm4b:s4+s19], $0x80, s2, s19, $0xb8;
	[tilespmem:$0x1C200] =	vst v63  }
0x26: {  	_ =	swait.ge [sflag:s23], $0x80  }
0x27: {  	[sflag:s23] =	ssyncset.done $0x0  }
0x28: {  	[sflag:s23] =	ssyncadd.s32 $0xFFFFFF80  }
0x29: {  	_ =	swait.ge [sflag:s23], $0x80  }
0x2a: {  	[sflag:s23] =	ssyncset.done $0x0  }
0x2b: {  	[sflag:s23] =	ssyncadd.s32 $0xFFFFFF80  }
0x2c: {  	[tilespmem:s24], [sflag:$0x2] =	stream.indirect.gather [hbm4b:s4+s19], $0x80, s20, s19, $0xb8;
	[tilespmem:$0x1C200] =	vst v63  }
0x2d: {  	_ =	swait.ge [sflag:s25], $0x4000  }
0x2e: {  	[sflag:s25] =	ssyncset.done $0x0  }
0x2f: {  	[sflag:s25] =	ssyncadd.s32 $0xFFFFC000  }
0x30: {  	[spmem:s1] =	stream.indirect.scatter.add.f32 [tilespmem:s22], [sflag:$0x4], $0x80, s19, s19, $0xb8;
	[tilespmem:$0x1C200] =	vst v63  }
0x31: {  	_ =	swait.ge [sflag:s18], $0x4000  }
0x32: {  	s7 =	sshrl.u32 s17, $0x3;
	[sflag:s18] =	ssyncset.done $0x0  }
0x33: {  	s3 =	sadd.s32 s5, s7;
	[sflag:s18] =	ssyncadd.s32 $0xFFFFC000  }
0x34: {  	[tilespmem:s2], [sflag:$0x3] =	stream.linear.gather [hbm4b:s3+s2], $0x80, $0x38;
	[tilespmem:$0x1C200] =	vst v63  }
0x35: {  	s0 =	sadd.s32 s6, s7  }
0x36: {  	[tilespmem:s19], [sflag:$0x3] =	stream.linear.gather [hbm4b:s0+s2], $0x80, $0x38;
	[tilespmem:$0x1C200] =	vst v63  }
0x37: {  	_ =	swait.ge [sflag:s23], $0x80  }
0x38: {  	[sflag:s23] =	ssyncset.done $0x0  }
0x39: {  	[sflag:s23] =	ssyncadd.s32 $0xFFFFFF80  }
0x3a: {  	_ =	swait.ge [sflag:s23], $0x80  }
0x3b: {  	[sflag:s23] =	ssyncset.done $0x0  }
0x3c: {  	[sflag:s23] =	ssyncadd.s32 $0xFFFFFF80  }
0x3d: {  	[tilespmem:s22], [sflag:$0x1] =	stream.indirect.gather [hbm4b:s4+s19], $0x80, s2, s19, $0xb8;
	[tilespmem:$0x1C200] =	vst v63  }
0x3e: {  	_ =	swait.ge [sflag:s26], $0x4000  }
0x3f: {  	[sflag:s26] =	ssyncset.done $0x0  }
0x40: {  	[sflag:s26] =	ssyncadd.s32 $0xFFFFC000  }
0x41: {  	[spmem:s1] =	stream.indirect.scatter.add.f32 [tilespmem:s24], [sflag:$0x4], $0x80, s21, s19, $0xb8;
	[tilespmem:$0x1C200] =	vst v63  }
0x42: {  	_ =	swait.ge [sflag:s18], $0x4000  }
0x43: {  	s31 =	simm.s32 $0x20;
	s8 =	sadd.s32 $0x0, s16;
	[sflag:s18] =	ssyncset.done $0x0  }
0x44: {  	s3 =	sadd.s32 $0x0, s15;
	s0 =	sadd.s32 $0x100, s17;
	[sflag:s18] =	ssyncadd.s32 $0xFFFFC000  }
0x45: {  	[tilespmem:s20], [sflag:$0x3] =	stream.linear.gather [hbm4b:s8+s2], $0x80, $0x38;
	[tilespmem:$0x1C200] =	vst v63  }
.LBB2_2:
0x46: {  	[tilespmem:s21], [sflag:$0x3] =	stream.linear.gather [hbm4b:s3+s2], $0x80, $0x38;
	[tilespmem:$0x1C200] =	vst v63  }
0x47: {  	s3 =	smov.u32 s31  }
0x48: {  	p0 =	sne.s32 s31, $0x4E0;
	s31 =	sadd.s32 $0x20, s31;
	_ =	swait.ge [sflag:s23], $0x80  }
0x49: {  	[sflag:s23] =	ssyncset.done $0x0  }
0x4a: {  	[sflag:s23] =	ssyncadd.s32 $0xFFFFFF80  }
0x4b: {  	_ =	swait.ge [sflag:s23], $0x80  }
0x4c: {  	[sflag:s23] =	ssyncset.done $0x0  }
0x4d: {  	[sflag:s23] =	ssyncadd.s32 $0xFFFFFF80  }
0x4e: {  	[tilespmem:s24], [sflag:$0x2] =	stream.indirect.gather [hbm4b:s4+s19], $0x80, s20, s19, $0xb8;
	[tilespmem:$0x1C200] =	vst v63  }
0x4f: {  	_ =	swait.ge [sflag:s25], $0x4000  }
0x50: {  	[sflag:s25] =	ssyncset.done $0x0  }
0x51: {  	[sflag:s25] =	ssyncadd.s32 $0xFFFFC000  }
0x52: {  	[spmem:s1] =	stream.indirect.scatter.add.f32 [tilespmem:s22], [sflag:$0x4], $0x80, s19, s19, $0xb8;
	[tilespmem:$0x1C200] =	vst v63  }
0x53: {  	_ =	swait.ge [sflag:s18], $0x4000  }
0x54: {  	s7 =	sshrl.u32 s0, $0x3;
	[sflag:s18] =	ssyncset.done $0x0  }
0x55: {  	s8 =	sadd.s32 s5, s7;
	[sflag:s18] =	ssyncadd.s32 $0xFFFFC000  }
0x56: {  	[tilespmem:s2], [sflag:$0x3] =	stream.linear.gather [hbm4b:s8+s2], $0x80, $0x38;
	[tilespmem:$0x1C200] =	vst v63  }
0x57: {  	s7 =	sadd.s32 s6, s7  }
0x58: {  	[tilespmem:s19], [sflag:$0x3] =	stream.linear.gather [hbm4b:s7+s2], $0x80, $0x38;
	[tilespmem:$0x1C200] =	vst v63  }
0x59: {  	_ =	swait.ge [sflag:s23], $0x80  }
0x5a: {  	[sflag:s23] =	ssyncset.done $0x0  }
0x5b: {  	[sflag:s23] =	ssyncadd.s32 $0xFFFFFF80  }
0x5c: {  	_ =	swait.ge [sflag:s23], $0x80  }
0x5d: {  	[sflag:s23] =	ssyncset.done $0x0  }
0x5e: {  	[sflag:s23] =	ssyncadd.s32 $0xFFFFFF80  }
0x5f: {  	[tilespmem:s22], [sflag:$0x1] =	stream.indirect.gather [hbm4b:s4+s19], $0x80, s2, s19, $0xb8;
	[tilespmem:$0x1C200] =	vst v63  }
0x60: {  	_ =	swait.ge [sflag:s26], $0x4000  }
0x61: {  	[sflag:s26] =	ssyncset.done $0x0  }
0x62: {  	[sflag:s26] =	ssyncadd.s32 $0xFFFFC000  }
0x63: {  	[spmem:s1] =	stream.indirect.scatter.add.f32 [tilespmem:s24], [sflag:$0x4], $0x80, s21, s19, $0xb8;
	[tilespmem:$0x1C200] =	vst v63  }
.Ltmp0:
0x64: {  	_ =	swait.ge [sflag:s18], $0x4000;
	(pc) =	sbr.rel @p0 .LBB2_2-.Ltmp0, $4  }
0x65: {  	[sflag:s18] =	ssyncset.done $0x0  }
0x66: {  	s7 =	sadd.s32 s3, s16;
	[sflag:s18] =	ssyncadd.s32 $0xFFFFC000  }
0x67: {  	[tilespmem:s20], [sflag:$0x3] =	stream.linear.gather [hbm4b:s7+s2], $0x80, $0x38;
	[tilespmem:$0x1C200] =	vst v63  }
0x68: {  	s0 =	sadd.s32 $0x100, s0;
	s3 =	sadd.s32 s3, s15  }
0x69: {  	[tilespmem:s21], [sflag:$0x3] =	stream.linear.gather [hbm4b:s3+s2], $0x80, $0x38;
	[tilespmem:$0x1C200] =	vst v63  }
0x6a: {  	_ =	swait.ge [sflag:s25], $0x4000  }
0x6b: {  	[sflag:s25] =	ssyncset.done $0x0  }
0x6c: {  	[sflag:s25] =	ssyncadd.s32 $0xFFFFC000  }
0x6d: {  	_ =	swait.ge [sflag:s23], $0x80  }
0x6e: {  	[sflag:s23] =	ssyncset.done $0x0  }
0x6f: {  	[sflag:s23] =	ssyncadd.s32 $0xFFFFFF80  }
0x70: {  	_ =	swait.ge [sflag:s23], $0x80  }
0x71: {  	s28 =	sadd.s32 $0x1, s28;
	[sflag:s23] =	ssyncset.done $0x0  }
0x72: {  	p0 =	sne.s32 s28, s13;
	[sflag:s23] =	ssyncadd.s32 $0xFFFFFF80  }
.Ltmp1:
0x73: {  	[bflag:$0x0] =	sbarrier.arrive $0xFFFF;
	(pc) =	sbr.rel @p0 .LBB2_1-.Ltmp1, $4  }
0x74: {  	[hbm:s14], [sflag:s29] =	dma.local [spmem:s30], $0x2800  }
0x75: {  	_ =	swait.ge [sflag:s18], $0x2800  }
0x76: {  	[sflag:s18] =	ssyncset.done $0x0  }
0x77: {  	[sflag:s18] =	ssyncadd.s32 $0xFFFFD800  }
0x78: {  	_ =	sfence.sel $0x180000  }
0x79: {  	[bflag:$0x0] =	sbarrier.arrive $0xFFFF  }
0x7a: {  	_ =	strace $0x9000004A  }
0x7b: {  	s0 =	stileid.u32;
	[bflag:$0x2] =	sbarrier.arrive $0xFFFF  }
0x7c: {  	p0 =	sne.s32 s0, $0x0;
	s0 =	rddreg [dreg:$0x2]  }
0x7d: {  	s0 =	sadd.s32 @!p0 $0x100000, s0  }
0x7e: {  	[sflag:s0] =	ssyncadd.tile.s32 @!p0 $0x1;
	_ =	shalt  }
.Lfunc_end2:
_tile_overlayer_lowered:
.L_overlay_start_2:
0x7f: {  	(tag) =	ssettag $0x2  }
0x80: {  	s0 =	rddreg [dreg:$0x0];
	s2 =	stileid.u32  }
0x81: {  	s1 =	rddreg [dreg:$0x1];
	p0 =	sne.s32 s2, $0x0  }
0x82: {  	s3 =	rddreg [dreg:$0x2];
	[bflag:$0x3] =	sbarrier.arrive $0xFFFF;
	s2 =	simm.s32 @!p0 $0x1C04  }
0x83: {  	[timem:s3], [sflag:s2] =	dma.local @!p0 [hbm:s0], s1  }
0x84: {  	s0 =	simm.s32 @!p0 $0x4  }
0x85: {  	_ =	swait.ge @!p0 [sflag:s0], s1  }
0x86: {  	s1 =	ssub.s32 @!p0 $0x0, s1;
	[sflag:s0] =	ssyncset.done @!p0 $0x0  }
0x87: {  	[sflag:s0] =	ssyncadd.s32 @!p0 s1  }
0x88: {  	[bflag:$0x3] =	sbarrier.arrive $0xFFFF  }
0x89: {  	_ =	shalt  }

// kernel: kernel.20.cloned.1.call-start
scs
__scs_entry_jumppad:
0x0: {  	(pc) =	sbr.rel $0x88, $3  }
0x1: {  	(tag) =	ssettag $0x0;
	lr =	simm.s32 $0x1  }
0x2: {  	[smem:$0x3F92] =	sst lr;
	_ =	strace $0xD0000000  }
0x3: {  	_ = 	snop  }
0x4: {  	_ = 	snop  }
0x5: {  	_ = 	snop  }
0x6: {  	_ = 	snop  }
0x7: {  	_ = 	snop  }
__scs_overlays_trampoline_lowered:
0x8: {  	[smem:$0x3FA1] =	sst s0  }
0x9: {  	[smem:$0x3FA2] =	sst s1  }
0xa: {  	[smem:$0x3FA3] =	sst s2  }
0xb: {  	[smem:$0x3FA4] =	sst s3  }
0xc: {  	[smem:$0x3FA5] =	sst s4  }
0xd: {  	[smem:$0x3FA6] =	sst s5  }
0xe: {  	[smem:$0x3FA7] =	sst s6  }
0xf: {  	[smem:$0x3FA8] =	sst s7  }
0x10: {  	[smem:$0x3FA9] =	sst s8  }
0x11: {  	[smem:$0x3FAA] =	sst s9;
	s0 =	simm.s32 @!p0 $0x0  }
0x12: {  	s1 =	sld [smem:$0x3F90];
	s0 =	simm.s32 @p0 $0x1  }
0x13: {  	[smem:$0x3FAB] =	sst s0;
	s0 =	simm.s32 @!p1 $0x0  }
0x14: {  	s2 =	sld [smem:$0x3F8F];
	s0 =	simm.s32 @p1 $0x1  }
0x15: {  	[smem:$0x3FAC] =	sst s0;
	s0 =	simm.s32 @!p2 $0x0  }
0x16: {  	s3 =	sld [smem:$0x3FDB];
	s0 =	simm.s32 @p2 $0x1  }
0x17: {  	s4 =	simm.s32 $0x1BF5;
	[smem:$0x3FAE] =	sst s0  }
0x18: {  	s0 =	sld [smem:$0x3F91];
	_ =	swait.ge [sflag:s4], $0x0  }
0x19: {  	s7 =	sld [smem:$0x3F92]  }
0x1a: {  	s8 =	sadd.s32 $0xFFFFE003, lr  }
0x1b: {  	s9 =	sadd.s32 $0xFFFFFEF7, lr;
	s5 =	simm.s32 $0xFFFFFFFF;
	p2 =	slt.u32 s8, $0xFFFFF086  }
0x1c: {  	p1 =	slt.u32 s9, $0xF7A;
	s5 =	simm.s32 @!p2 $0x0  }
0x1d: {  	s5 =	simm.s32 @p1 $0x1;
	p0 =	seq.s32 s7, s2  }
0x1e: {  	s7 =	smul.u32 @!p0 $0xF7A, s2;
	p2 =	seq.s32 @!p0 s5, $0x0  }
0x1f: {  	s9 =	smul.u32 $0xF7A, s1;
	s8 =	simm.s32 @!p0 $0x1BF5;
	p2 =	por !p2, p0  }
0x20: {  	[sflag:s8] =	ssyncset.s32 @!p0 $0xFFFFF086;
	s6 =	sadd.s32 @!p0 s3, s7;
	s7 =	simm.s32 @!p0 $0x108  }
0x21: {  	s3 =	sadd.s32 s3, s9;
	s6 =	sadd.s32 @!p0 $0x88, s6;
	s7 =	simm.s32 @p2 $0x1082  }
0x22: {  	[simem:s7], [sflag:s8] =	dma.local @!p0 [hbm:s6], $0xF7A  }
0x23: {  	s9 =	sor.u32 $0xD0000000, s2;
	s6 =	simm.s32 $0x108;
	_ =	swait.ge @!p0 [sflag:s8], $0x0  }
0x24: {  	s3 =	sadd.s32 $0x88, s3;
	s6 =	simm.s32 @!p1 $0x1082;
	[sflag:s4] =	ssyncset.s32 $0xFFFFF086  }
0x25: {  	[simem:s6], [sflag:s4] =	dma.local [hbm:s3], $0xF7A  }
0x26: {  	[smem:$0x3F92] =	sst s1;
	(tag) =	ssettag s2;
	_ =	strace s9  }
0x27: {  	s1 =	sld [smem:$0x3FA2]  }
0x28: {  	s2 =	sld [smem:$0x3FA3]  }
0x29: {  	s4 =	sld [smem:$0x3FA5]  }
0x2a: {  	p0 =	seq.s32 s5, $0x0;
	s5 =	sld [smem:$0x3FA6]  }
0x2b: {  	s6 =	sld [smem:$0x3FA7]  }
0x2c: {  	s7 =	sld [smem:$0x3FA8]  }
0x2d: {  	s3 =	simm.s32 $0x108;
	s8 =	sld [smem:$0x3FA9]  }
0x2e: {  	s3 =	simm.s32 @!p0 $0x1082;
	s9 =	sld [smem:$0x3FAA]  }
0x2f: {  	lr =	sadd.s32 s0, s3;
	s0 =	sld [smem:$0x3FA1]  }
0x30: {  	s3 =	sld [smem:$0x3FA4]  }
0x31: {  	[smem:$0x3FAD] =	sst s10  }
0x32: {  	s10 =	sld [smem:$0x3FAB];
	_ =	sdelay $0x3  }
0x33: {  	p0 =	seq.s32 s10, $0x1;
	s10 =	sld [smem:$0x3FAD];
	_ =	sdelay $0x3  }
0x34: {  	[smem:$0x3FAD] =	sst s10  }
0x35: {  	s10 =	sld [smem:$0x3FAC];
	_ =	sdelay $0x3  }
0x36: {  	p1 =	seq.s32 s10, $0x1;
	s10 =	sld [smem:$0x3FAD];
	_ =	sdelay $0x3  }
0x37: {  	[smem:$0x3FAD] =	sst s10  }
0x38: {  	s10 =	sld [smem:$0x3FAE]  }
0x39: {  	_ = 	snop;
	(pc) =	sbr.ind lr, $3  }
0x3a: {  	_ = 	snop  }
0x3b: {  	_ = 	snop  }
0x3c: {  	p2 =	seq.s32 s10, $0x1;
	s10 =	sld [smem:$0x3FAD]  }
0x3d: {  	_ =	shalt  }
0x3e: {  	_ =	shalt  }
0x3f: {  	_ =	shalt  }
0x40: {  	_ =	shalt  }
0x41: {  	_ =	shalt  }
0x42: {  	_ =	shalt  }
0x43: {  	_ =	shalt  }
0x44: {  	_ =	shalt  }
0x45: {  	_ =	shalt  }
0x46: {  	_ =	shalt  }
0x47: {  	_ =	shalt  }
0x48: {  	_ =	shalt  }
0x49: {  	_ =	shalt  }
0x4a: {  	_ =	shalt  }
0x4b: {  	_ =	shalt  }
0x4c: {  	_ =	shalt  }
0x4d: {  	_ =	shalt  }
0x4e: {  	_ =	shalt  }
0x4f: {  	_ =	shalt  }
0x50: {  	_ =	shalt  }
0x51: {  	_ =	shalt  }
0x52: {  	_ =	shalt  }
0x53: {  	_ =	shalt  }
0x54: {  	_ =	shalt  }
0x55: {  	_ =	shalt  }
0x56: {  	_ =	shalt  }
0x57: {  	_ =	shalt  }
0x58: {  	_ =	shalt  }
0x59: {  	_ =	shalt  }
0x5a: {  	_ =	shalt  }
0x5b: {  	_ =	shalt  }
0x5c: {  	_ =	shalt  }
0x5d: {  	_ =	shalt  }
0x5e: {  	_ =	shalt  }
0x5f: {  	_ =	shalt  }
0x60: {  	_ =	shalt  }
0x61: {  	_ =	shalt  }
0x62: {  	_ =	shalt  }
0x63: {  	_ =	shalt  }
0x64: {  	_ =	shalt  }
0x65: {  	_ =	shalt  }
0x66: {  	_ =	shalt  }
0x67: {  	_ =	shalt  }
0x68: {  	_ =	shalt  }
0x69: {  	_ =	shalt  }
0x6a: {  	_ =	shalt  }
0x6b: {  	_ =	shalt  }
0x6c: {  	_ =	shalt  }
0x6d: {  	_ =	shalt  }
0x6e: {  	_ =	shalt  }
0x6f: {  	_ =	shalt  }
0x70: {  	_ =	shalt  }
0x71: {  	_ =	shalt  }
0x72: {  	_ =	shalt  }
0x73: {  	_ =	shalt  }
0x74: {  	_ =	shalt  }
0x75: {  	_ =	shalt  }
0x76: {  	_ =	shalt  }
0x77: {  	_ =	shalt  }
0x78: {  	_ =	shalt  }
0x79: {  	_ =	shalt  }
0x7a: {  	_ =	shalt  }
0x7b: {  	_ =	shalt  }
0x7c: {  	_ =	shalt  }
0x7d: {  	_ =	shalt  }
0x7e: {  	_ =	shalt  }
0x7f: {  	_ =	shalt  }
0x80: {  	_ =	shalt  }
0x81: {  	_ =	shalt  }
0x82: {  	_ =	shalt  }
0x83: {  	_ =	shalt  }
0x84: {  	_ =	shalt  }
0x85: {  	_ =	shalt  }
0x86: {  	_ =	shalt  }
0x87: {  	_ =	shalt  }
.Lfunc_end0:
.L_simem_size_0:
called_computation.1_lowered:
.L_overlay_start_0:
0x88: {  	s2 =	sld [smem:$0x3FD9]  }
0x89: {  	s3 =	sld [smem:$0x3FFE];
	_ =	sdelay $0x1  }
0x8a: {  	s1 =	srdreg.scid  }
0x8b: {  	s0 =	sand.u32 $0x1, s1  }
0x8c: {  	s17 =	sshll.u32 s0, $0xA;
	s2 =	sadd.s32 s3, s2  }
0x8d: {  	s2 =	sadd.s32 s2, s17  }
0x8e: {  	[smem:$0x3FB9] =	sst s2  }
0x8f: {  	_ = 	snop  }
0x90: {  	(tm) =	ssettm $0x1  }
0x91: {  	s18 =	sld [smem:$0x3FFB];
	_ =	sdelay $0x3  }
0x92: {  	_ =	strace s18  }
0x93: {  	s2 =	sld [smem:$0x3FFC];
	_ =	sdelay $0x3  }
0x94: {  	_ =	strace s2  }
0x95: {  	s2 =	sld [smem:$0x3FFD];
	_ =	sdelay $0x3  }
0x96: {  	_ =	strace s2  }
0x97: {  	_ =	strace $0x8FFFFFFF  }
0x98: {  	s19 =	sld [smem:$0x3FDB];
	_ =	sdelay $0x1  }
0x99: {  	s20 =	simm.s32 $_scs_section_size  }
0x9a: {  	s4 =	simm.s32 $_size__tile_overlayer_lowered;
	s5 =	simm.s32 $_tile_overlayer_lowered  }
0x9b: {  	s6 =	simm.s32 $0x1BFF;
	s21 =	sshll.u32 s5, $0x1;
	s3 =	sadd.s32 s20, s19  }
0x9c: {  	s22 =	simm.s32 $0x0;
	s4 =	sshll.u32 s4, $0x1;
	s5 =	sadd.s32 s21, s3  }
0x9d: {  	[timem:s22], [sflag:s6] =	dma.local [hbm:s5], s4  }
0x9e: {  	_ =	swait.ge [sflag:s6], s4  }
0x9f: {  	s4 =	ssub.s32 $0x0, s4;
	[sflag:s6] =	ssyncset.done $0x0  }
0xa0: {  	[sflag:s6] =	ssyncadd.s32 s4;
	_ =	sdelay $0x1  }
0xa1: {  	s23 =	simm.s32 $0x1B8B  }
0xa2: {  	_ =	swait.ge [sflag:s23], $0x1  }
0xa3: {  	[sflag:s23] =	ssyncset.done $0x0  }
0xa4: {  	[sflag:s23] =	ssyncadd.s32 $0xFFFFFFFF  }
0xa5: {  	s4 =	sld [smem:$0x0]  }
0xa6: {  	s5 =	sand.u32 $0xFFFFFFFE, s1  }
0xa7: {  	p0 =	sne.s32 s1, s5  }
0xa8: {  	s5 =	sshll.u32 @p0 s5, $0xE  }
0xa9: {  	s5 =	sadd.s32 @p0 $0x11B8D, s5;
	s6 =	sshll.u32 @p0 s4, $0x11  }
0xaa: {  	s5 =	sor.u32 @p0 s6, s5  }
0xab: {  	[sflag:s5] =	ssyncadd.remote.s32 @p0 $0x1;
	_ =	sdelay $0x1  }
0xac: {  	s5 =	simm.s32 @p0 $0x1B8D  }
0xad: {  	_ =	swait.eq @p0 [sflag:s5], $0x1  }
0xae: {  	[sflag:s5] =	ssyncadd.s32 @p0 $0xFFFFFFFF  }
0xaf: {  	s6 =	sshll.u32 @!p0 s1, $0xE  }
0xb0: {  	s6 =	sor.u32 @!p0 $0x4000, s6;
	s5 =	simm.s32 @!p0 $0x1B8D  }
0xb1: {  	s4 =	sshll.u32 @!p0 s4, $0x11;
	s6 =	sadd.s32 @!p0 $0x11B8D, s6;
	_ =	swait.eq @!p0 [sflag:s5], $0x1  }
0xb2: {  	s4 =	sor.u32 @!p0 s4, s6;
	[sflag:s5] =	ssyncadd.s32 @!p0 $0xFFFFFFFF  }
0xb3: {  	s25 =	simm.s32 $0x1B8E;
	s24 =	sld [smem:$0x3FFE];
	[sflag:s4] =	ssyncadd.remote.s32 @!p0 $0x1  }
0xb4: {  	s26 =	simm.s32 $execute0_lowered;
	[smem:$0x3FD2] =	sst s25  }
0xb5: {  	s5 =	sshll.u32 s26, $0x1;
	_ =	strace $0x8000004F;
	[dreg:$0x1] =	wrdreg $0xFFFFFFFF  }
0xb6: {  	s28 =	simm.s32 $_size_execute0_lowered;
	s3 =	sadd.s32 s3, s5;
	[dreg:$0x0] =	wrdreg $0x0  }
0xb7: {  	s5 =	sshll.u32 s28, $0x1;
	[dreg:$0x2] =	wrdreg s3  }
0xb8: {  	[dreg:$0x3] =	wrdreg s5  }
0xb9: {  	[dreg:$0x4] =	wrdreg $0xC0  }
0xba: {  	_ =	task [dreg:s22], $0x5FFFF  }
0xbb: {  	[dreg:$0x1] =	wrdreg $0xFFFFFFFF  }
0xbc: {  	[dreg:$0x0] =	wrdreg $0x60  }
0xbd: {  	[dreg:$0x2] =	wrdreg s24  }
0xbe: {  	[dreg:$0x3] =	wrdreg $0x82000  }
0xbf: {  	[dreg:$0x4] =	wrdreg $0x9  }
0xc0: {  	_ =	task.clear_ibuf [dreg:s22], $0x5FFFF;
	_ =	strace $0x9000004F  }
0xc1: {  	s29 =	simm.s32 $0x9;
	_ =	strace $0x80000051  }
0xc2: {  	_ =	swait.ge [sflag:s29], $0x1  }
0xc3: {  	[sflag:s29] =	ssyncadd.s32 $0xFFFFFFFF  }
0xc4: {  	_ =	strace $0x90000051  }
0xc5: {  	_ =	sfence  }
0xc6: {  	s30 =	sld [smem:$0x0];
	_ =	sdelay $0x2  }
0xc7: {  	s31 =	sshll.u32 s1, $0xD;
	s1 =	sshrl.u32 s1, $0x2  }
0xc8: {  	s4 =	sand.u32 $0x4000, s31;
	s1 =	sadd.s32 s1, s30  }
0xc9: {  	s0 =	sor.u32 s4, s0;
	s1 =	sshll.u32 s1, $0x11  }
0xca: {  	s0 =	sor.u32 s1, s0  }
0xcb: {  	s0 =	sadd.s32 $0x8F2B, s0  }
0xcc: {  	[sflag:s0] =	ssyncadd.remote.s32 $0x1  }
0xcd: {  	_ =	sfence.sel $0xFFFF  }
0xce: {  	[dreg:$0x0] =	wrdreg $0xFFFFFFFF;
	(pc) =	sbr.abs _section_cstart, $3  }
0xcf: {  	[dreg:$0x1] =	wrdreg $0xFFFFFFFF  }
0xd0: {  	_ =	task.clear_ibuf [dreg:s22], $0x2FFFF;
	_ =	strace $0x9FFFFFFF  }
0xd1: {  	(tm) =	ssettm $0x7FFFFFFF  }
tec
execute0_lowered:
.L_overlay_start_1:
0x0: {  	(tag) =	ssettag $0x1  }
0x1: {  	s0 =	rddreg [dreg:$0x0]  }
0x2: {  	s1 =	rddreg [dreg:$0x1];
	s2 =	simm.s32 $0x0  }
0x3: {  	s3 =	srdreg.scid;
	s14 =	stileid.u32;
	s18 =	simm.s32 $0x4  }
0x4: {  	s19 =	simm.s32 $0x80;
	s20 =	simm.s32 $0x100;
	s21 =	simm.s32 $0x180  }
0x5: {  	s22 =	simm.s32 $0x200;
	s23 =	simm.s32 $0x3;
	s24 =	simm.s32 $0x4200  }
0x6: {  	s25 =	simm.s32 $0x1;
	s26 =	simm.s32 $0x2;
	s28 =	simm.s32 $0x0  }
0x7: {  	[smem:$0x7FF] =	sst s2;
	s3 =	sand.u32 $0x1, s3;
	s7 =	smul.u32 $0x2800, s14  }
0x8: {  	s4 =	sadd.s32 $0xD3000, s0;
	s5 =	sadd.s32 $0xC8C00, s0;
	s10 =	smul.u32 $0x50000, s14  }
0x9: {  	_ =	strace $0x80000050;
	s6 =	sshll.u32 s3, $0x4;
	s9 =	ssub.s32 $0x2, s3  }
0xa: {  	s12 =	smul.u32 $0x29000, s3;
	p0 =	seq.s32 s3, $0x1;
	s3 =	simm.s32 $0x123000  }
0xb: {  	s8 =	sor.u32 s14, s6;
	s6 =	sadd.s32 $0xBE800, s0;
	s0 =	sadd.s32 s7, s0  }
0xc: {  	s29 =	sshrl.u32 s9, $0x1;
	s14 =	smul.u32 $0x2900, s14;
	s15 =	sshrl.u32 s10, $0x2  }
0xd: {  	s3 =	simm.s32 @!p0 $0xFB000;
	s8 =	smul.u32 $0x2900, s8;
	s13 =	ssub.s32 s9, s29  }
0xe: {  	s17 =	sadd.s32 s14, s12;
	s12 =	sadd.s32 $0x46800, s0;
	s13 =	smax.u32 s13, $0x1  }
0xf: {  	s8 =	sshrl.u32 s8, $0x3;
	s14 =	sadd.s32 $0x180, s17;
	s17 =	sadd.s32 $0x100, s17  }
0x10: {  	s30 =	sadd.s32 s5, s8;
	s11 =	sor.u32 $0x10, s8;
	s31 =	sadd.s32 s6, s8  }
0x11: {  	s16 =	sshrl.u32 s14, $0x3;
	s14 =	sadd.s32 s3, s0;
	[dreg:$0x3] =	wrdreg s30  }
0x12: {  	[dreg:$0x4] =	wrdreg s31;
	s9 =	sadd.s32 s5, s11;
	s10 =	sadd.s32 s6, s11  }
0x13: {  	s11 =	sadd.s32 s15, s1;
	s15 =	sadd.s32 s16, s6;
	s16 =	sadd.s32 s16, s5  }
.LBB2_1:
0x14: {  	s0 =	rddreg [dreg:$0x3]  }
0x15: {  	[tilespmem:s2], [sflag:$0x4] =	stream.linear.gather [hbm4b:s0+s2], $0x80, $0x38;
	[tilespmem:$0x1C200] =	vst v63  }
0x16: {  	_ =	swait.ge [sflag:s18], $0x80  }
0x17: {  	[sflag:s18] =	ssyncset.done $0x0  }
0x18: {  	s8 =	rddreg [dreg:$0x4];
	[sflag:s18] =	ssyncadd.s32 $0xFFFFFF80  }
0x19: {  	[tilespmem:s19], [sflag:$0x4] =	stream.linear.gather [hbm4b:s8+s2], $0x80, $0x38;
	[tilespmem:$0x1C200] =	vst v63  }
0x1a: {  	_ =	swait.ge [sflag:s18], $0x80  }
0x1b: {  	s3 =	stileid.u32;
	[sflag:s18] =	ssyncset.done $0x0  }
0x1c: {  	s0 =	sshll.u32 s3, $0x6;
	[sflag:s18] =	ssyncadd.s32 $0xFFFFFF80  }
0x1d: {  	[tilespmem:s20], [sflag:$0x3] =	stream.linear.gather [hbm4b:s9+s2], $0x80, $0x38;
	[tilespmem:$0x1C200] =	vst v63  }
0x1e: {  	s30 =	sshrl.u32 s11, $0x3;
	s29 =	sor.u32 $0x1C04, s0  }
0x1f: {  	[tilespmem:s21], [sflag:$0x3] =	stream.linear.gather [hbm4b:s10+s2], $0x80, $0x38;
	[tilespmem:$0x1C200] =	vst v63  }
0x20: {  	[spmem:s30], [sflag:s29] =	dma.local [hbm:s12], $0x2800  }
0x21: {  	_ =	swait.ge [sflag:s18], $0x2800  }
0x22: {  	[sflag:s18] =	ssyncset.done $0x0  }
0x23: {  	[sflag:s18] =	ssyncadd.s32 $0xFFFFD800  }
0x24: {  	[bflag:$0x0] =	sbarrier.arrive $0xFFFF  }
0x25: {  	[tilespmem:s22], [sflag:$0x1] =	stream.indirect.gather [hbm4b:s4+s19], $0x80, s2, s19, $0xb8;
	[tilespmem:$0x1C200] =	vst v63  }
0x26: {  	_ =	swait.ge [sflag:s23], $0x80  }
0x27: {  	[sflag:s23] =	ssyncset.done $0x0  }
0x28: {  	[sflag:s23] =	ssyncadd.s32 $0xFFFFFF80  }
0x29: {  	_ =	swait.ge [sflag:s23], $0x80  }
0x2a: {  	[sflag:s23] =	ssyncset.done $0x0  }
0x2b: {  	[sflag:s23] =	ssyncadd.s32 $0xFFFFFF80  }
0x2c: {  	[tilespmem:s24], [sflag:$0x2] =	stream.indirect.gather [hbm4b:s4+s19], $0x80, s20, s19, $0xb8;
	[tilespmem:$0x1C200] =	vst v63  }
0x2d: {  	_ =	swait.ge [sflag:s25], $0x4000  }
0x2e: {  	[sflag:s25] =	ssyncset.done $0x0  }
0x2f: {  	[sflag:s25] =	ssyncadd.s32 $0xFFFFC000  }
0x30: {  	[spmem:s1] =	stream.indirect.scatter.add.f32 [tilespmem:s22], [sflag:$0x4], $0x80, s19, s19, $0xb8;
	[tilespmem:$0x1C200] =	vst v63  }
0x31: {  	_ =	swait.ge [sflag:s18], $0x4000  }
0x32: {  	s7 =	sshrl.u32 s17, $0x3;
	[sflag:s18] =	ssyncset.done $0x0  }
0x33: {  	s3 =	sadd.s32 s5, s7;
	[sflag:s18] =	ssyncadd.s32 $0xFFFFC000  }
0x34: {  	[tilespmem:s2], [sflag:$0x3] =	stream.linear.gather [hbm4b:s3+s2], $0x80, $0x38;
	[tilespmem:$0x1C200] =	vst v63  }
0x35: {  	s0 =	sadd.s32 s6, s7  }
0x36: {  	[tilespmem:s19], [sflag:$0x3] =	stream.linear.gather [hbm4b:s0+s2], $0x80, $0x38;
	[tilespmem:$0x1C200] =	vst v63  }
0x37: {  	_ =	swait.ge [sflag:s23], $0x80  }
0x38: {  	[sflag:s23] =	ssyncset.done $0x0  }
0x39: {  	[sflag:s23] =	ssyncadd.s32 $0xFFFFFF80  }
0x3a: {  	_ =	swait.ge [sflag:s23], $0x80  }
0x3b: {  	[sflag:s23] =	ssyncset.done $0x0  }
0x3c: {  	[sflag:s23] =	ssyncadd.s32 $0xFFFFFF80  }
0x3d: {  	[tilespmem:s22], [sflag:$0x1] =	stream.indirect.gather [hbm4b:s4+s19], $0x80, s2, s19, $0xb8;
	[tilespmem:$0x1C200] =	vst v63  }
0x3e: {  	_ =	swait.ge [sflag:s26], $0x4000  }
0x3f: {  	[sflag:s26] =	ssyncset.done $0x0  }
0x40: {  	[sflag:s26] =	ssyncadd.s32 $0xFFFFC000  }
0x41: {  	[spmem:s1] =	stream.indirect.scatter.add.f32 [tilespmem:s24], [sflag:$0x4], $0x80, s21, s19, $0xb8;
	[tilespmem:$0x1C200] =	vst v63  }
0x42: {  	_ =	swait.ge [sflag:s18], $0x4000  }
0x43: {  	s31 =	simm.s32 $0x20;
	s8 =	sadd.s32 $0x0, s16;
	[sflag:s18] =	ssyncset.done $0x0  }
0x44: {  	s3 =	sadd.s32 $0x0, s15;
	s0 =	sadd.s32 $0x100, s17;
	[sflag:s18] =	ssyncadd.s32 $0xFFFFC000  }
0x45: {  	[tilespmem:s20], [sflag:$0x3] =	stream.linear.gather [hbm4b:s8+s2], $0x80, $0x38;
	[tilespmem:$0x1C200] =	vst v63  }
.LBB2_2:
0x46: {  	[tilespmem:s21], [sflag:$0x3] =	stream.linear.gather [hbm4b:s3+s2], $0x80, $0x38;
	[tilespmem:$0x1C200] =	vst v63  }
0x47: {  	s3 =	smov.u32 s31  }
0x48: {  	p0 =	sne.s32 s31, $0x4E0;
	s31 =	sadd.s32 $0x20, s31;
	_ =	swait.ge [sflag:s23], $0x80  }
0x49: {  	[sflag:s23] =	ssyncset.done $0x0  }
0x4a: {  	[sflag:s23] =	ssyncadd.s32 $0xFFFFFF80  }
0x4b: {  	_ =	swait.ge [sflag:s23], $0x80  }
0x4c: {  	[sflag:s23] =	ssyncset.done $0x0  }
0x4d: {  	[sflag:s23] =	ssyncadd.s32 $0xFFFFFF80  }
0x4e: {  	[tilespmem:s24], [sflag:$0x2] =	stream.indirect.gather [hbm4b:s4+s19], $0x80, s20, s19, $0xb8;
	[tilespmem:$0x1C200] =	vst v63  }
0x4f: {  	_ =	swait.ge [sflag:s25], $0x4000  }
0x50: {  	[sflag:s25] =	ssyncset.done $0x0  }
0x51: {  	[sflag:s25] =	ssyncadd.s32 $0xFFFFC000  }
0x52: {  	[spmem:s1] =	stream.indirect.scatter.add.f32 [tilespmem:s22], [sflag:$0x4], $0x80, s19, s19, $0xb8;
	[tilespmem:$0x1C200] =	vst v63  }
0x53: {  	_ =	swait.ge [sflag:s18], $0x4000  }
0x54: {  	s7 =	sshrl.u32 s0, $0x3;
	[sflag:s18] =	ssyncset.done $0x0  }
0x55: {  	s8 =	sadd.s32 s5, s7;
	[sflag:s18] =	ssyncadd.s32 $0xFFFFC000  }
0x56: {  	[tilespmem:s2], [sflag:$0x3] =	stream.linear.gather [hbm4b:s8+s2], $0x80, $0x38;
	[tilespmem:$0x1C200] =	vst v63  }
0x57: {  	s7 =	sadd.s32 s6, s7  }
0x58: {  	[tilespmem:s19], [sflag:$0x3] =	stream.linear.gather [hbm4b:s7+s2], $0x80, $0x38;
	[tilespmem:$0x1C200] =	vst v63  }
0x59: {  	_ =	swait.ge [sflag:s23], $0x80  }
0x5a: {  	[sflag:s23] =	ssyncset.done $0x0  }
0x5b: {  	[sflag:s23] =	ssyncadd.s32 $0xFFFFFF80  }
0x5c: {  	_ =	swait.ge [sflag:s23], $0x80  }
0x5d: {  	[sflag:s23] =	ssyncset.done $0x0  }
0x5e: {  	[sflag:s23] =	ssyncadd.s32 $0xFFFFFF80  }
0x5f: {  	[tilespmem:s22], [sflag:$0x1] =	stream.indirect.gather [hbm4b:s4+s19], $0x80, s2, s19, $0xb8;
	[tilespmem:$0x1C200] =	vst v63  }
0x60: {  	_ =	swait.ge [sflag:s26], $0x4000  }
0x61: {  	[sflag:s26] =	ssyncset.done $0x0  }
0x62: {  	[sflag:s26] =	ssyncadd.s32 $0xFFFFC000  }
0x63: {  	[spmem:s1] =	stream.indirect.scatter.add.f32 [tilespmem:s24], [sflag:$0x4], $0x80, s21, s19, $0xb8;
	[tilespmem:$0x1C200] =	vst v63  }
.Ltmp0:
0x64: {  	_ =	swait.ge [sflag:s18], $0x4000;
	(pc) =	sbr.rel @p0 .LBB2_2-.Ltmp0, $4  }
0x65: {  	[sflag:s18] =	ssyncset.done $0x0  }
0x66: {  	s7 =	sadd.s32 s3, s16;
	[sflag:s18] =	ssyncadd.s32 $0xFFFFC000  }
0x67: {  	[tilespmem:s20], [sflag:$0x3] =	stream.linear.gather [hbm4b:s7+s2], $0x80, $0x38;
	[tilespmem:$0x1C200] =	vst v63  }
0x68: {  	s0 =	sadd.s32 $0x100, s0;
	s3 =	sadd.s32 s3, s15  }
0x69: {  	[tilespmem:s21], [sflag:$0x3] =	stream.linear.gather [hbm4b:s3+s2], $0x80, $0x38;
	[tilespmem:$0x1C200] =	vst v63  }
0x6a: {  	_ =	swait.ge [sflag:s25], $0x4000  }
0x6b: {  	[sflag:s25] =	ssyncset.done $0x0  }
0x6c: {  	[sflag:s25] =	ssyncadd.s32 $0xFFFFC000  }
0x6d: {  	_ =	swait.ge [sflag:s23], $0x80  }
0x6e: {  	[sflag:s23] =	ssyncset.done $0x0  }
0x6f: {  	[sflag:s23] =	ssyncadd.s32 $0xFFFFFF80  }
0x70: {  	_ =	swait.ge [sflag:s23], $0x80  }
0x71: {  	s28 =	sadd.s32 $0x1, s28;
	[sflag:s23] =	ssyncset.done $0x0  }
0x72: {  	p0 =	sne.s32 s28, s13;
	[sflag:s23] =	ssyncadd.s32 $0xFFFFFF80  }
.Ltmp1:
0x73: {  	[bflag:$0x0] =	sbarrier.arrive $0xFFFF;
	(pc) =	sbr.rel @p0 .LBB2_1-.Ltmp1, $4  }
0x74: {  	[hbm:s14], [sflag:s29] =	dma.local [spmem:s30], $0x2800  }
0x75: {  	_ =	swait.ge [sflag:s18], $0x2800  }
0x76: {  	[sflag:s18] =	ssyncset.done $0x0  }
0x77: {  	[sflag:s18] =	ssyncadd.s32 $0xFFFFD800  }
0x78: {  	_ =	sfence.sel $0x180000  }
0x79: {  	[bflag:$0x0] =	sbarrier.arrive $0xFFFF  }
0x7a: {  	_ =	strace $0x90000050  }
0x7b: {  	s0 =	stileid.u32;
	[bflag:$0x2] =	sbarrier.arrive $0xFFFF  }
0x7c: {  	p0 =	sne.s32 s0, $0x0;
	s0 =	rddreg [dreg:$0x2]  }
0x7d: {  	s0 =	sadd.s32 @!p0 $0x100000, s0  }
0x7e: {  	[sflag:s0] =	ssyncadd.tile.s32 @!p0 $0x1;
	_ =	shalt  }
.Lfunc_end2:
_tile_overlayer_lowered:
.L_overlay_start_2:
0x7f: {  	(tag) =	ssettag $0x2  }
0x80: {  	s0 =	rddreg [dreg:$0x0];
	s2 =	stileid.u32  }
0x81: {  	s1 =	rddreg [dreg:$0x1];
	p0 =	sne.s32 s2, $0x0  }
0x82: {  	s3 =	rddreg [dreg:$0x2];
	[bflag:$0x3] =	sbarrier.arrive $0xFFFF;
	s2 =	simm.s32 @!p0 $0x1C04  }
0x83: {  	[timem:s3], [sflag:s2] =	dma.local @!p0 [hbm:s0], s1  }
0x84: {  	s0 =	simm.s32 @!p0 $0x4  }
0x85: {  	_ =	swait.ge @!p0 [sflag:s0], s1  }
0x86: {  	s1 =	ssub.s32 @!p0 $0x0, s1;
	[sflag:s0] =	ssyncset.done @!p0 $0x0  }
0x87: {  	[sflag:s0] =	ssyncadd.s32 @!p0 s1  }
0x88: {  	[bflag:$0x3] =	sbarrier.arrive $0xFFFF  }
0x89: {  	_ =	shalt  }

// kernel: kernel.23.cloned.1.call-start
scs
__scs_entry_jumppad:
0x0: {  	(pc) =	sbr.rel $0x88, $3  }
0x1: {  	(tag) =	ssettag $0x0;
	lr =	simm.s32 $0x1  }
0x2: {  	[smem:$0x3F92] =	sst lr;
	_ =	strace $0xD0000000  }
0x3: {  	_ = 	snop  }
0x4: {  	_ = 	snop  }
0x5: {  	_ = 	snop  }
0x6: {  	_ = 	snop  }
0x7: {  	_ = 	snop  }
__scs_overlays_trampoline_lowered:
0x8: {  	[smem:$0x3FA1] =	sst s0  }
0x9: {  	[smem:$0x3FA2] =	sst s1  }
0xa: {  	[smem:$0x3FA3] =	sst s2  }
0xb: {  	[smem:$0x3FA4] =	sst s3  }
0xc: {  	[smem:$0x3FA5] =	sst s4  }
0xd: {  	[smem:$0x3FA6] =	sst s5  }
0xe: {  	[smem:$0x3FA7] =	sst s6  }
0xf: {  	[smem:$0x3FA8] =	sst s7  }
0x10: {  	[smem:$0x3FA9] =	sst s8  }
0x11: {  	[smem:$0x3FAA] =	sst s9;
	s0 =	simm.s32 @!p0 $0x0  }
0x12: {  	s1 =	sld [smem:$0x3F90];
	s0 =	simm.s32 @p0 $0x1  }
0x13: {  	[smem:$0x3FAB] =	sst s0;
	s0 =	simm.s32 @!p1 $0x0  }
0x14: {  	s2 =	sld [smem:$0x3F8F];
	s0 =	simm.s32 @p1 $0x1  }
0x15: {  	[smem:$0x3FAC] =	sst s0;
	s0 =	simm.s32 @!p2 $0x0  }
0x16: {  	s3 =	sld [smem:$0x3FDB];
	s0 =	simm.s32 @p2 $0x1  }
0x17: {  	s4 =	simm.s32 $0x1BF5;
	[smem:$0x3FAE] =	sst s0  }
0x18: {  	s0 =	sld [smem:$0x3F91];
	_ =	swait.ge [sflag:s4], $0x0  }
0x19: {  	s7 =	sld [smem:$0x3F92]  }
0x1a: {  	s8 =	sadd.s32 $0xFFFFE003, lr  }
0x1b: {  	s9 =	sadd.s32 $0xFFFFFEF7, lr;
	s5 =	simm.s32 $0xFFFFFFFF;
	p2 =	slt.u32 s8, $0xFFFFF086  }
0x1c: {  	p1 =	slt.u32 s9, $0xF7A;
	s5 =	simm.s32 @!p2 $0x0  }
0x1d: {  	s5 =	simm.s32 @p1 $0x1;
	p0 =	seq.s32 s7, s2  }
0x1e: {  	s7 =	smul.u32 @!p0 $0xF7A, s2;
	p2 =	seq.s32 @!p0 s5, $0x0  }
0x1f: {  	s9 =	smul.u32 $0xF7A, s1;
	s8 =	simm.s32 @!p0 $0x1BF5;
	p2 =	por !p2, p0  }
0x20: {  	[sflag:s8] =	ssyncset.s32 @!p0 $0xFFFFF086;
	s6 =	sadd.s32 @!p0 s3, s7;
	s7 =	simm.s32 @!p0 $0x108  }
0x21: {  	s3 =	sadd.s32 s3, s9;
	s6 =	sadd.s32 @!p0 $0x88, s6;
	s7 =	simm.s32 @p2 $0x1082  }
0x22: {  	[simem:s7], [sflag:s8] =	dma.local @!p0 [hbm:s6], $0xF7A  }
0x23: {  	s9 =	sor.u32 $0xD0000000, s2;
	s6 =	simm.s32 $0x108;
	_ =	swait.ge @!p0 [sflag:s8], $0x0  }
0x24: {  	s3 =	sadd.s32 $0x88, s3;
	s6 =	simm.s32 @!p1 $0x1082;
	[sflag:s4] =	ssyncset.s32 $0xFFFFF086  }
0x25: {  	[simem:s6], [sflag:s4] =	dma.local [hbm:s3], $0xF7A  }
0x26: {  	[smem:$0x3F92] =	sst s1;
	(tag) =	ssettag s2;
	_ =	strace s9  }
0x27: {  	s1 =	sld [smem:$0x3FA2]  }
0x28: {  	s2 =	sld [smem:$0x3FA3]  }
0x29: {  	s4 =	sld [smem:$0x3FA5]  }
0x2a: {  	p0 =	seq.s32 s5, $0x0;
	s5 =	sld [smem:$0x3FA6]  }
0x2b: {  	s6 =	sld [smem:$0x3FA7]  }
0x2c: {  	s7 =	sld [smem:$0x3FA8]  }
0x2d: {  	s3 =	simm.s32 $0x108;
	s8 =	sld [smem:$0x3FA9]  }
0x2e: {  	s3 =	simm.s32 @!p0 $0x1082;
	s9 =	sld [smem:$0x3FAA]  }
0x2f: {  	lr =	sadd.s32 s0, s3;
	s0 =	sld [smem:$0x3FA1]  }
0x30: {  	s3 =	sld [smem:$0x3FA4]  }
0x31: {  	[smem:$0x3FAD] =	sst s10  }
0x32: {  	s10 =	sld [smem:$0x3FAB];
	_ =	sdelay $0x3  }
0x33: {  	p0 =	seq.s32 s10, $0x1;
	s10 =	sld [smem:$0x3FAD];
	_ =	sdelay $0x3  }
0x34: {  	[smem:$0x3FAD] =	sst s10  }
0x35: {  	s10 =	sld [smem:$0x3FAC];
	_ =	sdelay $0x3  }
0x36: {  	p1 =	seq.s32 s10, $0x1;
	s10 =	sld [smem:$0x3FAD];
	_ =	sdelay $0x3  }
0x37: {  	[smem:$0x3FAD] =	sst s10  }
0x38: {  	s10 =	sld [smem:$0x3FAE]  }
0x39: {  	_ = 	snop;
	(pc) =	sbr.ind lr, $3  }
0x3a: {  	_ = 	snop  }
0x3b: {  	_ = 	snop  }
0x3c: {  	p2 =	seq.s32 s10, $0x1;
	s10 =	sld [smem:$0x3FAD]  }
0x3d: {  	_ =	shalt  }
0x3e: {  	_ =	shalt  }
0x3f: {  	_ =	shalt  }
0x40: {  	_ =	shalt  }
0x41: {  	_ =	shalt  }
0x42: {  	_ =	shalt  }
0x43: {  	_ =	shalt  }
0x44: {  	_ =	shalt  }
0x45: {  	_ =	shalt  }
0x46: {  	_ =	shalt  }
0x47: {  	_ =	shalt  }
0x48: {  	_ =	shalt  }
0x49: {  	_ =	shalt  }
0x4a: {  	_ =	shalt  }
0x4b: {  	_ =	shalt  }
0x4c: {  	_ =	shalt  }
0x4d: {  	_ =	shalt  }
0x4e: {  	_ =	shalt  }
0x4f: {  	_ =	shalt  }
0x50: {  	_ =	shalt  }
0x51: {  	_ =	shalt  }
0x52: {  	_ =	shalt  }
0x53: {  	_ =	shalt  }
0x54: {  	_ =	shalt  }
0x55: {  	_ =	shalt  }
0x56: {  	_ =	shalt  }
0x57: {  	_ =	shalt  }
0x58: {  	_ =	shalt  }
0x59: {  	_ =	shalt  }
0x5a: {  	_ =	shalt  }
0x5b: {  	_ =	shalt  }
0x5c: {  	_ =	shalt  }
0x5d: {  	_ =	shalt  }
0x5e: {  	_ =	shalt  }
0x5f: {  	_ =	shalt  }
0x60: {  	_ =	shalt  }
0x61: {  	_ =	shalt  }
0x62: {  	_ =	shalt  }
0x63: {  	_ =	shalt  }
0x64: {  	_ =	shalt  }
0x65: {  	_ =	shalt  }
0x66: {  	_ =	shalt  }
0x67: {  	_ =	shalt  }
0x68: {  	_ =	shalt  }
0x69: {  	_ =	shalt  }
0x6a: {  	_ =	shalt  }
0x6b: {  	_ =	shalt  }
0x6c: {  	_ =	shalt  }
0x6d: {  	_ =	shalt  }
0x6e: {  	_ =	shalt  }
0x6f: {  	_ =	shalt  }
0x70: {  	_ =	shalt  }
0x71: {  	_ =	shalt  }
0x72: {  	_ =	shalt  }
0x73: {  	_ =	shalt  }
0x74: {  	_ =	shalt  }
0x75: {  	_ =	shalt  }
0x76: {  	_ =	shalt  }
0x77: {  	_ =	shalt  }
0x78: {  	_ =	shalt  }
0x79: {  	_ =	shalt  }
0x7a: {  	_ =	shalt  }
0x7b: {  	_ =	shalt  }
0x7c: {  	_ =	shalt  }
0x7d: {  	_ =	shalt  }
0x7e: {  	_ =	shalt  }
0x7f: {  	_ =	shalt  }
0x80: {  	_ =	shalt  }
0x81: {  	_ =	shalt  }
0x82: {  	_ =	shalt  }
0x83: {  	_ =	shalt  }
0x84: {  	_ =	shalt  }
0x85: {  	_ =	shalt  }
0x86: {  	_ =	shalt  }
0x87: {  	_ =	shalt  }
.Lfunc_end0:
.L_simem_size_0:
called_computation.2_lowered:
.L_overlay_start_0:
0x88: {  	s2 =	sld [smem:$0x3FD9]  }
0x89: {  	s3 =	sld [smem:$0x3FFE];
	_ =	sdelay $0x1  }
0x8a: {  	s1 =	srdreg.scid  }
0x8b: {  	s0 =	sand.u32 $0x1, s1  }
0x8c: {  	s17 =	sshll.u32 s0, $0xA;
	s2 =	sadd.s32 s3, s2  }
0x8d: {  	s2 =	sadd.s32 s2, s17  }
0x8e: {  	[smem:$0x3FB9] =	sst s2  }
0x8f: {  	_ = 	snop  }
0x90: {  	(tm) =	ssettm $0x1  }
0x91: {  	s18 =	sld [smem:$0x3FFB];
	_ =	sdelay $0x3  }
0x92: {  	_ =	strace s18  }
0x93: {  	s2 =	sld [smem:$0x3FFC];
	_ =	sdelay $0x3  }
0x94: {  	_ =	strace s2  }
0x95: {  	s2 =	sld [smem:$0x3FFD];
	_ =	sdelay $0x3  }
0x96: {  	_ =	strace s2  }
0x97: {  	_ =	strace $0x8FFFFFFF  }
0x98: {  	s19 =	sld [smem:$0x3FDB];
	_ =	sdelay $0x1  }
0x99: {  	s20 =	simm.s32 $_scs_section_size  }
0x9a: {  	s4 =	simm.s32 $_size__tile_overlayer_lowered;
	s5 =	simm.s32 $_tile_overlayer_lowered  }
0x9b: {  	s6 =	simm.s32 $0x1BFF;
	s21 =	sshll.u32 s5, $0x1;
	s3 =	sadd.s32 s20, s19  }
0x9c: {  	s22 =	simm.s32 $0x0;
	s4 =	sshll.u32 s4, $0x1;
	s5 =	sadd.s32 s21, s3  }
0x9d: {  	[timem:s22], [sflag:s6] =	dma.local [hbm:s5], s4  }
0x9e: {  	_ =	swait.ge [sflag:s6], s4  }
0x9f: {  	s4 =	ssub.s32 $0x0, s4;
	[sflag:s6] =	ssyncset.done $0x0  }
0xa0: {  	[sflag:s6] =	ssyncadd.s32 s4;
	_ =	sdelay $0x1  }
0xa1: {  	s23 =	simm.s32 $0x1B8B  }
0xa2: {  	_ =	swait.ge [sflag:s23], $0x1  }
0xa3: {  	[sflag:s23] =	ssyncset.done $0x0  }
0xa4: {  	[sflag:s23] =	ssyncadd.s32 $0xFFFFFFFF  }
0xa5: {  	s4 =	sld [smem:$0x0]  }
0xa6: {  	s5 =	sand.u32 $0xFFFFFFFE, s1  }
0xa7: {  	p0 =	sne.s32 s1, s5  }
0xa8: {  	s5 =	sshll.u32 @p0 s5, $0xE  }
0xa9: {  	s5 =	sadd.s32 @p0 $0x11B8D, s5;
	s6 =	sshll.u32 @p0 s4, $0x11  }
0xaa: {  	s5 =	sor.u32 @p0 s6, s5  }
0xab: {  	[sflag:s5] =	ssyncadd.remote.s32 @p0 $0x1;
	_ =	sdelay $0x1  }
0xac: {  	s5 =	simm.s32 @p0 $0x1B8D  }
0xad: {  	_ =	swait.eq @p0 [sflag:s5], $0x1  }
0xae: {  	[sflag:s5] =	ssyncadd.s32 @p0 $0xFFFFFFFF  }
0xaf: {  	s6 =	sshll.u32 @!p0 s1, $0xE  }
0xb0: {  	s6 =	sor.u32 @!p0 $0x4000, s6;
	s5 =	simm.s32 @!p0 $0x1B8D  }
0xb1: {  	s4 =	sshll.u32 @!p0 s4, $0x11;
	s6 =	sadd.s32 @!p0 $0x11B8D, s6;
	_ =	swait.eq @!p0 [sflag:s5], $0x1  }
0xb2: {  	s4 =	sor.u32 @!p0 s4, s6;
	[sflag:s5] =	ssyncadd.s32 @!p0 $0xFFFFFFFF  }
0xb3: {  	s25 =	simm.s32 $0x1B8E;
	s24 =	sld [smem:$0x3FFE];
	[sflag:s4] =	ssyncadd.remote.s32 @!p0 $0x1  }
0xb4: {  	s26 =	simm.s32 $execute0_lowered;
	[smem:$0x3FD2] =	sst s25  }
0xb5: {  	s5 =	sshll.u32 s26, $0x1;
	_ =	strace $0x80000055;
	[dreg:$0x1] =	wrdreg $0xFFFFFFFF  }
0xb6: {  	s28 =	simm.s32 $_size_execute0_lowered;
	s3 =	sadd.s32 s3, s5;
	[dreg:$0x0] =	wrdreg $0x0  }
0xb7: {  	s5 =	sshll.u32 s28, $0x1;
	[dreg:$0x2] =	wrdreg s3  }
0xb8: {  	[dreg:$0x3] =	wrdreg s5  }
0xb9: {  	[dreg:$0x4] =	wrdreg $0xC0  }
0xba: {  	_ =	task [dreg:s22], $0x5FFFF  }
0xbb: {  	[dreg:$0x1] =	wrdreg $0xFFFFFFFF  }
0xbc: {  	[dreg:$0x0] =	wrdreg $0x60  }
0xbd: {  	[dreg:$0x2] =	wrdreg s24  }
0xbe: {  	[dreg:$0x3] =	wrdreg $0x82000  }
0xbf: {  	[dreg:$0x4] =	wrdreg $0x9  }
0xc0: {  	_ =	task.clear_ibuf [dreg:s22], $0x5FFFF;
	_ =	strace $0x90000055  }
0xc1: {  	s29 =	simm.s32 $0x9;
	_ =	strace $0x80000057  }
0xc2: {  	_ =	swait.ge [sflag:s29], $0x1  }
0xc3: {  	[sflag:s29] =	ssyncadd.s32 $0xFFFFFFFF  }
0xc4: {  	_ =	strace $0x90000057  }
0xc5: {  	_ =	sfence  }
0xc6: {  	s30 =	sld [smem:$0x0];
	_ =	sdelay $0x2  }
0xc7: {  	s31 =	sshll.u32 s1, $0xD;
	s1 =	sshrl.u32 s1, $0x2  }
0xc8: {  	s4 =	sand.u32 $0x4000, s31;
	s1 =	sadd.s32 s1, s30  }
0xc9: {  	s0 =	sor.u32 s4, s0;
	s1 =	sshll.u32 s1, $0x11  }
0xca: {  	s0 =	sor.u32 s1, s0  }
0xcb: {  	s0 =	sadd.s32 $0x8F2B, s0  }
0xcc: {  	[sflag:s0] =	ssyncadd.remote.s32 $0x1  }
0xcd: {  	_ =	sfence.sel $0xFFFF  }
0xce: {  	[dreg:$0x0] =	wrdreg $0xFFFFFFFF;
	(pc) =	sbr.abs _section_cstart, $3  }
0xcf: {  	[dreg:$0x1] =	wrdreg $0xFFFFFFFF  }
0xd0: {  	_ =	task.clear_ibuf [dreg:s22], $0x2FFFF;
	_ =	strace $0x9FFFFFFF  }
0xd1: {  	(tm) =	ssettm $0x7FFFFFFF  }
tec
execute0_lowered:
.L_overlay_start_1:
0x0: {  	(tag) =	ssettag $0x1  }
0x1: {  	s0 =	rddreg [dreg:$0x0]  }
0x2: {  	s1 =	rddreg [dreg:$0x1];
	s2 =	simm.s32 $0x0  }
0x3: {  	s3 =	srdreg.scid;
	s14 =	stileid.u32;
	s18 =	simm.s32 $0x4  }
0x4: {  	s19 =	simm.s32 $0x80;
	s20 =	simm.s32 $0x100;
	s21 =	simm.s32 $0x180  }
0x5: {  	s22 =	simm.s32 $0x200;
	s23 =	simm.s32 $0x3;
	s24 =	simm.s32 $0x4200  }
0x6: {  	s25 =	simm.s32 $0x1;
	s26 =	simm.s32 $0x2;
	s28 =	simm.s32 $0x0  }
0x7: {  	[smem:$0x7FF] =	sst s2;
	s3 =	sand.u32 $0x1, s3;
	s7 =	smul.u32 $0x2800, s14  }
0x8: {  	s4 =	sadd.s32 $0xD3000, s0;
	s5 =	sadd.s32 $0xC8C00, s0;
	s10 =	smul.u32 $0x50000, s14  }
0x9: {  	_ =	strace $0x80000056;
	s6 =	sshll.u32 s3, $0x4;
	s9 =	ssub.s32 $0x2, s3  }
0xa: {  	s12 =	smul.u32 $0x29000, s3;
	p0 =	seq.s32 s3, $0x1;
	s3 =	simm.s32 $0x123000  }
0xb: {  	s8 =	sor.u32 s14, s6;
	s6 =	sadd.s32 $0xBE800, s0;
	s0 =	sadd.s32 s7, s0  }
0xc: {  	s29 =	sshrl.u32 s9, $0x1;
	s14 =	smul.u32 $0x2900, s14;
	s15 =	sshrl.u32 s10, $0x2  }
0xd: {  	s3 =	simm.s32 @!p0 $0xFB000;
	s8 =	smul.u32 $0x2900, s8;
	s13 =	ssub.s32 s9, s29  }
0xe: {  	s17 =	sadd.s32 s14, s12;
	s12 =	sadd.s32 $0x46800, s0;
	s13 =	smax.u32 s13, $0x1  }
0xf: {  	s8 =	sshrl.u32 s8, $0x3;
	s14 =	sadd.s32 $0x180, s17;
	s17 =	sadd.s32 $0x100, s17  }
0x10: {  	s30 =	sadd.s32 s5, s8;
	s11 =	sor.u32 $0x10, s8;
	s31 =	sadd.s32 s6, s8  }
0x11: {  	s16 =	sshrl.u32 s14, $0x3;
	s14 =	sadd.s32 s3, s0;
	[dreg:$0x3] =	wrdreg s30  }
0x12: {  	[dreg:$0x4] =	wrdreg s31;
	s9 =	sadd.s32 s5, s11;
	s10 =	sadd.s32 s6, s11  }
0x13: {  	s11 =	sadd.s32 s15, s1;
	s15 =	sadd.s32 s16, s6;
	s16 =	sadd.s32 s16, s5  }
.LBB2_1:
0x14: {  	s0 =	rddreg [dreg:$0x3]  }
0x15: {  	[tilespmem:s2], [sflag:$0x4] =	stream.linear.gather [hbm4b:s0+s2], $0x80, $0x38;
	[tilespmem:$0x1C200] =	vst v63  }
0x16: {  	_ =	swait.ge [sflag:s18], $0x80  }
0x17: {  	[sflag:s18] =	ssyncset.done $0x0  }
0x18: {  	s8 =	rddreg [dreg:$0x4];
	[sflag:s18] =	ssyncadd.s32 $0xFFFFFF80  }
0x19: {  	[tilespmem:s19], [sflag:$0x4] =	stream.linear.gather [hbm4b:s8+s2], $0x80, $0x38;
	[tilespmem:$0x1C200] =	vst v63  }
0x1a: {  	_ =	swait.ge [sflag:s18], $0x80  }
0x1b: {  	s3 =	stileid.u32;
	[sflag:s18] =	ssyncset.done $0x0  }
0x1c: {  	s0 =	sshll.u32 s3, $0x6;
	[sflag:s18] =	ssyncadd.s32 $0xFFFFFF80  }
0x1d: {  	[tilespmem:s20], [sflag:$0x3] =	stream.linear.gather [hbm4b:s9+s2], $0x80, $0x38;
	[tilespmem:$0x1C200] =	vst v63  }
0x1e: {  	s30 =	sshrl.u32 s11, $0x3;
	s29 =	sor.u32 $0x1C04, s0  }
0x1f: {  	[tilespmem:s21], [sflag:$0x3] =	stream.linear.gather [hbm4b:s10+s2], $0x80, $0x38;
	[tilespmem:$0x1C200] =	vst v63  }
0x20: {  	[spmem:s30], [sflag:s29] =	dma.local [hbm:s12], $0x2800  }
0x21: {  	_ =	swait.ge [sflag:s18], $0x2800  }
0x22: {  	[sflag:s18] =	ssyncset.done $0x0  }
0x23: {  	[sflag:s18] =	ssyncadd.s32 $0xFFFFD800  }
0x24: {  	[bflag:$0x0] =	sbarrier.arrive $0xFFFF  }
0x25: {  	[tilespmem:s22], [sflag:$0x1] =	stream.indirect.gather [hbm4b:s4+s19], $0x80, s2, s19, $0xb8;
	[tilespmem:$0x1C200] =	vst v63  }
0x26: {  	_ =	swait.ge [sflag:s23], $0x80  }
0x27: {  	[sflag:s23] =	ssyncset.done $0x0  }
0x28: {  	[sflag:s23] =	ssyncadd.s32 $0xFFFFFF80  }
0x29: {  	_ =	swait.ge [sflag:s23], $0x80  }
0x2a: {  	[sflag:s23] =	ssyncset.done $0x0  }
0x2b: {  	[sflag:s23] =	ssyncadd.s32 $0xFFFFFF80  }
0x2c: {  	[tilespmem:s24], [sflag:$0x2] =	stream.indirect.gather [hbm4b:s4+s19], $0x80, s20, s19, $0xb8;
	[tilespmem:$0x1C200] =	vst v63  }
0x2d: {  	_ =	swait.ge [sflag:s25], $0x4000  }
0x2e: {  	[sflag:s25] =	ssyncset.done $0x0  }
0x2f: {  	[sflag:s25] =	ssyncadd.s32 $0xFFFFC000  }
0x30: {  	[spmem:s1] =	stream.indirect.scatter.add.f32 [tilespmem:s22], [sflag:$0x4], $0x80, s19, s19, $0xb8;
	[tilespmem:$0x1C200] =	vst v63  }
0x31: {  	_ =	swait.ge [sflag:s18], $0x4000  }
0x32: {  	s7 =	sshrl.u32 s17, $0x3;
	[sflag:s18] =	ssyncset.done $0x0  }
0x33: {  	s3 =	sadd.s32 s5, s7;
	[sflag:s18] =	ssyncadd.s32 $0xFFFFC000  }
0x34: {  	[tilespmem:s2], [sflag:$0x3] =	stream.linear.gather [hbm4b:s3+s2], $0x80, $0x38;
	[tilespmem:$0x1C200] =	vst v63  }
0x35: {  	s0 =	sadd.s32 s6, s7  }
0x36: {  	[tilespmem:s19], [sflag:$0x3] =	stream.linear.gather [hbm4b:s0+s2], $0x80, $0x38;
	[tilespmem:$0x1C200] =	vst v63  }
0x37: {  	_ =	swait.ge [sflag:s23], $0x80  }
0x38: {  	[sflag:s23] =	ssyncset.done $0x0  }
0x39: {  	[sflag:s23] =	ssyncadd.s32 $0xFFFFFF80  }
0x3a: {  	_ =	swait.ge [sflag:s23], $0x80  }
0x3b: {  	[sflag:s23] =	ssyncset.done $0x0  }
0x3c: {  	[sflag:s23] =	ssyncadd.s32 $0xFFFFFF80  }
0x3d: {  	[tilespmem:s22], [sflag:$0x1] =	stream.indirect.gather [hbm4b:s4+s19], $0x80, s2, s19, $0xb8;
	[tilespmem:$0x1C200] =	vst v63  }
0x3e: {  	_ =	swait.ge [sflag:s26], $0x4000  }
0x3f: {  	[sflag:s26] =	ssyncset.done $0x0  }
0x40: {  	[sflag:s26] =	ssyncadd.s32 $0xFFFFC000  }
0x41: {  	[spmem:s1] =	stream.indirect.scatter.add.f32 [tilespmem:s24], [sflag:$0x4], $0x80, s21, s19, $0xb8;
	[tilespmem:$0x1C200] =	vst v63  }
0x42: {  	_ =	swait.ge [sflag:s18], $0x4000  }
0x43: {  	s31 =	simm.s32 $0x20;
	s8 =	sadd.s32 $0x0, s16;
	[sflag:s18] =	ssyncset.done $0x0  }
0x44: {  	s3 =	sadd.s32 $0x0, s15;
	s0 =	sadd.s32 $0x100, s17;
	[sflag:s18] =	ssyncadd.s32 $0xFFFFC000  }
0x45: {  	[tilespmem:s20], [sflag:$0x3] =	stream.linear.gather [hbm4b:s8+s2], $0x80, $0x38;
	[tilespmem:$0x1C200] =	vst v63  }
.LBB2_2:
0x46: {  	[tilespmem:s21], [sflag:$0x3] =	stream.linear.gather [hbm4b:s3+s2], $0x80, $0x38;
	[tilespmem:$0x1C200] =	vst v63  }
0x47: {  	s3 =	smov.u32 s31  }
0x48: {  	p0 =	sne.s32 s31, $0x4E0;
	s31 =	sadd.s32 $0x20, s31;
	_ =	swait.ge [sflag:s23], $0x80  }
0x49: {  	[sflag:s23] =	ssyncset.done $0x0  }
0x4a: {  	[sflag:s23] =	ssyncadd.s32 $0xFFFFFF80  }
0x4b: {  	_ =	swait.ge [sflag:s23], $0x80  }
0x4c: {  	[sflag:s23] =	ssyncset.done $0x0  }
0x4d: {  	[sflag:s23] =	ssyncadd.s32 $0xFFFFFF80  }
0x4e: {  	[tilespmem:s24], [sflag:$0x2] =	stream.indirect.gather [hbm4b:s4+s19], $0x80, s20, s19, $0xb8;
	[tilespmem:$0x1C200] =	vst v63  }
0x4f: {  	_ =	swait.ge [sflag:s25], $0x4000  }
0x50: {  	[sflag:s25] =	ssyncset.done $0x0  }
0x51: {  	[sflag:s25] =	ssyncadd.s32 $0xFFFFC000  }
0x52: {  	[spmem:s1] =	stream.indirect.scatter.add.f32 [tilespmem:s22], [sflag:$0x4], $0x80, s19, s19, $0xb8;
	[tilespmem:$0x1C200] =	vst v63  }
0x53: {  	_ =	swait.ge [sflag:s18], $0x4000  }
0x54: {  	s7 =	sshrl.u32 s0, $0x3;
	[sflag:s18] =	ssyncset.done $0x0  }
0x55: {  	s8 =	sadd.s32 s5, s7;
	[sflag:s18] =	ssyncadd.s32 $0xFFFFC000  }
0x56: {  	[tilespmem:s2], [sflag:$0x3] =	stream.linear.gather [hbm4b:s8+s2], $0x80, $0x38;
	[tilespmem:$0x1C200] =	vst v63  }
0x57: {  	s7 =	sadd.s32 s6, s7  }
0x58: {  	[tilespmem:s19], [sflag:$0x3] =	stream.linear.gather [hbm4b:s7+s2], $0x80, $0x38;
	[tilespmem:$0x1C200] =	vst v63  }
0x59: {  	_ =	swait.ge [sflag:s23], $0x80  }
0x5a: {  	[sflag:s23] =	ssyncset.done $0x0  }
0x5b: {  	[sflag:s23] =	ssyncadd.s32 $0xFFFFFF80  }
0x5c: {  	_ =	swait.ge [sflag:s23], $0x80  }
0x5d: {  	[sflag:s23] =	ssyncset.done $0x0  }
0x5e: {  	[sflag:s23] =	ssyncadd.s32 $0xFFFFFF80  }
0x5f: {  	[tilespmem:s22], [sflag:$0x1] =	stream.indirect.gather [hbm4b:s4+s19], $0x80, s2, s19, $0xb8;
	[tilespmem:$0x1C200] =	vst v63  }
0x60: {  	_ =	swait.ge [sflag:s26], $0x4000  }
0x61: {  	[sflag:s26] =	ssyncset.done $0x0  }
0x62: {  	[sflag:s26] =	ssyncadd.s32 $0xFFFFC000  }
0x63: {  	[spmem:s1] =	stream.indirect.scatter.add.f32 [tilespmem:s24], [sflag:$0x4], $0x80, s21, s19, $0xb8;
	[tilespmem:$0x1C200] =	vst v63  }
.Ltmp0:
0x64: {  	_ =	swait.ge [sflag:s18], $0x4000;
	(pc) =	sbr.rel @p0 .LBB2_2-.Ltmp0, $4  }
0x65: {  	[sflag:s18] =	ssyncset.done $0x0  }
0x66: {  	s7 =	sadd.s32 s3, s16;
	[sflag:s18] =	ssyncadd.s32 $0xFFFFC000  }
0x67: {  	[tilespmem:s20], [sflag:$0x3] =	stream.linear.gather [hbm4b:s7+s2], $0x80, $0x38;
	[tilespmem:$0x1C200] =	vst v63  }
0x68: {  	s0 =	sadd.s32 $0x100, s0;
	s3 =	sadd.s32 s3, s15  }
0x69: {  	[tilespmem:s21], [sflag:$0x3] =	stream.linear.gather [hbm4b:s3+s2], $0x80, $0x38;
	[tilespmem:$0x1C200] =	vst v63  }
0x6a: {  	_ =	swait.ge [sflag:s25], $0x4000  }
0x6b: {  	[sflag:s25] =	ssyncset.done $0x0  }
0x6c: {  	[sflag:s25] =	ssyncadd.s32 $0xFFFFC000  }
0x6d: {  	_ =	swait.ge [sflag:s23], $0x80  }
0x6e: {  	[sflag:s23] =	ssyncset.done $0x0  }
0x6f: {  	[sflag:s23] =	ssyncadd.s32 $0xFFFFFF80  }
0x70: {  	_ =	swait.ge [sflag:s23], $0x80  }
0x71: {  	s28 =	sadd.s32 $0x1, s28;
	[sflag:s23] =	ssyncset.done $0x0  }
0x72: {  	p0 =	sne.s32 s28, s13;
	[sflag:s23] =	ssyncadd.s32 $0xFFFFFF80  }
.Ltmp1:
0x73: {  	[bflag:$0x0] =	sbarrier.arrive $0xFFFF;
	(pc) =	sbr.rel @p0 .LBB2_1-.Ltmp1, $4  }
0x74: {  	[hbm:s14], [sflag:s29] =	dma.local [spmem:s30], $0x2800  }
0x75: {  	_ =	swait.ge [sflag:s18], $0x2800  }
0x76: {  	[sflag:s18] =	ssyncset.done $0x0  }
0x77: {  	[sflag:s18] =	ssyncadd.s32 $0xFFFFD800  }
0x78: {  	_ =	sfence.sel $0x180000  }
0x79: {  	[bflag:$0x0] =	sbarrier.arrive $0xFFFF  }
0x7a: {  	_ =	strace $0x90000056  }
0x7b: {  	s0 =	stileid.u32;
	[bflag:$0x2] =	sbarrier.arrive $0xFFFF  }
0x7c: {  	p0 =	sne.s32 s0, $0x0;
	s0 =	rddreg [dreg:$0x2]  }
0x7d: {  	s0 =	sadd.s32 @!p0 $0x100000, s0  }
0x7e: {  	[sflag:s0] =	ssyncadd.tile.s32 @!p0 $0x1;
	_ =	shalt  }
.Lfunc_end2:
_tile_overlayer_lowered:
.L_overlay_start_2:
0x7f: {  	(tag) =	ssettag $0x2  }
0x80: {  	s0 =	rddreg [dreg:$0x0];
	s2 =	stileid.u32  }
0x81: {  	s1 =	rddreg [dreg:$0x1];
	p0 =	sne.s32 s2, $0x0  }
0x82: {  	s3 =	rddreg [dreg:$0x2];
	[bflag:$0x3] =	sbarrier.arrive $0xFFFF;
	s2 =	simm.s32 @!p0 $0x1C04  }
0x83: {  	[timem:s3], [sflag:s2] =	dma.local @!p0 [hbm:s0], s1  }
0x84: {  	s0 =	simm.s32 @!p0 $0x4  }
0x85: {  	_ =	swait.ge @!p0 [sflag:s0], s1  }
0x86: {  	s1 =	ssub.s32 @!p0 $0x0, s1;
	[sflag:s0] =	ssyncset.done @!p0 $0x0  }
0x87: {  	[sflag:s0] =	ssyncadd.s32 @!p0 s1  }
0x88: {  	[bflag:$0x3] =	sbarrier.arrive $0xFFFF  }
0x89: {  	_ =	shalt  }

// kernel: kernel.26.cloned.1.call-start
scs
__scs_entry_jumppad:
0x0: {  	(pc) =	sbr.rel $0x88, $3  }
0x1: {  	(tag) =	ssettag $0x0;
	lr =	simm.s32 $0x1  }
0x2: {  	[smem:$0x3F92] =	sst lr;
	_ =	strace $0xD0000000  }
0x3: {  	_ = 	snop  }
0x4: {  	_ = 	snop  }
0x5: {  	_ = 	snop  }
0x6: {  	_ = 	snop  }
0x7: {  	_ = 	snop  }
__scs_overlays_trampoline_lowered:
0x8: {  	[smem:$0x3FA1] =	sst s0  }
0x9: {  	[smem:$0x3FA2] =	sst s1  }
0xa: {  	[smem:$0x3FA3] =	sst s2  }
0xb: {  	[smem:$0x3FA4] =	sst s3  }
0xc: {  	[smem:$0x3FA5] =	sst s4  }
0xd: {  	[smem:$0x3FA6] =	sst s5  }
0xe: {  	[smem:$0x3FA7] =	sst s6  }
0xf: {  	[smem:$0x3FA8] =	sst s7  }
0x10: {  	[smem:$0x3FA9] =	sst s8  }
0x11: {  	[smem:$0x3FAA] =	sst s9;
	s0 =	simm.s32 @!p0 $0x0  }
0x12: {  	s1 =	sld [smem:$0x3F90];
	s0 =	simm.s32 @p0 $0x1  }
0x13: {  	[smem:$0x3FAB] =	sst s0;
	s0 =	simm.s32 @!p1 $0x0  }
0x14: {  	s2 =	sld [smem:$0x3F8F];
	s0 =	simm.s32 @p1 $0x1  }
0x15: {  	[smem:$0x3FAC] =	sst s0;
	s0 =	simm.s32 @!p2 $0x0  }
0x16: {  	s3 =	sld [smem:$0x3FDB];
	s0 =	simm.s32 @p2 $0x1  }
0x17: {  	s4 =	simm.s32 $0x1BF5;
	[smem:$0x3FAE] =	sst s0  }
0x18: {  	s0 =	sld [smem:$0x3F91];
	_ =	swait.ge [sflag:s4], $0x0  }
0x19: {  	s7 =	sld [smem:$0x3F92]  }
0x1a: {  	s8 =	sadd.s32 $0xFFFFE003, lr  }
0x1b: {  	s9 =	sadd.s32 $0xFFFFFEF7, lr;
	s5 =	simm.s32 $0xFFFFFFFF;
	p2 =	slt.u32 s8, $0xFFFFF086  }
0x1c: {  	p1 =	slt.u32 s9, $0xF7A;
	s5 =	simm.s32 @!p2 $0x0  }
0x1d: {  	s5 =	simm.s32 @p1 $0x1;
	p0 =	seq.s32 s7, s2  }
0x1e: {  	s7 =	smul.u32 @!p0 $0xF7A, s2;
	p2 =	seq.s32 @!p0 s5, $0x0  }
0x1f: {  	s9 =	smul.u32 $0xF7A, s1;
	s8 =	simm.s32 @!p0 $0x1BF5;
	p2 =	por !p2, p0  }
0x20: {  	[sflag:s8] =	ssyncset.s32 @!p0 $0xFFFFF086;
	s6 =	sadd.s32 @!p0 s3, s7;
	s7 =	simm.s32 @!p0 $0x108  }
0x21: {  	s3 =	sadd.s32 s3, s9;
	s6 =	sadd.s32 @!p0 $0x88, s6;
	s7 =	simm.s32 @p2 $0x1082  }
0x22: {  	[simem:s7], [sflag:s8] =	dma.local @!p0 [hbm:s6], $0xF7A  }
0x23: {  	s9 =	sor.u32 $0xD0000000, s2;
	s6 =	simm.s32 $0x108;
	_ =	swait.ge @!p0 [sflag:s8], $0x0  }
0x24: {  	s3 =	sadd.s32 $0x88, s3;
	s6 =	simm.s32 @!p1 $0x1082;
	[sflag:s4] =	ssyncset.s32 $0xFFFFF086  }
0x25: {  	[simem:s6], [sflag:s4] =	dma.local [hbm:s3], $0xF7A  }
0x26: {  	[smem:$0x3F92] =	sst s1;
	(tag) =	ssettag s2;
	_ =	strace s9  }
0x27: {  	s1 =	sld [smem:$0x3FA2]  }
0x28: {  	s2 =	sld [smem:$0x3FA3]  }
0x29: {  	s4 =	sld [smem:$0x3FA5]  }
0x2a: {  	p0 =	seq.s32 s5, $0x0;
	s5 =	sld [smem:$0x3FA6]  }
0x2b: {  	s6 =	sld [smem:$0x3FA7]  }
0x2c: {  	s7 =	sld [smem:$0x3FA8]  }
0x2d: {  	s3 =	simm.s32 $0x108;
	s8 =	sld [smem:$0x3FA9]  }
0x2e: {  	s3 =	simm.s32 @!p0 $0x1082;
	s9 =	sld [smem:$0x3FAA]  }
0x2f: {  	lr =	sadd.s32 s0, s3;
	s0 =	sld [smem:$0x3FA1]  }
0x30: {  	s3 =	sld [smem:$0x3FA4]  }
0x31: {  	[smem:$0x3FAD] =	sst s10  }
0x32: {  	s10 =	sld [smem:$0x3FAB];
	_ =	sdelay $0x3  }
0x33: {  	p0 =	seq.s32 s10, $0x1;
	s10 =	sld [smem:$0x3FAD];
	_ =	sdelay $0x3  }
0x34: {  	[smem:$0x3FAD] =	sst s10  }
0x35: {  	s10 =	sld [smem:$0x3FAC];
	_ =	sdelay $0x3  }
0x36: {  	p1 =	seq.s32 s10, $0x1;
	s10 =	sld [smem:$0x3FAD];
	_ =	sdelay $0x3  }
0x37: {  	[smem:$0x3FAD] =	sst s10  }
0x38: {  	s10 =	sld [smem:$0x3FAE]  }
0x39: {  	_ = 	snop;
	(pc) =	sbr.ind lr, $3  }
0x3a: {  	_ = 	snop  }
0x3b: {  	_ = 	snop  }
0x3c: {  	p2 =	seq.s32 s10, $0x1;
	s10 =	sld [smem:$0x3FAD]  }
0x3d: {  	_ =	shalt  }
0x3e: {  	_ =	shalt  }
0x3f: {  	_ =	shalt  }
0x40: {  	_ =	shalt  }
0x41: {  	_ =	shalt  }
0x42: {  	_ =	shalt  }
0x43: {  	_ =	shalt  }
0x44: {  	_ =	shalt  }
0x45: {  	_ =	shalt  }
0x46: {  	_ =	shalt  }
0x47: {  	_ =	shalt  }
0x48: {  	_ =	shalt  }
0x49: {  	_ =	shalt  }
0x4a: {  	_ =	shalt  }
0x4b: {  	_ =	shalt  }
0x4c: {  	_ =	shalt  }
0x4d: {  	_ =	shalt  }
0x4e: {  	_ =	shalt  }
0x4f: {  	_ =	shalt  }
0x50: {  	_ =	shalt  }
0x51: {  	_ =	shalt  }
0x52: {  	_ =	shalt  }
0x53: {  	_ =	shalt  }
0x54: {  	_ =	shalt  }
0x55: {  	_ =	shalt  }
0x56: {  	_ =	shalt  }
0x57: {  	_ =	shalt  }
0x58: {  	_ =	shalt  }
0x59: {  	_ =	shalt  }
0x5a: {  	_ =	shalt  }
0x5b: {  	_ =	shalt  }
0x5c: {  	_ =	shalt  }
0x5d: {  	_ =	shalt  }
0x5e: {  	_ =	shalt  }
0x5f: {  	_ =	shalt  }
0x60: {  	_ =	shalt  }
0x61: {  	_ =	shalt  }
0x62: {  	_ =	shalt  }
0x63: {  	_ =	shalt  }
0x64: {  	_ =	shalt  }
0x65: {  	_ =	shalt  }
0x66: {  	_ =	shalt  }
0x67: {  	_ =	shalt  }
0x68: {  	_ =	shalt  }
0x69: {  	_ =	shalt  }
0x6a: {  	_ =	shalt  }
0x6b: {  	_ =	shalt  }
0x6c: {  	_ =	shalt  }
0x6d: {  	_ =	shalt  }
0x6e: {  	_ =	shalt  }
0x6f: {  	_ =	shalt  }
0x70: {  	_ =	shalt  }
0x71: {  	_ =	shalt  }
0x72: {  	_ =	shalt  }
0x73: {  	_ =	shalt  }
0x74: {  	_ =	shalt  }
0x75: {  	_ =	shalt  }
0x76: {  	_ =	shalt  }
0x77: {  	_ =	shalt  }
0x78: {  	_ =	shalt  }
0x79: {  	_ =	shalt  }
0x7a: {  	_ =	shalt  }
0x7b: {  	_ =	shalt  }
0x7c: {  	_ =	shalt  }
0x7d: {  	_ =	shalt  }
0x7e: {  	_ =	shalt  }
0x7f: {  	_ =	shalt  }
0x80: {  	_ =	shalt  }
0x81: {  	_ =	shalt  }
0x82: {  	_ =	shalt  }
0x83: {  	_ =	shalt  }
0x84: {  	_ =	shalt  }
0x85: {  	_ =	shalt  }
0x86: {  	_ =	shalt  }
0x87: {  	_ =	shalt  }
.Lfunc_end0:
.L_simem_size_0:
called_computation.3_lowered:
.L_overlay_start_0:
0x88: {  	s2 =	sld [smem:$0x3FD9]  }
0x89: {  	s3 =	sld [smem:$0x3FFE];
	_ =	sdelay $0x1  }
0x8a: {  	s1 =	srdreg.scid  }
0x8b: {  	s0 =	sand.u32 $0x1, s1  }
0x8c: {  	s16 =	sshll.u32 s0, $0xA;
	s2 =	sadd.s32 s3, s2  }
0x8d: {  	s2 =	sadd.s32 s2, s16  }
0x8e: {  	[smem:$0x3FB9] =	sst s2  }
0x8f: {  	_ = 	snop  }
0x90: {  	(tm) =	ssettm $0x1  }
0x91: {  	s17 =	sld [smem:$0x3FFB];
	_ =	sdelay $0x3  }
0x92: {  	_ =	strace s17  }
0x93: {  	s2 =	sld [smem:$0x3FFC];
	_ =	sdelay $0x3  }
0x94: {  	_ =	strace s2  }
0x95: {  	s2 =	sld [smem:$0x3FFD];
	_ =	sdelay $0x3  }
0x96: {  	_ =	strace s2  }
0x97: {  	_ =	strace $0x8FFFFFFF  }
0x98: {  	s18 =	sld [smem:$0x3FDB];
	_ =	sdelay $0x1  }
0x99: {  	s19 =	simm.s32 $_scs_section_size  }
0x9a: {  	s4 =	simm.s32 $_size__tile_overlayer_lowered;
	s5 =	simm.s32 $_tile_overlayer_lowered  }
0x9b: {  	s22 =	simm.s32 $0x1BFF;
	s21 =	sshll.u32 s5, $0x1;
	s2 =	sadd.s32 s19, s18  }
0x9c: {  	s6 =	simm.s32 $0x0;
	s20 =	sshll.u32 s4, $0x1;
	s4 =	sadd.s32 s21, s2  }
0x9d: {  	[timem:s6], [sflag:s22] =	dma.local [hbm:s4], s20  }
0x9e: {  	_ =	swait.ge [sflag:s22], s20  }
0x9f: {  	s3 =	ssub.s32 $0x0, s20;
	[sflag:s22] =	ssyncset.done $0x0  }
0xa0: {  	[sflag:s22] =	ssyncadd.s32 s3;
	_ =	sdelay $0x1  }
0xa1: {  	s23 =	simm.s32 $0x1B8B  }
0xa2: {  	_ =	swait.ge [sflag:s23], $0x1  }
0xa3: {  	[sflag:s23] =	ssyncset.done $0x0  }
0xa4: {  	s25 =	simm.s32 $0x1B8E;
	s24 =	sld [smem:$0x3FFE];
	[sflag:s23] =	ssyncadd.s32 $0xFFFFFFFF  }
0xa5: {  	s26 =	simm.s32 $execute0_lowered;
	[smem:$0x3FD2] =	sst s25  }
0xa6: {  	s4 =	sshll.u32 s26, $0x1;
	_ =	strace $0x80000046;
	[dreg:$0x1] =	wrdreg $0xFFFFFFFF  }
0xa7: {  	s28 =	simm.s32 $_size_execute0_lowered;
	s2 =	sadd.s32 s2, s4;
	[dreg:$0x0] =	wrdreg $0x0  }
0xa8: {  	s4 =	sshll.u32 s28, $0x1;
	[dreg:$0x2] =	wrdreg s2  }
0xa9: {  	[dreg:$0x3] =	wrdreg s4  }
0xaa: {  	[dreg:$0x4] =	wrdreg $0xC0  }
0xab: {  	_ =	task [dreg:s6], $0x5FFFF  }
0xac: {  	[dreg:$0x1] =	wrdreg $0xFFFFFFFF  }
0xad: {  	[dreg:$0x0] =	wrdreg $0x60  }
0xae: {  	[dreg:$0x2] =	wrdreg s24  }
0xaf: {  	[dreg:$0x3] =	wrdreg $0x82000  }
0xb0: {  	[dreg:$0x4] =	wrdreg $0xA  }
0xb1: {  	_ =	task.clear_ibuf [dreg:s6], $0x5FFFF;
	_ =	strace $0x90000046  }
0xb2: {  	s29 =	simm.s32 $0xA;
	_ =	strace $0x80000048  }
0xb3: {  	_ =	swait.ge [sflag:s29], $0x1  }
0xb4: {  	[sflag:s29] =	ssyncadd.s32 $0xFFFFFFFF  }
0xb5: {  	_ =	strace $0x90000048  }
0xb6: {  	_ =	sfence  }
0xb7: {  	s30 =	sld [smem:$0x0];
	_ =	sdelay $0x2  }
0xb8: {  	s31 =	sshll.u32 s1, $0xD;
	s1 =	sshrl.u32 s1, $0x2  }
0xb9: {  	s3 =	sand.u32 $0x4000, s31;
	s1 =	sadd.s32 s1, s30  }
0xba: {  	s0 =	sor.u32 s3, s0;
	s1 =	sshll.u32 s1, $0x11  }
0xbb: {  	s0 =	sor.u32 s1, s0  }
0xbc: {  	s0 =	sadd.s32 $0x8F2B, s0  }
0xbd: {  	[sflag:s0] =	ssyncadd.remote.s32 $0x1  }
0xbe: {  	_ =	sfence.sel $0xFFFF  }
0xbf: {  	[dreg:$0x0] =	wrdreg $0xFFFFFFFF;
	(pc) =	sbr.abs _section_cstart, $3  }
0xc0: {  	[dreg:$0x1] =	wrdreg $0xFFFFFFFF  }
0xc1: {  	_ =	task.clear_ibuf [dreg:s6], $0x2FFFF;
	_ =	strace $0x9FFFFFFF  }
0xc2: {  	(tm) =	ssettm $0x7FFFFFFF  }
0xc3: {  	_ =	shalt  }
tec
execute0_lowered:
.L_overlay_start_1:
0x0: {  	(tag) =	ssettag $0x1  }
0x1: {  	s0 =	rddreg [dreg:$0x0]  }
0x2: {  	s1 =	rddreg [dreg:$0x1];
	s2 =	simm.s32 $0x0  }
0x3: {  	s3 =	srdreg.scid;
	s14 =	stileid.u32;
	s18 =	simm.s32 $0x4  }
0x4: {  	s19 =	simm.s32 $0x80;
	s20 =	simm.s32 $0x100;
	s21 =	simm.s32 $0x180  }
0x5: {  	s22 =	simm.s32 $0x200;
	s23 =	simm.s32 $0x3;
	s24 =	simm.s32 $0x4200  }
0x6: {  	s25 =	simm.s32 $0x1;
	s26 =	simm.s32 $0x2;
	s28 =	simm.s32 $0x0  }
0x7: {  	[smem:$0x7FF] =	sst s2;
	s3 =	sand.u32 $0x1, s3;
	s7 =	smul.u32 $0x2800, s14  }
0x8: {  	s4 =	sadd.s32 $0x1E800, s0;
	s5 =	sadd.s32 $0x14400, s0;
	s10 =	smul.u32 $0x50000, s14  }
0x9: {  	_ =	strace $0x80000047;
	s6 =	sshll.u32 s3, $0x4;
	s9 =	ssub.s32 $0x2, s3  }
0xa: {  	s12 =	smul.u32 $0x29000, s3;
	p0 =	seq.s32 s3, $0x1;
	s3 =	simm.s32 $0x96800  }
0xb: {  	s8 =	sor.u32 s14, s6;
	s6 =	sadd.s32 $0xA000, s0;
	s0 =	sadd.s32 s7, s0  }
0xc: {  	s29 =	sshrl.u32 s9, $0x1;
	s14 =	smul.u32 $0x2900, s14;
	s15 =	sshrl.u32 s10, $0x2  }
0xd: {  	s3 =	simm.s32 @!p0 $0x6E800;
	s8 =	smul.u32 $0x2900, s8;
	s13 =	ssub.s32 s9, s29  }
0xe: {  	s17 =	sadd.s32 s14, s12;
	s12 =	sadd.s32 $0x46800, s0;
	s13 =	smax.u32 s13, $0x1  }
0xf: {  	s8 =	sshrl.u32 s8, $0x3;
	s14 =	sadd.s32 $0x180, s17;
	s17 =	sadd.s32 $0x100, s17  }
0x10: {  	s30 =	sadd.s32 s5, s8;
	s11 =	sor.u32 $0x10, s8;
	s31 =	sadd.s32 s6, s8  }
0x11: {  	s16 =	sshrl.u32 s14, $0x3;
	s14 =	sadd.s32 s3, s0;
	[dreg:$0x3] =	wrdreg s30  }
0x12: {  	[dreg:$0x4] =	wrdreg s31;
	s9 =	sadd.s32 s5, s11;
	s10 =	sadd.s32 s6, s11  }
0x13: {  	s11 =	sadd.s32 s15, s1;
	s15 =	sadd.s32 s16, s6;
	s16 =	sadd.s32 s16, s5  }
.LBB2_1:
0x14: {  	s0 =	rddreg [dreg:$0x3]  }
0x15: {  	[tilespmem:s2], [sflag:$0x4] =	stream.linear.gather [hbm4b:s0+s2], $0x80, $0x38;
	[tilespmem:$0x1C200] =	vst v63  }
0x16: {  	_ =	swait.ge [sflag:s18], $0x80  }
0x17: {  	[sflag:s18] =	ssyncset.done $0x0  }
0x18: {  	s8 =	rddreg [dreg:$0x4];
	[sflag:s18] =	ssyncadd.s32 $0xFFFFFF80  }
0x19: {  	[tilespmem:s19], [sflag:$0x4] =	stream.linear.gather [hbm4b:s8+s2], $0x80, $0x38;
	[tilespmem:$0x1C200] =	vst v63  }
0x1a: {  	_ =	swait.ge [sflag:s18], $0x80  }
0x1b: {  	s3 =	stileid.u32;
	[sflag:s18] =	ssyncset.done $0x0  }
0x1c: {  	s0 =	sshll.u32 s3, $0x6;
	[sflag:s18] =	ssyncadd.s32 $0xFFFFFF80  }
0x1d: {  	[tilespmem:s20], [sflag:$0x3] =	stream.linear.gather [hbm4b:s9+s2], $0x80, $0x38;
	[tilespmem:$0x1C200] =	vst v63  }
0x1e: {  	s30 =	sshrl.u32 s11, $0x3;
	s29 =	sor.u32 $0x1C04, s0  }
0x1f: {  	[tilespmem:s21], [sflag:$0x3] =	stream.linear.gather [hbm4b:s10+s2], $0x80, $0x38;
	[tilespmem:$0x1C200] =	vst v63  }
0x20: {  	[spmem:s30], [sflag:s29] =	dma.local [hbm:s12], $0x2800  }
0x21: {  	_ =	swait.ge [sflag:s18], $0x2800  }
0x22: {  	[sflag:s18] =	ssyncset.done $0x0  }
0x23: {  	[sflag:s18] =	ssyncadd.s32 $0xFFFFD800  }
0x24: {  	[bflag:$0x0] =	sbarrier.arrive $0xFFFF  }
0x25: {  	[tilespmem:s22], [sflag:$0x1] =	stream.indirect.gather [hbm4b:s4+s19], $0x80, s2, s19, $0xb8;
	[tilespmem:$0x1C200] =	vst v63  }
0x26: {  	_ =	swait.ge [sflag:s23], $0x80  }
0x27: {  	[sflag:s23] =	ssyncset.done $0x0  }
0x28: {  	[sflag:s23] =	ssyncadd.s32 $0xFFFFFF80  }
0x29: {  	_ =	swait.ge [sflag:s23], $0x80  }
0x2a: {  	[sflag:s23] =	ssyncset.done $0x0  }
0x2b: {  	[sflag:s23] =	ssyncadd.s32 $0xFFFFFF80  }
0x2c: {  	[tilespmem:s24], [sflag:$0x2] =	stream.indirect.gather [hbm4b:s4+s19], $0x80, s20, s19, $0xb8;
	[tilespmem:$0x1C200] =	vst v63  }
0x2d: {  	_ =	swait.ge [sflag:s25], $0x4000  }
0x2e: {  	[sflag:s25] =	ssyncset.done $0x0  }
0x2f: {  	[sflag:s25] =	ssyncadd.s32 $0xFFFFC000  }
0x30: {  	[spmem:s1] =	stream.indirect.scatter.add.f32 [tilespmem:s22], [sflag:$0x4], $0x80, s19, s19, $0xb8;
	[tilespmem:$0x1C200] =	vst v63  }
0x31: {  	_ =	swait.ge [sflag:s18], $0x4000  }
0x32: {  	s7 =	sshrl.u32 s17, $0x3;
	[sflag:s18] =	ssyncset.done $0x0  }
0x33: {  	s3 =	sadd.s32 s5, s7;
	[sflag:s18] =	ssyncadd.s32 $0xFFFFC000  }
0x34: {  	[tilespmem:s2], [sflag:$0x3] =	stream.linear.gather [hbm4b:s3+s2], $0x80, $0x38;
	[tilespmem:$0x1C200] =	vst v63  }
0x35: {  	s0 =	sadd.s32 s6, s7  }
0x36: {  	[tilespmem:s19], [sflag:$0x3] =	stream.linear.gather [hbm4b:s0+s2], $0x80, $0x38;
	[tilespmem:$0x1C200] =	vst v63  }
0x37: {  	_ =	swait.ge [sflag:s23], $0x80  }
0x38: {  	[sflag:s23] =	ssyncset.done $0x0  }
0x39: {  	[sflag:s23] =	ssyncadd.s32 $0xFFFFFF80  }
0x3a: {  	_ =	swait.ge [sflag:s23], $0x80  }
0x3b: {  	[sflag:s23] =	ssyncset.done $0x0  }
0x3c: {  	[sflag:s23] =	ssyncadd.s32 $0xFFFFFF80  }
0x3d: {  	[tilespmem:s22], [sflag:$0x1] =	stream.indirect.gather [hbm4b:s4+s19], $0x80, s2, s19, $0xb8;
	[tilespmem:$0x1C200] =	vst v63  }
0x3e: {  	_ =	swait.ge [sflag:s26], $0x4000  }
0x3f: {  	[sflag:s26] =	ssyncset.done $0x0  }
0x40: {  	[sflag:s26] =	ssyncadd.s32 $0xFFFFC000  }
0x41: {  	[spmem:s1] =	stream.indirect.scatter.add.f32 [tilespmem:s24], [sflag:$0x4], $0x80, s21, s19, $0xb8;
	[tilespmem:$0x1C200] =	vst v63  }
0x42: {  	_ =	swait.ge [sflag:s18], $0x4000  }
0x43: {  	s31 =	simm.s32 $0x20;
	s8 =	sadd.s32 $0x0, s16;
	[sflag:s18] =	ssyncset.done $0x0  }
0x44: {  	s3 =	sadd.s32 $0x0, s15;
	s0 =	sadd.s32 $0x100, s17;
	[sflag:s18] =	ssyncadd.s32 $0xFFFFC000  }
0x45: {  	[tilespmem:s20], [sflag:$0x3] =	stream.linear.gather [hbm4b:s8+s2], $0x80, $0x38;
	[tilespmem:$0x1C200] =	vst v63  }
.LBB2_2:
0x46: {  	[tilespmem:s21], [sflag:$0x3] =	stream.linear.gather [hbm4b:s3+s2], $0x80, $0x38;
	[tilespmem:$0x1C200] =	vst v63  }
0x47: {  	s3 =	smov.u32 s31  }
0x48: {  	p0 =	sne.s32 s31, $0x4E0;
	s31 =	sadd.s32 $0x20, s31;
	_ =	swait.ge [sflag:s23], $0x80  }
0x49: {  	[sflag:s23] =	ssyncset.done $0x0  }
0x4a: {  	[sflag:s23] =	ssyncadd.s32 $0xFFFFFF80  }
0x4b: {  	_ =	swait.ge [sflag:s23], $0x80  }
0x4c: {  	[sflag:s23] =	ssyncset.done $0x0  }
0x4d: {  	[sflag:s23] =	ssyncadd.s32 $0xFFFFFF80  }
0x4e: {  	[tilespmem:s24], [sflag:$0x2] =	stream.indirect.gather [hbm4b:s4+s19], $0x80, s20, s19, $0xb8;
	[tilespmem:$0x1C200] =	vst v63  }
0x4f: {  	_ =	swait.ge [sflag:s25], $0x4000  }
0x50: {  	[sflag:s25] =	ssyncset.done $0x0  }
0x51: {  	[sflag:s25] =	ssyncadd.s32 $0xFFFFC000  }
0x52: {  	[spmem:s1] =	stream.indirect.scatter.add.f32 [tilespmem:s22], [sflag:$0x4], $0x80, s19, s19, $0xb8;
	[tilespmem:$0x1C200] =	vst v63  }
0x53: {  	_ =	swait.ge [sflag:s18], $0x4000  }
0x54: {  	s7 =	sshrl.u32 s0, $0x3;
	[sflag:s18] =	ssyncset.done $0x0  }
0x55: {  	s8 =	sadd.s32 s5, s7;
	[sflag:s18] =	ssyncadd.s32 $0xFFFFC000  }
0x56: {  	[tilespmem:s2], [sflag:$0x3] =	stream.linear.gather [hbm4b:s8+s2], $0x80, $0x38;
	[tilespmem:$0x1C200] =	vst v63  }
0x57: {  	s7 =	sadd.s32 s6, s7  }
0x58: {  	[tilespmem:s19], [sflag:$0x3] =	stream.linear.gather [hbm4b:s7+s2], $0x80, $0x38;
	[tilespmem:$0x1C200] =	vst v63  }
0x59: {  	_ =	swait.ge [sflag:s23], $0x80  }
0x5a: {  	[sflag:s23] =	ssyncset.done $0x0  }
0x5b: {  	[sflag:s23] =	ssyncadd.s32 $0xFFFFFF80  }
0x5c: {  	_ =	swait.ge [sflag:s23], $0x80  }
0x5d: {  	[sflag:s23] =	ssyncset.done $0x0  }
0x5e: {  	[sflag:s23] =	ssyncadd.s32 $0xFFFFFF80  }
0x5f: {  	[tilespmem:s22], [sflag:$0x1] =	stream.indirect.gather [hbm4b:s4+s19], $0x80, s2, s19, $0xb8;
	[tilespmem:$0x1C200] =	vst v63  }
0x60: {  	_ =	swait.ge [sflag:s26], $0x4000  }
0x61: {  	[sflag:s26] =	ssyncset.done $0x0  }
0x62: {  	[sflag:s26] =	ssyncadd.s32 $0xFFFFC000  }
0x63: {  	[spmem:s1] =	stream.indirect.scatter.add.f32 [tilespmem:s24], [sflag:$0x4], $0x80, s21, s19, $0xb8;
	[tilespmem:$0x1C200] =	vst v63  }
.Ltmp0:
0x64: {  	_ =	swait.ge [sflag:s18], $0x4000;
	(pc) =	sbr.rel @p0 .LBB2_2-.Ltmp0, $4  }
0x65: {  	[sflag:s18] =	ssyncset.done $0x0  }
0x66: {  	s7 =	sadd.s32 s3, s16;
	[sflag:s18] =	ssyncadd.s32 $0xFFFFC000  }
0x67: {  	[tilespmem:s20], [sflag:$0x3] =	stream.linear.gather [hbm4b:s7+s2], $0x80, $0x38;
	[tilespmem:$0x1C200] =	vst v63  }
0x68: {  	s0 =	sadd.s32 $0x100, s0;
	s3 =	sadd.s32 s3, s15  }
0x69: {  	[tilespmem:s21], [sflag:$0x3] =	stream.linear.gather [hbm4b:s3+s2], $0x80, $0x38;
	[tilespmem:$0x1C200] =	vst v63  }
0x6a: {  	_ =	swait.ge [sflag:s25], $0x4000  }
0x6b: {  	[sflag:s25] =	ssyncset.done $0x0  }
0x6c: {  	[sflag:s25] =	ssyncadd.s32 $0xFFFFC000  }
0x6d: {  	_ =	swait.ge [sflag:s23], $0x80  }
0x6e: {  	[sflag:s23] =	ssyncset.done $0x0  }
0x6f: {  	[sflag:s23] =	ssyncadd.s32 $0xFFFFFF80  }
0x70: {  	_ =	swait.ge [sflag:s23], $0x80  }
0x71: {  	s28 =	sadd.s32 $0x1, s28;
	[sflag:s23] =	ssyncset.done $0x0  }
0x72: {  	p0 =	sne.s32 s28, s13;
	[sflag:s23] =	ssyncadd.s32 $0xFFFFFF80  }
.Ltmp1:
0x73: {  	[bflag:$0x0] =	sbarrier.arrive $0xFFFF;
	(pc) =	sbr.rel @p0 .LBB2_1-.Ltmp1, $4  }
0x74: {  	[hbm:s14], [sflag:s29] =	dma.local [spmem:s30], $0x2800  }
0x75: {  	_ =	swait.ge [sflag:s18], $0x2800  }
0x76: {  	[sflag:s18] =	ssyncset.done $0x0  }
0x77: {  	[sflag:s18] =	ssyncadd.s32 $0xFFFFD800  }
0x78: {  	_ =	sfence.sel $0x180000  }
0x79: {  	[bflag:$0x0] =	sbarrier.arrive $0xFFFF  }
0x7a: {  	_ =	strace $0x90000047  }
0x7b: {  	s0 =	stileid.u32;
	[bflag:$0x2] =	sbarrier.arrive $0xFFFF  }
0x7c: {  	p0 =	sne.s32 s0, $0x0;
	s0 =	rddreg [dreg:$0x2]  }
0x7d: {  	s0 =	sadd.s32 @!p0 $0x100000, s0  }
0x7e: {  	[sflag:s0] =	ssyncadd.tile.s32 @!p0 $0x1;
	_ =	shalt  }
.Lfunc_end2:
_tile_overlayer_lowered:
.L_overlay_start_2:
0x7f: {  	(tag) =	ssettag $0x2  }
0x80: {  	s0 =	rddreg [dreg:$0x0];
	s2 =	stileid.u32  }
0x81: {  	s1 =	rddreg [dreg:$0x1];
	p0 =	sne.s32 s2, $0x0  }
0x82: {  	s3 =	rddreg [dreg:$0x2];
	[bflag:$0x3] =	sbarrier.arrive $0xFFFF;
	s2 =	simm.s32 @!p0 $0x1C04  }
0x83: {  	[timem:s3], [sflag:s2] =	dma.local @!p0 [hbm:s0], s1  }
0x84: {  	s0 =	simm.s32 @!p0 $0x4  }
0x85: {  	_ =	swait.ge @!p0 [sflag:s0], s1  }
0x86: {  	s1 =	ssub.s32 @!p0 $0x0, s1;
	[sflag:s0] =	ssyncset.done @!p0 $0x0  }
0x87: {  	[sflag:s0] =	ssyncadd.s32 @!p0 s1  }
0x88: {  	[bflag:$0x3] =	sbarrier.arrive $0xFFFF  }
0x89: {  	_ =	shalt  }

// kernel: kernel.29.cloned.1.call-start
scs
__scs_entry_jumppad:
0x0: {  	(pc) =	sbr.rel $0x88, $3  }
0x1: {  	(tag) =	ssettag $0x0;
	lr =	simm.s32 $0x1  }
0x2: {  	[smem:$0x3F92] =	sst lr;
	_ =	strace $0xD0000000  }
0x3: {  	_ = 	snop  }
0x4: {  	_ = 	snop  }
0x5: {  	_ = 	snop  }
0x6: {  	_ = 	snop  }
0x7: {  	_ = 	snop  }
__scs_overlays_trampoline_lowered:
0x8: {  	[smem:$0x3FA1] =	sst s0  }
0x9: {  	[smem:$0x3FA2] =	sst s1  }
0xa: {  	[smem:$0x3FA3] =	sst s2  }
0xb: {  	[smem:$0x3FA4] =	sst s3  }
0xc: {  	[smem:$0x3FA5] =	sst s4  }
0xd: {  	[smem:$0x3FA6] =	sst s5  }
0xe: {  	[smem:$0x3FA7] =	sst s6  }
0xf: {  	[smem:$0x3FA8] =	sst s7  }
0x10: {  	[smem:$0x3FA9] =	sst s8  }
0x11: {  	[smem:$0x3FAA] =	sst s9;
	s0 =	simm.s32 @!p0 $0x0  }
0x12: {  	s1 =	sld [smem:$0x3F90];
	s0 =	simm.s32 @p0 $0x1  }
0x13: {  	[smem:$0x3FAB] =	sst s0;
	s0 =	simm.s32 @!p1 $0x0  }
0x14: {  	s2 =	sld [smem:$0x3F8F];
	s0 =	simm.s32 @p1 $0x1  }
0x15: {  	[smem:$0x3FAC] =	sst s0;
	s0 =	simm.s32 @!p2 $0x0  }
0x16: {  	s3 =	sld [smem:$0x3FDB];
	s0 =	simm.s32 @p2 $0x1  }
0x17: {  	s4 =	simm.s32 $0x1BF5;
	[smem:$0x3FAE] =	sst s0  }
0x18: {  	s0 =	sld [smem:$0x3F91];
	_ =	swait.ge [sflag:s4], $0x0  }
0x19: {  	s7 =	sld [smem:$0x3F92]  }
0x1a: {  	s8 =	sadd.s32 $0xFFFFE003, lr  }
0x1b: {  	s9 =	sadd.s32 $0xFFFFFEF7, lr;
	s5 =	simm.s32 $0xFFFFFFFF;
	p2 =	slt.u32 s8, $0xFFFFF086  }
0x1c: {  	p1 =	slt.u32 s9, $0xF7A;
	s5 =	simm.s32 @!p2 $0x0  }
0x1d: {  	s5 =	simm.s32 @p1 $0x1;
	p0 =	seq.s32 s7, s2  }
0x1e: {  	s7 =	smul.u32 @!p0 $0xF7A, s2;
	p2 =	seq.s32 @!p0 s5, $0x0  }
0x1f: {  	s9 =	smul.u32 $0xF7A, s1;
	s8 =	simm.s32 @!p0 $0x1BF5;
	p2 =	por !p2, p0  }
0x20: {  	[sflag:s8] =	ssyncset.s32 @!p0 $0xFFFFF086;
	s6 =	sadd.s32 @!p0 s3, s7;
	s7 =	simm.s32 @!p0 $0x108  }
0x21: {  	s3 =	sadd.s32 s3, s9;
	s6 =	sadd.s32 @!p0 $0x88, s6;
	s7 =	simm.s32 @p2 $0x1082  }
0x22: {  	[simem:s7], [sflag:s8] =	dma.local @!p0 [hbm:s6], $0xF7A  }
0x23: {  	s9 =	sor.u32 $0xD0000000, s2;
	s6 =	simm.s32 $0x108;
	_ =	swait.ge @!p0 [sflag:s8], $0x0  }
0x24: {  	s3 =	sadd.s32 $0x88, s3;
	s6 =	simm.s32 @!p1 $0x1082;
	[sflag:s4] =	ssyncset.s32 $0xFFFFF086  }
0x25: {  	[simem:s6], [sflag:s4] =	dma.local [hbm:s3], $0xF7A  }
0x26: {  	[smem:$0x3F92] =	sst s1;
	(tag) =	ssettag s2;
	_ =	strace s9  }
0x27: {  	s1 =	sld [smem:$0x3FA2]  }
0x28: {  	s2 =	sld [smem:$0x3FA3]  }
0x29: {  	s4 =	sld [smem:$0x3FA5]  }
0x2a: {  	p0 =	seq.s32 s5, $0x0;
	s5 =	sld [smem:$0x3FA6]  }
0x2b: {  	s6 =	sld [smem:$0x3FA7]  }
0x2c: {  	s7 =	sld [smem:$0x3FA8]  }
0x2d: {  	s3 =	simm.s32 $0x108;
	s8 =	sld [smem:$0x3FA9]  }
0x2e: {  	s3 =	simm.s32 @!p0 $0x1082;
	s9 =	sld [smem:$0x3FAA]  }
0x2f: {  	lr =	sadd.s32 s0, s3;
	s0 =	sld [smem:$0x3FA1]  }
0x30: {  	s3 =	sld [smem:$0x3FA4]  }
0x31: {  	[smem:$0x3FAD] =	sst s10  }
0x32: {  	s10 =	sld [smem:$0x3FAB];
	_ =	sdelay $0x3  }
0x33: {  	p0 =	seq.s32 s10, $0x1;
	s10 =	sld [smem:$0x3FAD];
	_ =	sdelay $0x3  }
0x34: {  	[smem:$0x3FAD] =	sst s10  }
0x35: {  	s10 =	sld [smem:$0x3FAC];
	_ =	sdelay $0x3  }
0x36: {  	p1 =	seq.s32 s10, $0x1;
	s10 =	sld [smem:$0x3FAD];
	_ =	sdelay $0x3  }
0x37: {  	[smem:$0x3FAD] =	sst s10  }
0x38: {  	s10 =	sld [smem:$0x3FAE]  }
0x39: {  	_ = 	snop;
	(pc) =	sbr.ind lr, $3  }
0x3a: {  	_ = 	snop  }
0x3b: {  	_ = 	snop  }
0x3c: {  	p2 =	seq.s32 s10, $0x1;
	s10 =	sld [smem:$0x3FAD]  }
0x3d: {  	_ =	shalt  }
0x3e: {  	_ =	shalt  }
0x3f: {  	_ =	shalt  }
0x40: {  	_ =	shalt  }
0x41: {  	_ =	shalt  }
0x42: {  	_ =	shalt  }
0x43: {  	_ =	shalt  }
0x44: {  	_ =	shalt  }
0x45: {  	_ =	shalt  }
0x46: {  	_ =	shalt  }
0x47: {  	_ =	shalt  }
0x48: {  	_ =	shalt  }
0x49: {  	_ =	shalt  }
0x4a: {  	_ =	shalt  }
0x4b: {  	_ =	shalt  }
0x4c: {  	_ =	shalt  }
0x4d: {  	_ =	shalt  }
0x4e: {  	_ =	shalt  }
0x4f: {  	_ =	shalt  }
0x50: {  	_ =	shalt  }
0x51: {  	_ =	shalt  }
0x52: {  	_ =	shalt  }
0x53: {  	_ =	shalt  }
0x54: {  	_ =	shalt  }
0x55: {  	_ =	shalt  }
0x56: {  	_ =	shalt  }
0x57: {  	_ =	shalt  }
0x58: {  	_ =	shalt  }
0x59: {  	_ =	shalt  }
0x5a: {  	_ =	shalt  }
0x5b: {  	_ =	shalt  }
0x5c: {  	_ =	shalt  }
0x5d: {  	_ =	shalt  }
0x5e: {  	_ =	shalt  }
0x5f: {  	_ =	shalt  }
0x60: {  	_ =	shalt  }
0x61: {  	_ =	shalt  }
0x62: {  	_ =	shalt  }
0x63: {  	_ =	shalt  }
0x64: {  	_ =	shalt  }
0x65: {  	_ =	shalt  }
0x66: {  	_ =	shalt  }
0x67: {  	_ =	shalt  }
0x68: {  	_ =	shalt  }
0x69: {  	_ =	shalt  }
0x6a: {  	_ =	shalt  }
0x6b: {  	_ =	shalt  }
0x6c: {  	_ =	shalt  }
0x6d: {  	_ =	shalt  }
0x6e: {  	_ =	shalt  }
0x6f: {  	_ =	shalt  }
0x70: {  	_ =	shalt  }
0x71: {  	_ =	shalt  }
0x72: {  	_ =	shalt  }
0x73: {  	_ =	shalt  }
0x74: {  	_ =	shalt  }
0x75: {  	_ =	shalt  }
0x76: {  	_ =	shalt  }
0x77: {  	_ =	shalt  }
0x78: {  	_ =	shalt  }
0x79: {  	_ =	shalt  }
0x7a: {  	_ =	shalt  }
0x7b: {  	_ =	shalt  }
0x7c: {  	_ =	shalt  }
0x7d: {  	_ =	shalt  }
0x7e: {  	_ =	shalt  }
0x7f: {  	_ =	shalt  }
0x80: {  	_ =	shalt  }
0x81: {  	_ =	shalt  }
0x82: {  	_ =	shalt  }
0x83: {  	_ =	shalt  }
0x84: {  	_ =	shalt  }
0x85: {  	_ =	shalt  }
0x86: {  	_ =	shalt  }
0x87: {  	_ =	shalt  }
.Lfunc_end0:
.L_simem_size_0:
called_computation.4_lowered:
.L_overlay_start_0:
0x88: {  	s2 =	sld [smem:$0x3FD9]  }
0x89: {  	s3 =	sld [smem:$0x3FFE];
	_ =	sdelay $0x1  }
0x8a: {  	s1 =	srdreg.scid  }
0x8b: {  	s0 =	sand.u32 $0x1, s1  }
0x8c: {  	s17 =	sshll.u32 s0, $0xA;
	s2 =	sadd.s32 s3, s2  }
0x8d: {  	s2 =	sadd.s32 s2, s17  }
0x8e: {  	[smem:$0x3FB9] =	sst s2  }
0x8f: {  	_ = 	snop  }
0x90: {  	(tm) =	ssettm $0x1  }
0x91: {  	s18 =	sld [smem:$0x3FFB];
	_ =	sdelay $0x3  }
0x92: {  	_ =	strace s18  }
0x93: {  	s2 =	sld [smem:$0x3FFC];
	_ =	sdelay $0x3  }
0x94: {  	_ =	strace s2  }
0x95: {  	s2 =	sld [smem:$0x3FFD];
	_ =	sdelay $0x3  }
0x96: {  	_ =	strace s2  }
0x97: {  	_ =	strace $0x8FFFFFFF  }
0x98: {  	s19 =	sld [smem:$0x3FDB];
	_ =	sdelay $0x1  }
0x99: {  	s20 =	simm.s32 $_scs_section_size  }
0x9a: {  	s4 =	simm.s32 $_size__tile_overlayer_lowered;
	s5 =	simm.s32 $_tile_overlayer_lowered  }
0x9b: {  	s6 =	simm.s32 $0x1BFF;
	s21 =	sshll.u32 s5, $0x1;
	s3 =	sadd.s32 s20, s19  }
0x9c: {  	s22 =	simm.s32 $0x0;
	s4 =	sshll.u32 s4, $0x1;
	s5 =	sadd.s32 s21, s3  }
0x9d: {  	[timem:s22], [sflag:s6] =	dma.local [hbm:s5], s4  }
0x9e: {  	_ =	swait.ge [sflag:s6], s4  }
0x9f: {  	s4 =	ssub.s32 $0x0, s4;
	[sflag:s6] =	ssyncset.done $0x0  }
0xa0: {  	[sflag:s6] =	ssyncadd.s32 s4;
	_ =	sdelay $0x1  }
0xa1: {  	s23 =	simm.s32 $0x1B8B  }
0xa2: {  	_ =	swait.ge [sflag:s23], $0x1  }
0xa3: {  	[sflag:s23] =	ssyncset.done $0x0  }
0xa4: {  	[sflag:s23] =	ssyncadd.s32 $0xFFFFFFFF  }
0xa5: {  	s4 =	sld [smem:$0x0]  }
0xa6: {  	s5 =	sand.u32 $0xFFFFFFFE, s1  }
0xa7: {  	p0 =	sne.s32 s1, s5  }
0xa8: {  	s5 =	sshll.u32 @p0 s5, $0xE  }
0xa9: {  	s5 =	sadd.s32 @p0 $0x11B8D, s5;
	s6 =	sshll.u32 @p0 s4, $0x11  }
0xaa: {  	s5 =	sor.u32 @p0 s6, s5  }
0xab: {  	[sflag:s5] =	ssyncadd.remote.s32 @p0 $0x1;
	_ =	sdelay $0x1  }
0xac: {  	s5 =	simm.s32 @p0 $0x1B8D  }
0xad: {  	_ =	swait.eq @p0 [sflag:s5], $0x1  }
0xae: {  	[sflag:s5] =	ssyncadd.s32 @p0 $0xFFFFFFFF  }
0xaf: {  	s6 =	sshll.u32 @!p0 s1, $0xE  }
0xb0: {  	s6 =	sor.u32 @!p0 $0x4000, s6;
	s5 =	simm.s32 @!p0 $0x1B8D  }
0xb1: {  	s4 =	sshll.u32 @!p0 s4, $0x11;
	s6 =	sadd.s32 @!p0 $0x11B8D, s6;
	_ =	swait.eq @!p0 [sflag:s5], $0x1  }
0xb2: {  	s4 =	sor.u32 @!p0 s4, s6;
	[sflag:s5] =	ssyncadd.s32 @!p0 $0xFFFFFFFF  }
0xb3: {  	s25 =	simm.s32 $0x1B8E;
	s24 =	sld [smem:$0x3FFE];
	[sflag:s4] =	ssyncadd.remote.s32 @!p0 $0x1  }
0xb4: {  	s26 =	simm.s32 $execute0_lowered;
	[smem:$0x3FD2] =	sst s25  }
0xb5: {  	s5 =	sshll.u32 s26, $0x1;
	_ =	strace $0x8000004C;
	[dreg:$0x1] =	wrdreg $0xFFFFFFFF  }
0xb6: {  	s28 =	simm.s32 $_size_execute0_lowered;
	s3 =	sadd.s32 s3, s5;
	[dreg:$0x0] =	wrdreg $0x0  }
0xb7: {  	s5 =	sshll.u32 s28, $0x1;
	[dreg:$0x2] =	wrdreg s3  }
0xb8: {  	[dreg:$0x3] =	wrdreg s5  }
0xb9: {  	[dreg:$0x4] =	wrdreg $0xC0  }
0xba: {  	_ =	task [dreg:s22], $0x5FFFF  }
0xbb: {  	[dreg:$0x1] =	wrdreg $0xFFFFFFFF  }
0xbc: {  	[dreg:$0x0] =	wrdreg $0x60  }
0xbd: {  	[dreg:$0x2] =	wrdreg s24  }
0xbe: {  	[dreg:$0x3] =	wrdreg $0x82000  }
0xbf: {  	[dreg:$0x4] =	wrdreg $0xA  }
0xc0: {  	_ =	task.clear_ibuf [dreg:s22], $0x5FFFF;
	_ =	strace $0x9000004C  }
0xc1: {  	s29 =	simm.s32 $0xA;
	_ =	strace $0x8000004E  }
0xc2: {  	_ =	swait.ge [sflag:s29], $0x1  }
0xc3: {  	[sflag:s29] =	ssyncadd.s32 $0xFFFFFFFF  }
0xc4: {  	_ =	strace $0x9000004E  }
0xc5: {  	_ =	sfence  }
0xc6: {  	s30 =	sld [smem:$0x0];
	_ =	sdelay $0x2  }
0xc7: {  	s31 =	sshll.u32 s1, $0xD;
	s1 =	sshrl.u32 s1, $0x2  }
0xc8: {  	s4 =	sand.u32 $0x4000, s31;
	s1 =	sadd.s32 s1, s30  }
0xc9: {  	s0 =	sor.u32 s4, s0;
	s1 =	sshll.u32 s1, $0x11  }
0xca: {  	s0 =	sor.u32 s1, s0  }
0xcb: {  	s0 =	sadd.s32 $0x8F2B, s0  }
0xcc: {  	[sflag:s0] =	ssyncadd.remote.s32 $0x1  }
0xcd: {  	_ =	sfence.sel $0xFFFF  }
0xce: {  	[dreg:$0x0] =	wrdreg $0xFFFFFFFF;
	(pc) =	sbr.abs _section_cstart, $3  }
0xcf: {  	[dreg:$0x1] =	wrdreg $0xFFFFFFFF  }
0xd0: {  	_ =	task.clear_ibuf [dreg:s22], $0x2FFFF;
	_ =	strace $0x9FFFFFFF  }
0xd1: {  	(tm) =	ssettm $0x7FFFFFFF  }
tec
execute0_lowered:
.L_overlay_start_1:
0x0: {  	(tag) =	ssettag $0x1  }
0x1: {  	s0 =	rddreg [dreg:$0x0]  }
0x2: {  	s1 =	rddreg [dreg:$0x1];
	s2 =	simm.s32 $0x0  }
0x3: {  	s3 =	srdreg.scid;
	s14 =	stileid.u32;
	s18 =	simm.s32 $0x4  }
0x4: {  	s19 =	simm.s32 $0x80;
	s20 =	simm.s32 $0x100;
	s21 =	simm.s32 $0x180  }
0x5: {  	s22 =	simm.s32 $0x200;
	s23 =	simm.s32 $0x3;
	s24 =	simm.s32 $0x4200  }
0x6: {  	s25 =	simm.s32 $0x1;
	s26 =	simm.s32 $0x2;
	s28 =	simm.s32 $0x0  }
0x7: {  	[smem:$0x7FF] =	sst s2;
	s3 =	sand.u32 $0x1, s3;
	s7 =	smul.u32 $0x2800, s14  }
0x8: {  	s4 =	sadd.s32 $0x1E800, s0;
	s5 =	sadd.s32 $0x14400, s0;
	s10 =	smul.u32 $0x50000, s14  }
0x9: {  	_ =	strace $0x8000004D;
	s6 =	sshll.u32 s3, $0x4;
	s9 =	ssub.s32 $0x2, s3  }
0xa: {  	s12 =	smul.u32 $0x29000, s3;
	p0 =	seq.s32 s3, $0x1;
	s3 =	simm.s32 $0x96800  }
0xb: {  	s8 =	sor.u32 s14, s6;
	s6 =	sadd.s32 $0xA000, s0;
	s0 =	sadd.s32 s7, s0  }
0xc: {  	s29 =	sshrl.u32 s9, $0x1;
	s14 =	smul.u32 $0x2900, s14;
	s15 =	sshrl.u32 s10, $0x2  }
0xd: {  	s3 =	simm.s32 @!p0 $0x6E800;
	s8 =	smul.u32 $0x2900, s8;
	s13 =	ssub.s32 s9, s29  }
0xe: {  	s17 =	sadd.s32 s14, s12;
	s12 =	sadd.s32 $0x46800, s0;
	s13 =	smax.u32 s13, $0x1  }
0xf: {  	s8 =	sshrl.u32 s8, $0x3;
	s14 =	sadd.s32 $0x180, s17;
	s17 =	sadd.s32 $0x100, s17  }
0x10: {  	s30 =	sadd.s32 s5, s8;
	s11 =	sor.u32 $0x10, s8;
	s31 =	sadd.s32 s6, s8  }
0x11: {  	s16 =	sshrl.u32 s14, $0x3;
	s14 =	sadd.s32 s3, s0;
	[dreg:$0x3] =	wrdreg s30  }
0x12: {  	[dreg:$0x4] =	wrdreg s31;
	s9 =	sadd.s32 s5, s11;
	s10 =	sadd.s32 s6, s11  }
0x13: {  	s11 =	sadd.s32 s15, s1;
	s15 =	sadd.s32 s16, s6;
	s16 =	sadd.s32 s16, s5  }
.LBB2_1:
0x14: {  	s0 =	rddreg [dreg:$0x3]  }
0x15: {  	[tilespmem:s2], [sflag:$0x4] =	stream.linear.gather [hbm4b:s0+s2], $0x80, $0x38;
	[tilespmem:$0x1C200] =	vst v63  }
0x16: {  	_ =	swait.ge [sflag:s18], $0x80  }
0x17: {  	[sflag:s18] =	ssyncset.done $0x0  }
0x18: {  	s8 =	rddreg [dreg:$0x4];
	[sflag:s18] =	ssyncadd.s32 $0xFFFFFF80  }
0x19: {  	[tilespmem:s19], [sflag:$0x4] =	stream.linear.gather [hbm4b:s8+s2], $0x80, $0x38;
	[tilespmem:$0x1C200] =	vst v63  }
0x1a: {  	_ =	swait.ge [sflag:s18], $0x80  }
0x1b: {  	s3 =	stileid.u32;
	[sflag:s18] =	ssyncset.done $0x0  }
0x1c: {  	s0 =	sshll.u32 s3, $0x6;
	[sflag:s18] =	ssyncadd.s32 $0xFFFFFF80  }
0x1d: {  	[tilespmem:s20], [sflag:$0x3] =	stream.linear.gather [hbm4b:s9+s2], $0x80, $0x38;
	[tilespmem:$0x1C200] =	vst v63  }
0x1e: {  	s30 =	sshrl.u32 s11, $0x3;
	s29 =	sor.u32 $0x1C04, s0  }
0x1f: {  	[tilespmem:s21], [sflag:$0x3] =	stream.linear.gather [hbm4b:s10+s2], $0x80, $0x38;
	[tilespmem:$0x1C200] =	vst v63  }
0x20: {  	[spmem:s30], [sflag:s29] =	dma.local [hbm:s12], $0x2800  }
0x21: {  	_ =	swait.ge [sflag:s18], $0x2800  }
0x22: {  	[sflag:s18] =	ssyncset.done $0x0  }
0x23: {  	[sflag:s18] =	ssyncadd.s32 $0xFFFFD800  }
0x24: {  	[bflag:$0x0] =	sbarrier.arrive $0xFFFF  }
0x25: {  	[tilespmem:s22], [sflag:$0x1] =	stream.indirect.gather [hbm4b:s4+s19], $0x80, s2, s19, $0xb8;
	[tilespmem:$0x1C200] =	vst v63  }
0x26: {  	_ =	swait.ge [sflag:s23], $0x80  }
0x27: {  	[sflag:s23] =	ssyncset.done $0x0  }
0x28: {  	[sflag:s23] =	ssyncadd.s32 $0xFFFFFF80  }
0x29: {  	_ =	swait.ge [sflag:s23], $0x80  }
0x2a: {  	[sflag:s23] =	ssyncset.done $0x0  }
0x2b: {  	[sflag:s23] =	ssyncadd.s32 $0xFFFFFF80  }
0x2c: {  	[tilespmem:s24], [sflag:$0x2] =	stream.indirect.gather [hbm4b:s4+s19], $0x80, s20, s19, $0xb8;
	[tilespmem:$0x1C200] =	vst v63  }
0x2d: {  	_ =	swait.ge [sflag:s25], $0x4000  }
0x2e: {  	[sflag:s25] =	ssyncset.done $0x0  }
0x2f: {  	[sflag:s25] =	ssyncadd.s32 $0xFFFFC000  }
0x30: {  	[spmem:s1] =	stream.indirect.scatter.add.f32 [tilespmem:s22], [sflag:$0x4], $0x80, s19, s19, $0xb8;
	[tilespmem:$0x1C200] =	vst v63  }
0x31: {  	_ =	swait.ge [sflag:s18], $0x4000  }
0x32: {  	s7 =	sshrl.u32 s17, $0x3;
	[sflag:s18] =	ssyncset.done $0x0  }
0x33: {  	s3 =	sadd.s32 s5, s7;
	[sflag:s18] =	ssyncadd.s32 $0xFFFFC000  }
0x34: {  	[tilespmem:s2], [sflag:$0x3] =	stream.linear.gather [hbm4b:s3+s2], $0x80, $0x38;
	[tilespmem:$0x1C200] =	vst v63  }
0x35: {  	s0 =	sadd.s32 s6, s7  }
0x36: {  	[tilespmem:s19], [sflag:$0x3] =	stream.linear.gather [hbm4b:s0+s2], $0x80, $0x38;
	[tilespmem:$0x1C200] =	vst v63  }
0x37: {  	_ =	swait.ge [sflag:s23], $0x80  }
0x38: {  	[sflag:s23] =	ssyncset.done $0x0  }
0x39: {  	[sflag:s23] =	ssyncadd.s32 $0xFFFFFF80  }
0x3a: {  	_ =	swait.ge [sflag:s23], $0x80  }
0x3b: {  	[sflag:s23] =	ssyncset.done $0x0  }
0x3c: {  	[sflag:s23] =	ssyncadd.s32 $0xFFFFFF80  }
0x3d: {  	[tilespmem:s22], [sflag:$0x1] =	stream.indirect.gather [hbm4b:s4+s19], $0x80, s2, s19, $0xb8;
	[tilespmem:$0x1C200] =	vst v63  }
0x3e: {  	_ =	swait.ge [sflag:s26], $0x4000  }
0x3f: {  	[sflag:s26] =	ssyncset.done $0x0  }
0x40: {  	[sflag:s26] =	ssyncadd.s32 $0xFFFFC000  }
0x41: {  	[spmem:s1] =	stream.indirect.scatter.add.f32 [tilespmem:s24], [sflag:$0x4], $0x80, s21, s19, $0xb8;
	[tilespmem:$0x1C200] =	vst v63  }
0x42: {  	_ =	swait.ge [sflag:s18], $0x4000  }
0x43: {  	s31 =	simm.s32 $0x20;
	s8 =	sadd.s32 $0x0, s16;
	[sflag:s18] =	ssyncset.done $0x0  }
0x44: {  	s3 =	sadd.s32 $0x0, s15;
	s0 =	sadd.s32 $0x100, s17;
	[sflag:s18] =	ssyncadd.s32 $0xFFFFC000  }
0x45: {  	[tilespmem:s20], [sflag:$0x3] =	stream.linear.gather [hbm4b:s8+s2], $0x80, $0x38;
	[tilespmem:$0x1C200] =	vst v63  }
.LBB2_2:
0x46: {  	[tilespmem:s21], [sflag:$0x3] =	stream.linear.gather [hbm4b:s3+s2], $0x80, $0x38;
	[tilespmem:$0x1C200] =	vst v63  }
0x47: {  	s3 =	smov.u32 s31  }
0x48: {  	p0 =	sne.s32 s31, $0x4E0;
	s31 =	sadd.s32 $0x20, s31;
	_ =	swait.ge [sflag:s23], $0x80  }
0x49: {  	[sflag:s23] =	ssyncset.done $0x0  }
0x4a: {  	[sflag:s23] =	ssyncadd.s32 $0xFFFFFF80  }
0x4b: {  	_ =	swait.ge [sflag:s23], $0x80  }
0x4c: {  	[sflag:s23] =	ssyncset.done $0x0  }
0x4d: {  	[sflag:s23] =	ssyncadd.s32 $0xFFFFFF80  }
0x4e: {  	[tilespmem:s24], [sflag:$0x2] =	stream.indirect.gather [hbm4b:s4+s19], $0x80, s20, s19, $0xb8;
	[tilespmem:$0x1C200] =	vst v63  }
0x4f: {  	_ =	swait.ge [sflag:s25], $0x4000  }
0x50: {  	[sflag:s25] =	ssyncset.done $0x0  }
0x51: {  	[sflag:s25] =	ssyncadd.s32 $0xFFFFC000  }
0x52: {  	[spmem:s1] =	stream.indirect.scatter.add.f32 [tilespmem:s22], [sflag:$0x4], $0x80, s19, s19, $0xb8;
	[tilespmem:$0x1C200] =	vst v63  }
0x53: {  	_ =	swait.ge [sflag:s18], $0x4000  }
0x54: {  	s7 =	sshrl.u32 s0, $0x3;
	[sflag:s18] =	ssyncset.done $0x0  }
0x55: {  	s8 =	sadd.s32 s5, s7;
	[sflag:s18] =	ssyncadd.s32 $0xFFFFC000  }
0x56: {  	[tilespmem:s2], [sflag:$0x3] =	stream.linear.gather [hbm4b:s8+s2], $0x80, $0x38;
	[tilespmem:$0x1C200] =	vst v63  }
0x57: {  	s7 =	sadd.s32 s6, s7  }
0x58: {  	[tilespmem:s19], [sflag:$0x3] =	stream.linear.gather [hbm4b:s7+s2], $0x80, $0x38;
	[tilespmem:$0x1C200] =	vst v63  }
0x59: {  	_ =	swait.ge [sflag:s23], $0x80  }
0x5a: {  	[sflag:s23] =	ssyncset.done $0x0  }
0x5b: {  	[sflag:s23] =	ssyncadd.s32 $0xFFFFFF80  }
0x5c: {  	_ =	swait.ge [sflag:s23], $0x80  }
0x5d: {  	[sflag:s23] =	ssyncset.done $0x0  }
0x5e: {  	[sflag:s23] =	ssyncadd.s32 $0xFFFFFF80  }
0x5f: {  	[tilespmem:s22], [sflag:$0x1] =	stream.indirect.gather [hbm4b:s4+s19], $0x80, s2, s19, $0xb8;
	[tilespmem:$0x1C200] =	vst v63  }
0x60: {  	_ =	swait.ge [sflag:s26], $0x4000  }
0x61: {  	[sflag:s26] =	ssyncset.done $0x0  }
0x62: {  	[sflag:s26] =	ssyncadd.s32 $0xFFFFC000  }
0x63: {  	[spmem:s1] =	stream.indirect.scatter.add.f32 [tilespmem:s24], [sflag:$0x4], $0x80, s21, s19, $0xb8;
	[tilespmem:$0x1C200] =	vst v63  }
.Ltmp0:
0x64: {  	_ =	swait.ge [sflag:s18], $0x4000;
	(pc) =	sbr.rel @p0 .LBB2_2-.Ltmp0, $4  }
0x65: {  	[sflag:s18] =	ssyncset.done $0x0  }
0x66: {  	s7 =	sadd.s32 s3, s16;
	[sflag:s18] =	ssyncadd.s32 $0xFFFFC000  }
0x67: {  	[tilespmem:s20], [sflag:$0x3] =	stream.linear.gather [hbm4b:s7+s2], $0x80, $0x38;
	[tilespmem:$0x1C200] =	vst v63  }
0x68: {  	s0 =	sadd.s32 $0x100, s0;
	s3 =	sadd.s32 s3, s15  }
0x69: {  	[tilespmem:s21], [sflag:$0x3] =	stream.linear.gather [hbm4b:s3+s2], $0x80, $0x38;
	[tilespmem:$0x1C200] =	vst v63  }
0x6a: {  	_ =	swait.ge [sflag:s25], $0x4000  }
0x6b: {  	[sflag:s25] =	ssyncset.done $0x0  }
0x6c: {  	[sflag:s25] =	ssyncadd.s32 $0xFFFFC000  }
0x6d: {  	_ =	swait.ge [sflag:s23], $0x80  }
0x6e: {  	[sflag:s23] =	ssyncset.done $0x0  }
0x6f: {  	[sflag:s23] =	ssyncadd.s32 $0xFFFFFF80  }
0x70: {  	_ =	swait.ge [sflag:s23], $0x80  }
0x71: {  	s28 =	sadd.s32 $0x1, s28;
	[sflag:s23] =	ssyncset.done $0x0  }
0x72: {  	p0 =	sne.s32 s28, s13;
	[sflag:s23] =	ssyncadd.s32 $0xFFFFFF80  }
.Ltmp1:
0x73: {  	[bflag:$0x0] =	sbarrier.arrive $0xFFFF;
	(pc) =	sbr.rel @p0 .LBB2_1-.Ltmp1, $4  }
0x74: {  	[hbm:s14], [sflag:s29] =	dma.local [spmem:s30], $0x2800  }
0x75: {  	_ =	swait.ge [sflag:s18], $0x2800  }
0x76: {  	[sflag:s18] =	ssyncset.done $0x0  }
0x77: {  	[sflag:s18] =	ssyncadd.s32 $0xFFFFD800  }
0x78: {  	_ =	sfence.sel $0x180000  }
0x79: {  	[bflag:$0x0] =	sbarrier.arrive $0xFFFF  }
0x7a: {  	_ =	strace $0x9000004D  }
0x7b: {  	s0 =	stileid.u32;
	[bflag:$0x2] =	sbarrier.arrive $0xFFFF  }
0x7c: {  	p0 =	sne.s32 s0, $0x0;
	s0 =	rddreg [dreg:$0x2]  }
0x7d: {  	s0 =	sadd.s32 @!p0 $0x100000, s0  }
0x7e: {  	[sflag:s0] =	ssyncadd.tile.s32 @!p0 $0x1;
	_ =	shalt  }
.Lfunc_end2:
_tile_overlayer_lowered:
.L_overlay_start_2:
0x7f: {  	(tag) =	ssettag $0x2  }
0x80: {  	s0 =	rddreg [dreg:$0x0];
	s2 =	stileid.u32  }
0x81: {  	s1 =	rddreg [dreg:$0x1];
	p0 =	sne.s32 s2, $0x0  }
0x82: {  	s3 =	rddreg [dreg:$0x2];
	[bflag:$0x3] =	sbarrier.arrive $0xFFFF;
	s2 =	simm.s32 @!p0 $0x1C04  }
0x83: {  	[timem:s3], [sflag:s2] =	dma.local @!p0 [hbm:s0], s1  }
0x84: {  	s0 =	simm.s32 @!p0 $0x4  }
0x85: {  	_ =	swait.ge @!p0 [sflag:s0], s1  }
0x86: {  	s1 =	ssub.s32 @!p0 $0x0, s1;
	[sflag:s0] =	ssyncset.done @!p0 $0x0  }
0x87: {  	[sflag:s0] =	ssyncadd.s32 @!p0 s1  }
0x88: {  	[bflag:$0x3] =	sbarrier.arrive $0xFFFF  }
0x89: {  	_ =	shalt  }

// kernel: kernel.32.cloned.1.call-start
scs
__scs_entry_jumppad:
0x0: {  	(pc) =	sbr.rel $0x88, $3  }
0x1: {  	(tag) =	ssettag $0x0;
	lr =	simm.s32 $0x1  }
0x2: {  	[smem:$0x3F92] =	sst lr;
	_ =	strace $0xD0000000  }
0x3: {  	_ = 	snop  }
0x4: {  	_ = 	snop  }
0x5: {  	_ = 	snop  }
0x6: {  	_ = 	snop  }
0x7: {  	_ = 	snop  }
__scs_overlays_trampoline_lowered:
0x8: {  	[smem:$0x3FA1] =	sst s0  }
0x9: {  	[smem:$0x3FA2] =	sst s1  }
0xa: {  	[smem:$0x3FA3] =	sst s2  }
0xb: {  	[smem:$0x3FA4] =	sst s3  }
0xc: {  	[smem:$0x3FA5] =	sst s4  }
0xd: {  	[smem:$0x3FA6] =	sst s5  }
0xe: {  	[smem:$0x3FA7] =	sst s6  }
0xf: {  	[smem:$0x3FA8] =	sst s7  }
0x10: {  	[smem:$0x3FA9] =	sst s8  }
0x11: {  	[smem:$0x3FAA] =	sst s9;
	s0 =	simm.s32 @!p0 $0x0  }
0x12: {  	s1 =	sld [smem:$0x3F90];
	s0 =	simm.s32 @p0 $0x1  }
0x13: {  	[smem:$0x3FAB] =	sst s0;
	s0 =	simm.s32 @!p1 $0x0  }
0x14: {  	s2 =	sld [smem:$0x3F8F];
	s0 =	simm.s32 @p1 $0x1  }
0x15: {  	[smem:$0x3FAC] =	sst s0;
	s0 =	simm.s32 @!p2 $0x0  }
0x16: {  	s3 =	sld [smem:$0x3FDB];
	s0 =	simm.s32 @p2 $0x1  }
0x17: {  	s4 =	simm.s32 $0x1BF5;
	[smem:$0x3FAE] =	sst s0  }
0x18: {  	s0 =	sld [smem:$0x3F91];
	_ =	swait.ge [sflag:s4], $0x0  }
0x19: {  	s7 =	sld [smem:$0x3F92]  }
0x1a: {  	s8 =	sadd.s32 $0xFFFFE003, lr  }
0x1b: {  	s9 =	sadd.s32 $0xFFFFFEF7, lr;
	s5 =	simm.s32 $0xFFFFFFFF;
	p2 =	slt.u32 s8, $0xFFFFF086  }
0x1c: {  	p1 =	slt.u32 s9, $0xF7A;
	s5 =	simm.s32 @!p2 $0x0  }
0x1d: {  	s5 =	simm.s32 @p1 $0x1;
	p0 =	seq.s32 s7, s2  }
0x1e: {  	s7 =	smul.u32 @!p0 $0xF7A, s2;
	p2 =	seq.s32 @!p0 s5, $0x0  }
0x1f: {  	s9 =	smul.u32 $0xF7A, s1;
	s8 =	simm.s32 @!p0 $0x1BF5;
	p2 =	por !p2, p0  }
0x20: {  	[sflag:s8] =	ssyncset.s32 @!p0 $0xFFFFF086;
	s6 =	sadd.s32 @!p0 s3, s7;
	s7 =	simm.s32 @!p0 $0x108  }
0x21: {  	s3 =	sadd.s32 s3, s9;
	s6 =	sadd.s32 @!p0 $0x88, s6;
	s7 =	simm.s32 @p2 $0x1082  }
0x22: {  	[simem:s7], [sflag:s8] =	dma.local @!p0 [hbm:s6], $0xF7A  }
0x23: {  	s9 =	sor.u32 $0xD0000000, s2;
	s6 =	simm.s32 $0x108;
	_ =	swait.ge @!p0 [sflag:s8], $0x0  }
0x24: {  	s3 =	sadd.s32 $0x88, s3;
	s6 =	simm.s32 @!p1 $0x1082;
	[sflag:s4] =	ssyncset.s32 $0xFFFFF086  }
0x25: {  	[simem:s6], [sflag:s4] =	dma.local [hbm:s3], $0xF7A  }
0x26: {  	[smem:$0x3F92] =	sst s1;
	(tag) =	ssettag s2;
	_ =	strace s9  }
0x27: {  	s1 =	sld [smem:$0x3FA2]  }
0x28: {  	s2 =	sld [smem:$0x3FA3]  }
0x29: {  	s4 =	sld [smem:$0x3FA5]  }
0x2a: {  	p0 =	seq.s32 s5, $0x0;
	s5 =	sld [smem:$0x3FA6]  }
0x2b: {  	s6 =	sld [smem:$0x3FA7]  }
0x2c: {  	s7 =	sld [smem:$0x3FA8]  }
0x2d: {  	s3 =	simm.s32 $0x108;
	s8 =	sld [smem:$0x3FA9]  }
0x2e: {  	s3 =	simm.s32 @!p0 $0x1082;
	s9 =	sld [smem:$0x3FAA]  }
0x2f: {  	lr =	sadd.s32 s0, s3;
	s0 =	sld [smem:$0x3FA1]  }
0x30: {  	s3 =	sld [smem:$0x3FA4]  }
0x31: {  	[smem:$0x3FAD] =	sst s10  }
0x32: {  	s10 =	sld [smem:$0x3FAB];
	_ =	sdelay $0x3  }
0x33: {  	p0 =	seq.s32 s10, $0x1;
	s10 =	sld [smem:$0x3FAD];
	_ =	sdelay $0x3  }
0x34: {  	[smem:$0x3FAD] =	sst s10  }
0x35: {  	s10 =	sld [smem:$0x3FAC];
	_ =	sdelay $0x3  }
0x36: {  	p1 =	seq.s32 s10, $0x1;
	s10 =	sld [smem:$0x3FAD];
	_ =	sdelay $0x3  }
0x37: {  	[smem:$0x3FAD] =	sst s10  }
0x38: {  	s10 =	sld [smem:$0x3FAE]  }
0x39: {  	_ = 	snop;
	(pc) =	sbr.ind lr, $3  }
0x3a: {  	_ = 	snop  }
0x3b: {  	_ = 	snop  }
0x3c: {  	p2 =	seq.s32 s10, $0x1;
	s10 =	sld [smem:$0x3FAD]  }
0x3d: {  	_ =	shalt  }
0x3e: {  	_ =	shalt  }
0x3f: {  	_ =	shalt  }
0x40: {  	_ =	shalt  }
0x41: {  	_ =	shalt  }
0x42: {  	_ =	shalt  }
0x43: {  	_ =	shalt  }
0x44: {  	_ =	shalt  }
0x45: {  	_ =	shalt  }
0x46: {  	_ =	shalt  }
0x47: {  	_ =	shalt  }
0x48: {  	_ =	shalt  }
0x49: {  	_ =	shalt  }
0x4a: {  	_ =	shalt  }
0x4b: {  	_ =	shalt  }
0x4c: {  	_ =	shalt  }
0x4d: {  	_ =	shalt  }
0x4e: {  	_ =	shalt  }
0x4f: {  	_ =	shalt  }
0x50: {  	_ =	shalt  }
0x51: {  	_ =	shalt  }
0x52: {  	_ =	shalt  }
0x53: {  	_ =	shalt  }
0x54: {  	_ =	shalt  }
0x55: {  	_ =	shalt  }
0x56: {  	_ =	shalt  }
0x57: {  	_ =	shalt  }
0x58: {  	_ =	shalt  }
0x59: {  	_ =	shalt  }
0x5a: {  	_ =	shalt  }
0x5b: {  	_ =	shalt  }
0x5c: {  	_ =	shalt  }
0x5d: {  	_ =	shalt  }
0x5e: {  	_ =	shalt  }
0x5f: {  	_ =	shalt  }
0x60: {  	_ =	shalt  }
0x61: {  	_ =	shalt  }
0x62: {  	_ =	shalt  }
0x63: {  	_ =	shalt  }
0x64: {  	_ =	shalt  }
0x65: {  	_ =	shalt  }
0x66: {  	_ =	shalt  }
0x67: {  	_ =	shalt  }
0x68: {  	_ =	shalt  }
0x69: {  	_ =	shalt  }
0x6a: {  	_ =	shalt  }
0x6b: {  	_ =	shalt  }
0x6c: {  	_ =	shalt  }
0x6d: {  	_ =	shalt  }
0x6e: {  	_ =	shalt  }
0x6f: {  	_ =	shalt  }
0x70: {  	_ =	shalt  }
0x71: {  	_ =	shalt  }
0x72: {  	_ =	shalt  }
0x73: {  	_ =	shalt  }
0x74: {  	_ =	shalt  }
0x75: {  	_ =	shalt  }
0x76: {  	_ =	shalt  }
0x77: {  	_ =	shalt  }
0x78: {  	_ =	shalt  }
0x79: {  	_ =	shalt  }
0x7a: {  	_ =	shalt  }
0x7b: {  	_ =	shalt  }
0x7c: {  	_ =	shalt  }
0x7d: {  	_ =	shalt  }
0x7e: {  	_ =	shalt  }
0x7f: {  	_ =	shalt  }
0x80: {  	_ =	shalt  }
0x81: {  	_ =	shalt  }
0x82: {  	_ =	shalt  }
0x83: {  	_ =	shalt  }
0x84: {  	_ =	shalt  }
0x85: {  	_ =	shalt  }
0x86: {  	_ =	shalt  }
0x87: {  	_ =	shalt  }
.Lfunc_end0:
.L_simem_size_0:
called_computation.5_lowered:
.L_overlay_start_0:
0x88: {  	s2 =	sld [smem:$0x3FD9]  }
0x89: {  	s3 =	sld [smem:$0x3FFE];
	_ =	sdelay $0x1  }
0x8a: {  	s1 =	srdreg.scid  }
0x8b: {  	s0 =	sand.u32 $0x1, s1  }
0x8c: {  	s17 =	sshll.u32 s0, $0xA;
	s2 =	sadd.s32 s3, s2  }
0x8d: {  	s2 =	sadd.s32 s2, s17  }
0x8e: {  	[smem:$0x3FB9] =	sst s2  }
0x8f: {  	_ = 	snop  }
0x90: {  	(tm) =	ssettm $0x1  }
0x91: {  	s18 =	sld [smem:$0x3FFB];
	_ =	sdelay $0x3  }
0x92: {  	_ =	strace s18  }
0x93: {  	s2 =	sld [smem:$0x3FFC];
	_ =	sdelay $0x3  }
0x94: {  	_ =	strace s2  }
0x95: {  	s2 =	sld [smem:$0x3FFD];
	_ =	sdelay $0x3  }
0x96: {  	_ =	strace s2  }
0x97: {  	_ =	strace $0x8FFFFFFF  }
0x98: {  	s19 =	sld [smem:$0x3FDB];
	_ =	sdelay $0x1  }
0x99: {  	s20 =	simm.s32 $_scs_section_size  }
0x9a: {  	s4 =	simm.s32 $_size__tile_overlayer_lowered;
	s5 =	simm.s32 $_tile_overlayer_lowered  }
0x9b: {  	s6 =	simm.s32 $0x1BFF;
	s21 =	sshll.u32 s5, $0x1;
	s3 =	sadd.s32 s20, s19  }
0x9c: {  	s22 =	simm.s32 $0x0;
	s4 =	sshll.u32 s4, $0x1;
	s5 =	sadd.s32 s21, s3  }
0x9d: {  	[timem:s22], [sflag:s6] =	dma.local [hbm:s5], s4  }
0x9e: {  	_ =	swait.ge [sflag:s6], s4  }
0x9f: {  	s4 =	ssub.s32 $0x0, s4;
	[sflag:s6] =	ssyncset.done $0x0  }
0xa0: {  	[sflag:s6] =	ssyncadd.s32 s4;
	_ =	sdelay $0x1  }
0xa1: {  	s23 =	simm.s32 $0x1B8B  }
0xa2: {  	_ =	swait.ge [sflag:s23], $0x1  }
0xa3: {  	[sflag:s23] =	ssyncset.done $0x0  }
0xa4: {  	[sflag:s23] =	ssyncadd.s32 $0xFFFFFFFF  }
0xa5: {  	s4 =	sld [smem:$0x0]  }
0xa6: {  	s5 =	sand.u32 $0xFFFFFFFE, s1  }
0xa7: {  	p0 =	sne.s32 s1, s5  }
0xa8: {  	s5 =	sshll.u32 @p0 s5, $0xE  }
0xa9: {  	s5 =	sadd.s32 @p0 $0x11B8D, s5;
	s6 =	sshll.u32 @p0 s4, $0x11  }
0xaa: {  	s5 =	sor.u32 @p0 s6, s5  }
0xab: {  	[sflag:s5] =	ssyncadd.remote.s32 @p0 $0x1;
	_ =	sdelay $0x1  }
0xac: {  	s5 =	simm.s32 @p0 $0x1B8D  }
0xad: {  	_ =	swait.eq @p0 [sflag:s5], $0x1  }
0xae: {  	[sflag:s5] =	ssyncadd.s32 @p0 $0xFFFFFFFF  }
0xaf: {  	s6 =	sshll.u32 @!p0 s1, $0xE  }
0xb0: {  	s6 =	sor.u32 @!p0 $0x4000, s6;
	s5 =	simm.s32 @!p0 $0x1B8D  }
0xb1: {  	s4 =	sshll.u32 @!p0 s4, $0x11;
	s6 =	sadd.s32 @!p0 $0x11B8D, s6;
	_ =	swait.eq @!p0 [sflag:s5], $0x1  }
0xb2: {  	s4 =	sor.u32 @!p0 s4, s6;
	[sflag:s5] =	ssyncadd.s32 @!p0 $0xFFFFFFFF  }
0xb3: {  	s25 =	simm.s32 $0x1B8E;
	s24 =	sld [smem:$0x3FFE];
	[sflag:s4] =	ssyncadd.remote.s32 @!p0 $0x1  }
0xb4: {  	s26 =	simm.s32 $execute0_lowered;
	[smem:$0x3FD2] =	sst s25  }
0xb5: {  	s5 =	sshll.u32 s26, $0x1;
	_ =	strace $0x80000052;
	[dreg:$0x1] =	wrdreg $0xFFFFFFFF  }
0xb6: {  	s28 =	simm.s32 $_size_execute0_lowered;
	s3 =	sadd.s32 s3, s5;
	[dreg:$0x0] =	wrdreg $0x0  }
0xb7: {  	s5 =	sshll.u32 s28, $0x1;
	[dreg:$0x2] =	wrdreg s3  }
0xb8: {  	[dreg:$0x3] =	wrdreg s5  }
0xb9: {  	[dreg:$0x4] =	wrdreg $0xC0  }
0xba: {  	_ =	task [dreg:s22], $0x5FFFF  }
0xbb: {  	[dreg:$0x1] =	wrdreg $0xFFFFFFFF  }
0xbc: {  	[dreg:$0x0] =	wrdreg $0x60  }
0xbd: {  	[dreg:$0x2] =	wrdreg s24  }
0xbe: {  	[dreg:$0x3] =	wrdreg $0x82000  }
0xbf: {  	[dreg:$0x4] =	wrdreg $0xA  }
0xc0: {  	_ =	task.clear_ibuf [dreg:s22], $0x5FFFF;
	_ =	strace $0x90000052  }
0xc1: {  	s29 =	simm.s32 $0xA;
	_ =	strace $0x80000054  }
0xc2: {  	_ =	swait.ge [sflag:s29], $0x1  }
0xc3: {  	[sflag:s29] =	ssyncadd.s32 $0xFFFFFFFF  }
0xc4: {  	_ =	strace $0x90000054  }
0xc5: {  	_ =	sfence  }
0xc6: {  	s30 =	sld [smem:$0x0];
	_ =	sdelay $0x2  }
0xc7: {  	s31 =	sshll.u32 s1, $0xD;
	s1 =	sshrl.u32 s1, $0x2  }
0xc8: {  	s4 =	sand.u32 $0x4000, s31;
	s1 =	sadd.s32 s1, s30  }
0xc9: {  	s0 =	sor.u32 s4, s0;
	s1 =	sshll.u32 s1, $0x11  }
0xca: {  	s0 =	sor.u32 s1, s0  }
0xcb: {  	s0 =	sadd.s32 $0x8F2B, s0  }
0xcc: {  	[sflag:s0] =	ssyncadd.remote.s32 $0x1  }
0xcd: {  	_ =	sfence.sel $0xFFFF  }
0xce: {  	[dreg:$0x0] =	wrdreg $0xFFFFFFFF;
	(pc) =	sbr.abs _section_cstart, $3  }
0xcf: {  	[dreg:$0x1] =	wrdreg $0xFFFFFFFF  }
0xd0: {  	_ =	task.clear_ibuf [dreg:s22], $0x2FFFF;
	_ =	strace $0x9FFFFFFF  }
0xd1: {  	(tm) =	ssettm $0x7FFFFFFF  }
tec
execute0_lowered:
.L_overlay_start_1:
0x0: {  	(tag) =	ssettag $0x1  }
0x1: {  	s0 =	rddreg [dreg:$0x0]  }
0x2: {  	s1 =	rddreg [dreg:$0x1];
	s2 =	simm.s32 $0x0  }
0x3: {  	s3 =	srdreg.scid;
	s14 =	stileid.u32;
	s18 =	simm.s32 $0x4  }
0x4: {  	s19 =	simm.s32 $0x80;
	s20 =	simm.s32 $0x100;
	s21 =	simm.s32 $0x180  }
0x5: {  	s22 =	simm.s32 $0x200;
	s23 =	simm.s32 $0x3;
	s24 =	simm.s32 $0x4200  }
0x6: {  	s25 =	simm.s32 $0x1;
	s26 =	simm.s32 $0x2;
	s28 =	simm.s32 $0x0  }
0x7: {  	[smem:$0x7FF] =	sst s2;
	s3 =	sand.u32 $0x1, s3;
	s7 =	smul.u32 $0x2800, s14  }
0x8: {  	s4 =	sadd.s32 $0x1E800, s0;
	s5 =	sadd.s32 $0x14400, s0;
	s10 =	smul.u32 $0x50000, s14  }
0x9: {  	_ =	strace $0x80000053;
	s6 =	sshll.u32 s3, $0x4;
	s9 =	ssub.s32 $0x2, s3  }
0xa: {  	s12 =	smul.u32 $0x29000, s3;
	p0 =	seq.s32 s3, $0x1;
	s3 =	simm.s32 $0x96800  }
0xb: {  	s8 =	sor.u32 s14, s6;
	s6 =	sadd.s32 $0xA000, s0;
	s0 =	sadd.s32 s7, s0  }
0xc: {  	s29 =	sshrl.u32 s9, $0x1;
	s14 =	smul.u32 $0x2900, s14;
	s15 =	sshrl.u32 s10, $0x2  }
0xd: {  	s3 =	simm.s32 @!p0 $0x6E800;
	s8 =	smul.u32 $0x2900, s8;
	s13 =	ssub.s32 s9, s29  }
0xe: {  	s17 =	sadd.s32 s14, s12;
	s12 =	sadd.s32 $0x46800, s0;
	s13 =	smax.u32 s13, $0x1  }
0xf: {  	s8 =	sshrl.u32 s8, $0x3;
	s14 =	sadd.s32 $0x180, s17;
	s17 =	sadd.s32 $0x100, s17  }
0x10: {  	s30 =	sadd.s32 s5, s8;
	s11 =	sor.u32 $0x10, s8;
	s31 =	sadd.s32 s6, s8  }
0x11: {  	s16 =	sshrl.u32 s14, $0x3;
	s14 =	sadd.s32 s3, s0;
	[dreg:$0x3] =	wrdreg s30  }
0x12: {  	[dreg:$0x4] =	wrdreg s31;
	s9 =	sadd.s32 s5, s11;
	s10 =	sadd.s32 s6, s11  }
0x13: {  	s11 =	sadd.s32 s15, s1;
	s15 =	sadd.s32 s16, s6;
	s16 =	sadd.s32 s16, s5  }
.LBB2_1:
0x14: {  	s0 =	rddreg [dreg:$0x3]  }
0x15: {  	[tilespmem:s2], [sflag:$0x4] =	stream.linear.gather [hbm4b:s0+s2], $0x80, $0x38;
	[tilespmem:$0x1C200] =	vst v63  }
0x16: {  	_ =	swait.ge [sflag:s18], $0x80  }
0x17: {  	[sflag:s18] =	ssyncset.done $0x0  }
0x18: {  	s8 =	rddreg [dreg:$0x4];
	[sflag:s18] =	ssyncadd.s32 $0xFFFFFF80  }
0x19: {  	[tilespmem:s19], [sflag:$0x4] =	stream.linear.gather [hbm4b:s8+s2], $0x80, $0x38;
	[tilespmem:$0x1C200] =	vst v63  }
0x1a: {  	_ =	swait.ge [sflag:s18], $0x80  }
0x1b: {  	s3 =	stileid.u32;
	[sflag:s18] =	ssyncset.done $0x0  }
0x1c: {  	s0 =	sshll.u32 s3, $0x6;
	[sflag:s18] =	ssyncadd.s32 $0xFFFFFF80  }
0x1d: {  	[tilespmem:s20], [sflag:$0x3] =	stream.linear.gather [hbm4b:s9+s2], $0x80, $0x38;
	[tilespmem:$0x1C200] =	vst v63  }
0x1e: {  	s30 =	sshrl.u32 s11, $0x3;
	s29 =	sor.u32 $0x1C04, s0  }
0x1f: {  	[tilespmem:s21], [sflag:$0x3] =	stream.linear.gather [hbm4b:s10+s2], $0x80, $0x38;
	[tilespmem:$0x1C200] =	vst v63  }
0x20: {  	[spmem:s30], [sflag:s29] =	dma.local [hbm:s12], $0x2800  }
0x21: {  	_ =	swait.ge [sflag:s18], $0x2800  }
0x22: {  	[sflag:s18] =	ssyncset.done $0x0  }
0x23: {  	[sflag:s18] =	ssyncadd.s32 $0xFFFFD800  }
0x24: {  	[bflag:$0x0] =	sbarrier.arrive $0xFFFF  }
0x25: {  	[tilespmem:s22], [sflag:$0x1] =	stream.indirect.gather [hbm4b:s4+s19], $0x80, s2, s19, $0xb8;
	[tilespmem:$0x1C200] =	vst v63  }
0x26: {  	_ =	swait.ge [sflag:s23], $0x80  }
0x27: {  	[sflag:s23] =	ssyncset.done $0x0  }
0x28: {  	[sflag:s23] =	ssyncadd.s32 $0xFFFFFF80  }
0x29: {  	_ =	swait.ge [sflag:s23], $0x80  }
0x2a: {  	[sflag:s23] =	ssyncset.done $0x0  }
0x2b: {  	[sflag:s23] =	ssyncadd.s32 $0xFFFFFF80  }
0x2c: {  	[tilespmem:s24], [sflag:$0x2] =	stream.indirect.gather [hbm4b:s4+s19], $0x80, s20, s19, $0xb8;
	[tilespmem:$0x1C200] =	vst v63  }
0x2d: {  	_ =	swait.ge [sflag:s25], $0x4000  }
0x2e: {  	[sflag:s25] =	ssyncset.done $0x0  }
0x2f: {  	[sflag:s25] =	ssyncadd.s32 $0xFFFFC000  }
0x30: {  	[spmem:s1] =	stream.indirect.scatter.add.f32 [tilespmem:s22], [sflag:$0x4], $0x80, s19, s19, $0xb8;
	[tilespmem:$0x1C200] =	vst v63  }
0x31: {  	_ =	swait.ge [sflag:s18], $0x4000  }
0x32: {  	s7 =	sshrl.u32 s17, $0x3;
	[sflag:s18] =	ssyncset.done $0x0  }
0x33: {  	s3 =	sadd.s32 s5, s7;
	[sflag:s18] =	ssyncadd.s32 $0xFFFFC000  }
0x34: {  	[tilespmem:s2], [sflag:$0x3] =	stream.linear.gather [hbm4b:s3+s2], $0x80, $0x38;
	[tilespmem:$0x1C200] =	vst v63  }
0x35: {  	s0 =	sadd.s32 s6, s7  }
0x36: {  	[tilespmem:s19], [sflag:$0x3] =	stream.linear.gather [hbm4b:s0+s2], $0x80, $0x38;
	[tilespmem:$0x1C200] =	vst v63  }
0x37: {  	_ =	swait.ge [sflag:s23], $0x80  }
0x38: {  	[sflag:s23] =	ssyncset.done $0x0  }
0x39: {  	[sflag:s23] =	ssyncadd.s32 $0xFFFFFF80  }
0x3a: {  	_ =	swait.ge [sflag:s23], $0x80  }
0x3b: {  	[sflag:s23] =	ssyncset.done $0x0  }
0x3c: {  	[sflag:s23] =	ssyncadd.s32 $0xFFFFFF80  }
0x3d: {  	[tilespmem:s22], [sflag:$0x1] =	stream.indirect.gather [hbm4b:s4+s19], $0x80, s2, s19, $0xb8;
	[tilespmem:$0x1C200] =	vst v63  }
0x3e: {  	_ =	swait.ge [sflag:s26], $0x4000  }
0x3f: {  	[sflag:s26] =	ssyncset.done $0x0  }
0x40: {  	[sflag:s26] =	ssyncadd.s32 $0xFFFFC000  }
0x41: {  	[spmem:s1] =	stream.indirect.scatter.add.f32 [tilespmem:s24], [sflag:$0x4], $0x80, s21, s19, $0xb8;
	[tilespmem:$0x1C200] =	vst v63  }
0x42: {  	_ =	swait.ge [sflag:s18], $0x4000  }
0x43: {  	s31 =	simm.s32 $0x20;
	s8 =	sadd.s32 $0x0, s16;
	[sflag:s18] =	ssyncset.done $0x0  }
0x44: {  	s3 =	sadd.s32 $0x0, s15;
	s0 =	sadd.s32 $0x100, s17;
	[sflag:s18] =	ssyncadd.s32 $0xFFFFC000  }
0x45: {  	[tilespmem:s20], [sflag:$0x3] =	stream.linear.gather [hbm4b:s8+s2], $0x80, $0x38;
	[tilespmem:$0x1C200] =	vst v63  }
.LBB2_2:
0x46: {  	[tilespmem:s21], [sflag:$0x3] =	stream.linear.gather [hbm4b:s3+s2], $0x80, $0x38;
	[tilespmem:$0x1C200] =	vst v63  }
0x47: {  	s3 =	smov.u32 s31  }
0x48: {  	p0 =	sne.s32 s31, $0x4E0;
	s31 =	sadd.s32 $0x20, s31;
	_ =	swait.ge [sflag:s23], $0x80  }
0x49: {  	[sflag:s23] =	ssyncset.done $0x0  }
0x4a: {  	[sflag:s23] =	ssyncadd.s32 $0xFFFFFF80  }
0x4b: {  	_ =	swait.ge [sflag:s23], $0x80  }
0x4c: {  	[sflag:s23] =	ssyncset.done $0x0  }
0x4d: {  	[sflag:s23] =	ssyncadd.s32 $0xFFFFFF80  }
0x4e: {  	[tilespmem:s24], [sflag:$0x2] =	stream.indirect.gather [hbm4b:s4+s19], $0x80, s20, s19, $0xb8;
	[tilespmem:$0x1C200] =	vst v63  }
0x4f: {  	_ =	swait.ge [sflag:s25], $0x4000  }
0x50: {  	[sflag:s25] =	ssyncset.done $0x0  }
0x51: {  	[sflag:s25] =	ssyncadd.s32 $0xFFFFC000  }
0x52: {  	[spmem:s1] =	stream.indirect.scatter.add.f32 [tilespmem:s22], [sflag:$0x4], $0x80, s19, s19, $0xb8;
	[tilespmem:$0x1C200] =	vst v63  }
0x53: {  	_ =	swait.ge [sflag:s18], $0x4000  }
0x54: {  	s7 =	sshrl.u32 s0, $0x3;
	[sflag:s18] =	ssyncset.done $0x0  }
0x55: {  	s8 =	sadd.s32 s5, s7;
	[sflag:s18] =	ssyncadd.s32 $0xFFFFC000  }
0x56: {  	[tilespmem:s2], [sflag:$0x3] =	stream.linear.gather [hbm4b:s8+s2], $0x80, $0x38;
	[tilespmem:$0x1C200] =	vst v63  }
0x57: {  	s7 =	sadd.s32 s6, s7  }
0x58: {  	[tilespmem:s19], [sflag:$0x3] =	stream.linear.gather [hbm4b:s7+s2], $0x80, $0x38;
	[tilespmem:$0x1C200] =	vst v63  }
0x59: {  	_ =	swait.ge [sflag:s23], $0x80  }
0x5a: {  	[sflag:s23] =	ssyncset.done $0x0  }
0x5b: {  	[sflag:s23] =	ssyncadd.s32 $0xFFFFFF80  }
0x5c: {  	_ =	swait.ge [sflag:s23], $0x80  }
0x5d: {  	[sflag:s23] =	ssyncset.done $0x0  }
0x5e: {  	[sflag:s23] =	ssyncadd.s32 $0xFFFFFF80  }
0x5f: {  	[tilespmem:s22], [sflag:$0x1] =	stream.indirect.gather [hbm4b:s4+s19], $0x80, s2, s19, $0xb8;
	[tilespmem:$0x1C200] =	vst v63  }
0x60: {  	_ =	swait.ge [sflag:s26], $0x4000  }
0x61: {  	[sflag:s26] =	ssyncset.done $0x0  }
0x62: {  	[sflag:s26] =	ssyncadd.s32 $0xFFFFC000  }
0x63: {  	[spmem:s1] =	stream.indirect.scatter.add.f32 [tilespmem:s24], [sflag:$0x4], $0x80, s21, s19, $0xb8;
	[tilespmem:$0x1C200] =	vst v63  }
.Ltmp0:
0x64: {  	_ =	swait.ge [sflag:s18], $0x4000;
	(pc) =	sbr.rel @p0 .LBB2_2-.Ltmp0, $4  }
0x65: {  	[sflag:s18] =	ssyncset.done $0x0  }
0x66: {  	s7 =	sadd.s32 s3, s16;
	[sflag:s18] =	ssyncadd.s32 $0xFFFFC000  }
0x67: {  	[tilespmem:s20], [sflag:$0x3] =	stream.linear.gather [hbm4b:s7+s2], $0x80, $0x38;
	[tilespmem:$0x1C200] =	vst v63  }
0x68: {  	s0 =	sadd.s32 $0x100, s0;
	s3 =	sadd.s32 s3, s15  }
0x69: {  	[tilespmem:s21], [sflag:$0x3] =	stream.linear.gather [hbm4b:s3+s2], $0x80, $0x38;
	[tilespmem:$0x1C200] =	vst v63  }
0x6a: {  	_ =	swait.ge [sflag:s25], $0x4000  }
0x6b: {  	[sflag:s25] =	ssyncset.done $0x0  }
0x6c: {  	[sflag:s25] =	ssyncadd.s32 $0xFFFFC000  }
0x6d: {  	_ =	swait.ge [sflag:s23], $0x80  }
0x6e: {  	[sflag:s23] =	ssyncset.done $0x0  }
0x6f: {  	[sflag:s23] =	ssyncadd.s32 $0xFFFFFF80  }
0x70: {  	_ =	swait.ge [sflag:s23], $0x80  }
0x71: {  	s28 =	sadd.s32 $0x1, s28;
	[sflag:s23] =	ssyncset.done $0x0  }
0x72: {  	p0 =	sne.s32 s28, s13;
	[sflag:s23] =	ssyncadd.s32 $0xFFFFFF80  }
.Ltmp1:
0x73: {  	[bflag:$0x0] =	sbarrier.arrive $0xFFFF;
	(pc) =	sbr.rel @p0 .LBB2_1-.Ltmp1, $4  }
0x74: {  	[hbm:s14], [sflag:s29] =	dma.local [spmem:s30], $0x2800  }
0x75: {  	_ =	swait.ge [sflag:s18], $0x2800  }
0x76: {  	[sflag:s18] =	ssyncset.done $0x0  }
0x77: {  	[sflag:s18] =	ssyncadd.s32 $0xFFFFD800  }
0x78: {  	_ =	sfence.sel $0x180000  }
0x79: {  	[bflag:$0x0] =	sbarrier.arrive $0xFFFF  }
0x7a: {  	_ =	strace $0x90000053  }
0x7b: {  	s0 =	stileid.u32;
	[bflag:$0x2] =	sbarrier.arrive $0xFFFF  }
0x7c: {  	p0 =	sne.s32 s0, $0x0;
	s0 =	rddreg [dreg:$0x2]  }
0x7d: {  	s0 =	sadd.s32 @!p0 $0x100000, s0  }
0x7e: {  	[sflag:s0] =	ssyncadd.tile.s32 @!p0 $0x1;
	_ =	shalt  }
.Lfunc_end2:
_tile_overlayer_lowered:
.L_overlay_start_2:
0x7f: {  	(tag) =	ssettag $0x2  }
0x80: {  	s0 =	rddreg [dreg:$0x0];
	s2 =	stileid.u32  }
0x81: {  	s1 =	rddreg [dreg:$0x1];
	p0 =	sne.s32 s2, $0x0  }
0x82: {  	s3 =	rddreg [dreg:$0x2];
	[bflag:$0x3] =	sbarrier.arrive $0xFFFF;
	s2 =	simm.s32 @!p0 $0x1C04  }
0x83: {  	[timem:s3], [sflag:s2] =	dma.local @!p0 [hbm:s0], s1  }
0x84: {  	s0 =	simm.s32 @!p0 $0x4  }
0x85: {  	_ =	swait.ge @!p0 [sflag:s0], s1  }
0x86: {  	s1 =	ssub.s32 @!p0 $0x0, s1;
	[sflag:s0] =	ssyncset.done @!p0 $0x0  }
0x87: {  	[sflag:s0] =	ssyncadd.s32 @!p0 s1  }
0x88: {  	[bflag:$0x3] =	sbarrier.arrive $0xFFFF  }
0x89: {  	_ =	shalt  }

</sc_bundles>
